<compile_context>
chip_gen: v7x
topology: tpu7x:2x2x1
jax: 0.10.2.dev20260603
libtpu: 0.0.44.dev20260713+nightly
codegen_flags: <defaults>
</compile_context>

<pallas_src>
import functools

import jax
import jax.numpy as jnp
from jax import lax
from jax.experimental import pallas as pl
from jax.experimental.pallas import tpu as pltpu
from jax.experimental.pallas import tpu_sc as plsc

N_NODES = 10000
D = 128
NUM_CORES = 2
NUM_SUBCORES = 16
NW = NUM_CORES * NUM_SUBCORES
CH = 128
GC = 20
ROWS_PER_TILE = 640
N_ACC = NUM_SUBCORES * ROWS_PER_TILE


def _sc_aggregate(groups_per_worker, n_groups):
    mesh = plsc.VectorSubcoreMesh(core_axis_name="c", subcore_axis_name="s")

    @functools.partial(
        pl.kernel,
        mesh=mesh,
        out_type=jax.ShapeDtypeStruct((NUM_CORES * N_ACC, D), jnp.float32),
        scratch_types=[
            pltpu.VMEM((GC, CH), jnp.int32),
            pltpu.VMEM((GC, CH), jnp.int32),
            pltpu.VMEM((GC, CH), jnp.int32),
            pltpu.VMEM((GC, CH), jnp.int32),
            pltpu.VMEM((CH, D), jnp.float32),
            pltpu.VMEM((CH, D), jnp.float32),
            pltpu.VMEM_SHARED((N_ACC, D), jnp.float32),
            pltpu.SemaphoreType.DMA,
            pltpu.SemaphoreType.DMA,
            pltpu.SemaphoreType.DMA,
            pltpu.SemaphoreType.DMA,
        ],
    )
    def agg(x_hbm, src_hbm, dst_hbm, out_hbm, src_a, dst_a, src_b, dst_b,
            rows_a, rows_b, acc_sh, sem_a, sem_b, isem_a, isem_b):
        c = lax.axis_index("c")
        s = lax.axis_index("s")
        wid = c * NUM_SUBCORES + s
        base_group = wid * groups_per_worker

        def load_group(g, srcv, dstv, isem):
            gi = jnp.minimum(base_group + g, n_groups - 1)
            pltpu.async_copy(src_hbm.at[gi], srcv, isem)
            pltpu.async_copy(dst_hbm.at[gi], dstv, isem)

        load_group(0, src_a, dst_a, isem_a)

        z = jnp.zeros((16,), jnp.float32)

        def zrow(i, carry):
            for j in range(D // 16):
                rows_a[i, pl.ds(j * 16, 16)] = z
            return carry

        lax.fori_loop(0, CH, zrow, 0)
        for k in range(ROWS_PER_TILE // CH):
            pltpu.sync_copy(
                rows_a, acc_sh.at[pl.ds(s * ROWS_PER_TILE + k * CH, CH)])
        plsc.subcore_barrier()

        def wait_idx(srcv, dstv, isem):
            pltpu.make_async_copy(src_hbm.at[0], srcv, isem).wait()
            pltpu.make_async_copy(src_hbm.at[0], dstv, isem).wait()

        def wait_rows(buf, sem):
            pltpu.make_async_copy(x_hbm.at[pl.ds(0, CH)], buf, sem).wait()

        def run_group(g, srcv, dstv):
            @pl.when(base_group + g < n_groups)
            def _():
                pltpu.async_copy(x_hbm.at[srcv.at[0]], rows_a, sem_a)
                for j in range(GC // 2):
                    pltpu.async_copy(x_hbm.at[srcv.at[2 * j + 1]], rows_b,
                                     sem_b)
                    wait_rows(rows_a, sem_a)
                    pltpu.sync_copy(rows_a, acc_sh.at[dstv.at[2 * j]],
                                    add=True)
                    if j < GC // 2 - 1:
                        pltpu.async_copy(x_hbm.at[srcv.at[2 * j + 2]],
                                         rows_a, sem_a)
                    wait_rows(rows_b, sem_b)
                    pltpu.sync_copy(rows_b, acc_sh.at[dstv.at[2 * j + 1]],
                                    add=True)

        def outer(k, carry):
            g0 = 2 * k
            load_group(g0 + 1, src_b, dst_b, isem_b)
            wait_idx(src_a, dst_a, isem_a)
            run_group(g0, src_a, dst_a)

            @pl.when(g0 + 2 < groups_per_worker)
            def _():
                load_group(g0 + 2, src_a, dst_a, isem_a)
            wait_idx(src_b, dst_b, isem_b)
            run_group(g0 + 1, src_b, dst_b)
            return carry

        lax.fori_loop(0, groups_per_worker // 2, outer, 0)
        if groups_per_worker % 2:
            wait_idx(src_a, dst_a, isem_a)
            run_group(groups_per_worker - 1, src_a, dst_a)

        plsc.subcore_barrier()
        pltpu.sync_copy(
            acc_sh.at[pl.ds(s * ROWS_PER_TILE, ROWS_PER_TILE)],
            out_hbm.at[pl.ds(c * N_ACC + s * ROWS_PER_TILE, ROWS_PER_TILE)])

    return agg


def _mm_body(p0_ref, p1_ref, w_ref, b_ref, o_ref):
    agg = p0_ref[0] + p1_ref[0]
    o_ref[...] = jnp.dot(agg, w_ref[...],
                         preferred_element_type=jnp.float32) + b_ref[...]


def kernel(x, edge_index, weight, bias):
    n, d = x.shape
    e = edge_index.shape[1]
    src = edge_index[0]
    dst = edge_index[1]

    eg = GC * CH
    n_groups = -(-e // eg)
    pad = n_groups * eg - e
    if pad:
        r = jnp.arange(pad, dtype=jnp.int32)
        src = jnp.concatenate([src, r % n])
        dst = jnp.concatenate([dst, n + r % (N_ACC - n)])
    groups_per_worker = -(-n_groups // NW)

    src3 = src.reshape(n_groups, GC, CH)
    dst3 = dst.reshape(n_groups, GC, CH)
    partials = _sc_aggregate(groups_per_worker, n_groups)(x, src3, dst3)
    partials = partials.reshape(NUM_CORES, N_ACC, D)

    bm = 2000
    out = pl.pallas_call(
        _mm_body,
        grid=(n // bm,),
        in_specs=[
            pl.BlockSpec((1, bm, D), lambda i: (0, i, 0)),
            pl.BlockSpec((1, bm, D), lambda i: (1, i, 0)),
            pl.BlockSpec((D, D), lambda i: (0, 0)),
            pl.BlockSpec((1, D), lambda i: (0, 0)),
        ],
        out_specs=pl.BlockSpec((bm, D), lambda i: (i, 0)),
        out_shape=jax.ShapeDtypeStruct((n, D), jnp.float32),
    )(partials, partials, weight, bias.reshape(1, D))
    return out

# --- scband reference (transcript-rebuilt; emitter-appended) ---
"""Pipeline reference for scband-graph-convolution-10642928959666 (READ-ONLY COPY).

The authoritative reference and input builder live on the scoring server;
editing this copy changes nothing except your own understanding.
"""

import jax, jax.numpy as jnp
import numpy as np

N = 10000
E = 320000
D_IN = 128
D_OUT = 128


def setup_inputs(seed: int = 0) -> dict:
    key = jax.random.key(seed)
    k1, k2, k3, k4 = jax.random.split(key, 4)
    x = jax.random.normal(k1, (N, D_IN), dtype=jnp.float32)
    edge_index = jax.random.randint(k2, (2, E), 0, N, dtype=jnp.int32)
    # xavier_normal_ with gain=1.414 on weight [D_IN, D_OUT]
    std_w = 1.414 * np.sqrt(2.0 / (D_IN + D_OUT))
    weight = std_w * jax.random.normal(k3, (D_IN, D_OUT), dtype=jnp.float32)
    # xavier_normal_ on bias viewed as [1, D_OUT], then flattened
    std_b = np.sqrt(2.0 / (1 + D_OUT))
    bias = std_b * jax.random.normal(k4, (D_OUT,), dtype=jnp.float32)
    return {"x": x, "edge_index": edge_index, "weight": weight, "bias": bias}


def reference(x, edge_index, weight, bias):
    # GraphConvolution forward (distributed-comm / context bookkeeping stripped):
    #   aggregate = A @ X  (sparse adjacency spmm, here via gather + scatter-add)
    #   output    = aggregate @ W + b
    src = edge_index[0]
    dst = edge_index[1]
    gathered = jnp.take(x, src, axis=0)                      # gather  [E, D_IN]
    aggregate = jax.ops.segment_sum(gathered, dst, num_segments=N)  # scatter-add [N, D_IN]
    output = jnp.dot(aggregate, weight) + bias[None, :]
    return output

if __name__ == "__main__":
    import jax
    _d = setup_inputs()
    print(jax.jit(kernel)(*tuple(_d.values())))

</pallas_src>

<mosaic_0001>
#map = affine_map<(d0, d1) -> (0, 0)>
#map1 = affine_map<(d0, d1) -> (0, 0, 0)>
module attributes {stable_mosaic.version = 14 : i64} {
  func.func @agg(%arg0: i32, %arg1: i32, %arg2: memref<10000x128xf32, #tpu.memory_space<hbm>>, %arg3: memref<125x20x128xi32, #tpu.memory_space<hbm>>, %arg4: memref<125x20x128xi32, #tpu.memory_space<hbm>>, %arg5: memref<20480x128xf32, #tpu.memory_space<hbm>>, %arg6: memref<20x128xi32, #tpu.memory_space<vmem>>, %arg7: memref<20x128xi32, #tpu.memory_space<vmem>>, %arg8: memref<20x128xi32, #tpu.memory_space<vmem>>, %arg9: memref<20x128xi32, #tpu.memory_space<vmem>>, %arg10: memref<128x128xf32, #tpu.memory_space<vmem>>, %arg11: memref<128x128xf32, #tpu.memory_space<vmem>>, %arg12: memref<10240x128xf32, #tpu.memory_space<vmem_shared>>, %arg13: memref<!tpu.dma_semaphore, #tpu.memory_space<semaphore_mem>>, %arg14: memref<!tpu.dma_semaphore, #tpu.memory_space<semaphore_mem>>, %arg15: memref<!tpu.dma_semaphore, #tpu.memory_space<semaphore_mem>>, %arg16: memref<!tpu.dma_semaphore, #tpu.memory_space<semaphore_mem>>) attributes {dimension_semantics = [#tpu.dimension_semantics<core_parallel>, #tpu.dimension_semantics<subcore_parallel>], iteration_bounds = array<i64: 2, 16>, scalar_prefetch = 0 : i64, scratch_operands = 11 : i64, tpu.core_type = #tpu.core_type<sc_vector_subcore>, window_params = [{transform_indices = #map}, {transform_indices = #map1}, {transform_indices = #map1}, {transform_indices = #map}]} {
    %mul3A = arith.constant 16 : i32
    %mul3A_0 = arith.muli %arg0, %mul3A : i32
    %add3A = arith.addi %mul3A_0, %arg1 : i32
    %mul3A_1 = arith.constant 4 : i32
    %mul3A_2 = arith.muli %add3A, %mul3A_1 : i32
    %add3A_3 = arith.constant 0 : i32
    %add3A_4 = arith.addi %mul3A_2, %add3A_3 : i32
    %min3A = arith.constant 124 : i32
    %min3A_5 = arith.minsi %add3A_4, %min3A : i32
    %dma_start3A = arith.constant 0 : i32
    %dma_start3A_6 = arith.constant 0 : i32
    %dma_start3A_7 = tpu.memref_slice %arg3[%min3A_5, %dma_start3A, %dma_start3A_6] : memref<125x20x128xi32, #tpu.memory_space<hbm>> -> memref<1x20x128xi32, #tpu.memory_space<hbm>>
    %dma_start3A_8 = tpu.memref_squeeze %dma_start3A_7 : memref<1x20x128xi32, #tpu.memory_space<hbm>> -> memref<20x128xi32, #tpu.memory_space<hbm>>
    %dma_start3A_9 = arith.constant 0 : i32
    %dma_start3A_10 = arith.constant 0 : i32
    %dma_start3A_11 = tpu.memref_slice %arg3[%min3A_5, %dma_start3A_9, %dma_start3A_10] : memref<125x20x128xi32, #tpu.memory_space<hbm>> -> memref<1x20x128xi32, #tpu.memory_space<hbm>>
    %dma_start3A_12 = tpu.memref_squeeze %dma_start3A_11 : memref<1x20x128xi32, #tpu.memory_space<hbm>> -> memref<20x128xi32, #tpu.memory_space<hbm>>
    tpu.enqueue_dma source(%dma_start3A_12 : memref<20x128xi32, #tpu.memory_space<hbm>>) target(%arg6 : memref<20x128xi32, #tpu.memory_space<vmem>>) target_semaphore(%arg15 : memref<!tpu.dma_semaphore, #tpu.memory_space<semaphore_mem>>)
    %dma_start3A_13 = arith.constant 0 : i32
    %dma_start3A_14 = arith.constant 0 : i32
    %dma_start3A_15 = tpu.memref_slice %arg4[%min3A_5, %dma_start3A_13, %dma_start3A_14] : memref<125x20x128xi32, #tpu.memory_space<hbm>> -> memref<1x20x128xi32, #tpu.memory_space<hbm>>
    %dma_start3A_16 = tpu.memref_squeeze %dma_start3A_15 : memref<1x20x128xi32, #tpu.memory_space<hbm>> -> memref<20x128xi32, #tpu.memory_space<hbm>>
    %dma_start3A_17 = arith.constant 0 : i32
    %dma_start3A_18 = arith.constant 0 : i32
    %dma_start3A_19 = tpu.memref_slice %arg4[%min3A_5, %dma_start3A_17, %dma_start3A_18] : memref<125x20x128xi32, #tpu.memory_space<hbm>> -> memref<1x20x128xi32, #tpu.memory_space<hbm>>
    %dma_start3A_20 = tpu.memref_squeeze %dma_start3A_19 : memref<1x20x128xi32, #tpu.memory_space<hbm>> -> memref<20x128xi32, #tpu.memory_space<hbm>>
    tpu.enqueue_dma source(%dma_start3A_20 : memref<20x128xi32, #tpu.memory_space<hbm>>) target(%arg7 : memref<20x128xi32, #tpu.memory_space<vmem>>) target_semaphore(%arg15 : memref<!tpu.dma_semaphore, #tpu.memory_space<semaphore_mem>>)
    %broadcast_in_dim3A = arith.constant 0.000000e+00 : f32
    %broadcast_in_dim3A_21 = vector.broadcast %broadcast_in_dim3A : f32 to vector<16xf32>
    %scan3A = arith.constant 0 : i32
    %scan3A_22 = arith.constant 0 : i32
    %scan3A_23 = arith.constant 128 : i32
    %scan3A_24 = arith.addi %scan3A_22, %scan3A_23 : i32
    %scan3A_25 = arith.constant 1 : i32
    scf.for %scan3A_61 = %scan3A_22 to %scan3A_24 step %scan3A_25  : i32 {
      %swap3A = arith.index_cast %scan3A_61 : i32 to index
      %swap3A_62 = arith.constant 0 : index
      %swap3A_63 = tpu.vector_load %arg10[%swap3A, %swap3A_62] {strides = array<i32>} : memref<128x128xf32, #tpu.memory_space<vmem>>, vector<1x16xf32>,
      %swap3A_64 = vector.shape_cast %swap3A_63 : vector<1x16xf32> to vector<16xf32>
      %swap3A_65 = vector.shape_cast %broadcast_in_dim3A_21 : vector<16xf32> to vector<1x16xf32>
      tpu.vector_store %arg10[%swap3A, %swap3A_62], %swap3A_65 {strides = array<i32>} : memref<128x128xf32, #tpu.memory_space<vmem>>, vector<1x16xf32>,
      %swap3A_66 = arith.index_cast %scan3A_61 : i32 to index
      %swap3A_67 = arith.constant 16 : index
      %swap3A_68 = tpu.vector_load %arg10[%swap3A_66, %swap3A_67] {strides = array<i32>} : memref<128x128xf32, #tpu.memory_space<vmem>>, vector<1x16xf32>,
      %swap3A_69 = vector.shape_cast %swap3A_68 : vector<1x16xf32> to vector<16xf32>
      %swap3A_70 = vector.shape_cast %broadcast_in_dim3A_21 : vector<16xf32> to vector<1x16xf32>
      tpu.vector_store %arg10[%swap3A_66, %swap3A_67], %swap3A_70 {strides = array<i32>} : memref<128x128xf32, #tpu.memory_space<vmem>>, vector<1x16xf32>,
      %swap3A_71 = arith.index_cast %scan3A_61 : i32 to index
      %swap3A_72 = arith.constant 32 : index
      %swap3A_73 = tpu.vector_load %arg10[%swap3A_71, %swap3A_72] {strides = array<i32>} : memref<128x128xf32, #tpu.memory_space<vmem>>, vector<1x16xf32>,
      %swap3A_74 = vector.shape_cast %swap3A_73 : vector<1x16xf32> to vector<16xf32>
      %swap3A_75 = vector.shape_cast %broadcast_in_dim3A_21 : vector<16xf32> to vector<1x16xf32>
      tpu.vector_store %arg10[%swap3A_71, %swap3A_72], %swap3A_75 {strides = array<i32>} : memref<128x128xf32, #tpu.memory_space<vmem>>, vector<1x16xf32>,
      %swap3A_76 = arith.index_cast %scan3A_61 : i32 to index
      %swap3A_77 = arith.constant 48 : index
      %swap3A_78 = tpu.vector_load %arg10[%swap3A_76, %swap3A_77] {strides = array<i32>} : memref<128x128xf32, #tpu.memory_space<vmem>>, vector<1x16xf32>,
      %swap3A_79 = vector.shape_cast %swap3A_78 : vector<1x16xf32> to vector<16xf32>
      %swap3A_80 = vector.shape_cast %broadcast_in_dim3A_21 : vector<16xf32> to vector<1x16xf32>
      tpu.vector_store %arg10[%swap3A_76, %swap3A_77], %swap3A_80 {strides = array<i32>} : memref<128x128xf32, #tpu.memory_space<vmem>>, vector<1x16xf32>,
      %swap3A_81 = arith.index_cast %scan3A_61 : i32 to index
      %swap3A_82 = arith.constant 64 : index
      %swap3A_83 = tpu.vector_load %arg10[%swap3A_81, %swap3A_82] {strides = array<i32>} : memref<128x128xf32, #tpu.memory_space<vmem>>, vector<1x16xf32>,
      %swap3A_84 = vector.shape_cast %swap3A_83 : vector<1x16xf32> to vector<16xf32>
      %swap3A_85 = vector.shape_cast %broadcast_in_dim3A_21 : vector<16xf32> to vector<1x16xf32>
      tpu.vector_store %arg10[%swap3A_81, %swap3A_82], %swap3A_85 {strides = array<i32>} : memref<128x128xf32, #tpu.memory_space<vmem>>, vector<1x16xf32>,
      %swap3A_86 = arith.index_cast %scan3A_61 : i32 to index
      %swap3A_87 = arith.constant 80 : index
      %swap3A_88 = tpu.vector_load %arg10[%swap3A_86, %swap3A_87] {strides = array<i32>} : memref<128x128xf32, #tpu.memory_space<vmem>>, vector<1x16xf32>,
      %swap3A_89 = vector.shape_cast %swap3A_88 : vector<1x16xf32> to vector<16xf32>
      %swap3A_90 = vector.shape_cast %broadcast_in_dim3A_21 : vector<16xf32> to vector<1x16xf32>
      tpu.vector_store %arg10[%swap3A_86, %swap3A_87], %swap3A_90 {strides = array<i32>} : memref<128x128xf32, #tpu.memory_space<vmem>>, vector<1x16xf32>,
      %swap3A_91 = arith.index_cast %scan3A_61 : i32 to index
      %swap3A_92 = arith.constant 96 : index
      %swap3A_93 = tpu.vector_load %arg10[%swap3A_91, %swap3A_92] {strides = array<i32>} : memref<128x128xf32, #tpu.memory_space<vmem>>, vector<1x16xf32>,
      %swap3A_94 = vector.shape_cast %swap3A_93 : vector<1x16xf32> to vector<16xf32>
      %swap3A_95 = vector.shape_cast %broadcast_in_dim3A_21 : vector<16xf32> to vector<1x16xf32>
      tpu.vector_store %arg10[%swap3A_91, %swap3A_92], %swap3A_95 {strides = array<i32>} : memref<128x128xf32, #tpu.memory_space<vmem>>, vector<1x16xf32>,
      %swap3A_96 = arith.index_cast %scan3A_61 : i32 to index
      %swap3A_97 = arith.constant 112 : index
      %swap3A_98 = tpu.vector_load %arg10[%swap3A_96, %swap3A_97] {strides = array<i32>} : memref<128x128xf32, #tpu.memory_space<vmem>>, vector<1x16xf32>,
      %swap3A_99 = vector.shape_cast %swap3A_98 : vector<1x16xf32> to vector<16xf32>
      %swap3A_100 = vector.shape_cast %broadcast_in_dim3A_21 : vector<16xf32> to vector<1x16xf32>
      tpu.vector_store %arg10[%swap3A_96, %swap3A_97], %swap3A_100 {strides = array<i32>} : memref<128x128xf32, #tpu.memory_space<vmem>>, vector<1x16xf32>,
    }
    %scan3A_26 = arith.constant 128 : i32
    %mul3A_27 = arith.constant 640 : i32
    %mul3A_28 = arith.muli %arg1, %mul3A_27 : i32
    %add3A_29 = arith.constant 0 : i32
    %add3A_30 = arith.addi %mul3A_28, %add3A_29 : i32
    "tpu.region"() ({
      %run_scoped3A = tpu.sem_alloc : memref<!tpu.dma_semaphore, #tpu.memory_space<semaphore_mem>>
      %dma_start3A_61 = arith.constant 0 : i32
      %dma_start3A_62 = tpu.memref_slice %arg12[%add3A_30, %dma_start3A_61] : memref<10240x128xf32, #tpu.memory_space<vmem_shared>> -> memref<128x128xf32, #tpu.memory_space<vmem_shared>>
      %dma_start3A_63 = arith.constant 0 : i32
      %dma_start3A_64 = tpu.memref_slice %arg12[%add3A_30, %dma_start3A_63] : memref<10240x128xf32, #tpu.memory_space<vmem_shared>> -> memref<128x128xf32, #tpu.memory_space<vmem_shared>>
      tpu.enqueue_dma source(%arg10 : memref<128x128xf32, #tpu.memory_space<vmem>>) target(%dma_start3A_64 : memref<128x128xf32, #tpu.memory_space<vmem_shared>>) target_semaphore(%run_scoped3A : memref<!tpu.dma_semaphore, #tpu.memory_space<semaphore_mem>>)
      %dma_wait3A = arith.constant 0 : i32
      %dma_wait3A_65 = tpu.memref_slice %arg12[%add3A_30, %dma_wait3A] : memref<10240x128xf32, #tpu.memory_space<vmem_shared>> -> memref<128x128xf32, #tpu.memory_space<vmem_shared>>
      %dma_wait3A_66 = arith.constant 0 : i32
      %dma_wait3A_67 = tpu.memref_slice %arg12[%add3A_30, %dma_wait3A_66] : memref<10240x128xf32, #tpu.memory_space<vmem_shared>> -> memref<128x128xf32, #tpu.memory_space<vmem_shared>>
      tpu.wait_dma2 semaphore(%run_scoped3A : memref<!tpu.dma_semaphore, #tpu.memory_space<semaphore_mem>>) src(%arg10 : memref<128x128xf32, #tpu.memory_space<vmem>>) dst(%dma_wait3A_67 : memref<128x128xf32, #tpu.memory_space<vmem_shared>>)
      tpu.yield
    }) : () -> ()
    %mul3A_31 = arith.constant 640 : i32
    %mul3A_32 = arith.muli %arg1, %mul3A_31 : i32
    %add3A_33 = arith.constant 128 : i32
    %add3A_34 = arith.addi %mul3A_32, %add3A_33 : i32
    "tpu.region"() ({
      %run_scoped3A = tpu.sem_alloc : memref<!tpu.dma_semaphore, #tpu.memory_space<semaphore_mem>>
      %dma_start3A_61 = arith.constant 0 : i32
      %dma_start3A_62 = tpu.memref_slice %arg12[%add3A_34, %dma_start3A_61] : memref<10240x128xf32, #tpu.memory_space<vmem_shared>> -> memref<128x128xf32, #tpu.memory_space<vmem_shared>>
      %dma_start3A_63 = arith.constant 0 : i32
      %dma_start3A_64 = tpu.memref_slice %arg12[%add3A_34, %dma_start3A_63] : memref<10240x128xf32, #tpu.memory_space<vmem_shared>> -> memref<128x128xf32, #tpu.memory_space<vmem_shared>>
      tpu.enqueue_dma source(%arg10 : memref<128x128xf32, #tpu.memory_space<vmem>>) target(%dma_start3A_64 : memref<128x128xf32, #tpu.memory_space<vmem_shared>>) target_semaphore(%run_scoped3A : memref<!tpu.dma_semaphore, #tpu.memory_space<semaphore_mem>>)
      %dma_wait3A = arith.constant 0 : i32
      %dma_wait3A_65 = tpu.memref_slice %arg12[%add3A_34, %dma_wait3A] : memref<10240x128xf32, #tpu.memory_space<vmem_shared>> -> memref<128x128xf32, #tpu.memory_space<vmem_shared>>
      %dma_wait3A_66 = arith.constant 0 : i32
      %dma_wait3A_67 = tpu.memref_slice %arg12[%add3A_34, %dma_wait3A_66] : memref<10240x128xf32, #tpu.memory_space<vmem_shared>> -> memref<128x128xf32, #tpu.memory_space<vmem_shared>>
      tpu.wait_dma2 semaphore(%run_scoped3A : memref<!tpu.dma_semaphore, #tpu.memory_space<semaphore_mem>>) src(%arg10 : memref<128x128xf32, #tpu.memory_space<vmem>>) dst(%dma_wait3A_67 : memref<128x128xf32, #tpu.memory_space<vmem_shared>>)
      tpu.yield
    }) : () -> ()
    %mul3A_35 = arith.constant 640 : i32
    %mul3A_36 = arith.muli %arg1, %mul3A_35 : i32
    %add3A_37 = arith.constant 256 : i32
    %add3A_38 = arith.addi %mul3A_36, %add3A_37 : i32
    "tpu.region"() ({
      %run_scoped3A = tpu.sem_alloc : memref<!tpu.dma_semaphore, #tpu.memory_space<semaphore_mem>>
      %dma_start3A_61 = arith.constant 0 : i32
      %dma_start3A_62 = tpu.memref_slice %arg12[%add3A_38, %dma_start3A_61] : memref<10240x128xf32, #tpu.memory_space<vmem_shared>> -> memref<128x128xf32, #tpu.memory_space<vmem_shared>>
      %dma_start3A_63 = arith.constant 0 : i32
      %dma_start3A_64 = tpu.memref_slice %arg12[%add3A_38, %dma_start3A_63] : memref<10240x128xf32, #tpu.memory_space<vmem_shared>> -> memref<128x128xf32, #tpu.memory_space<vmem_shared>>
      tpu.enqueue_dma source(%arg10 : memref<128x128xf32, #tpu.memory_space<vmem>>) target(%dma_start3A_64 : memref<128x128xf32, #tpu.memory_space<vmem_shared>>) target_semaphore(%run_scoped3A : memref<!tpu.dma_semaphore, #tpu.memory_space<semaphore_mem>>)
      %dma_wait3A = arith.constant 0 : i32
      %dma_wait3A_65 = tpu.memref_slice %arg12[%add3A_38, %dma_wait3A] : memref<10240x128xf32, #tpu.memory_space<vmem_shared>> -> memref<128x128xf32, #tpu.memory_space<vmem_shared>>
      %dma_wait3A_66 = arith.constant 0 : i32
      %dma_wait3A_67 = tpu.memref_slice %arg12[%add3A_38, %dma_wait3A_66] : memref<10240x128xf32, #tpu.memory_space<vmem_shared>> -> memref<128x128xf32, #tpu.memory_space<vmem_shared>>
      tpu.wait_dma2 semaphore(%run_scoped3A : memref<!tpu.dma_semaphore, #tpu.memory_space<semaphore_mem>>) src(%arg10 : memref<128x128xf32, #tpu.memory_space<vmem>>) dst(%dma_wait3A_67 : memref<128x128xf32, #tpu.memory_space<vmem_shared>>)
      tpu.yield
    }) : () -> ()
    %mul3A_39 = arith.constant 640 : i32
    %mul3A_40 = arith.muli %arg1, %mul3A_39 : i32
    %add3A_41 = arith.constant 384 : i32
    %add3A_42 = arith.addi %mul3A_40, %add3A_41 : i32
    "tpu.region"() ({
      %run_scoped3A = tpu.sem_alloc : memref<!tpu.dma_semaphore, #tpu.memory_space<semaphore_mem>>
      %dma_start3A_61 = arith.constant 0 : i32
      %dma_start3A_62 = tpu.memref_slice %arg12[%add3A_42, %dma_start3A_61] : memref<10240x128xf32, #tpu.memory_space<vmem_shared>> -> memref<128x128xf32, #tpu.memory_space<vmem_shared>>
      %dma_start3A_63 = arith.constant 0 : i32
      %dma_start3A_64 = tpu.memref_slice %arg12[%add3A_42, %dma_start3A_63] : memref<10240x128xf32, #tpu.memory_space<vmem_shared>> -> memref<128x128xf32, #tpu.memory_space<vmem_shared>>
      tpu.enqueue_dma source(%arg10 : memref<128x128xf32, #tpu.memory_space<vmem>>) target(%dma_start3A_64 : memref<128x128xf32, #tpu.memory_space<vmem_shared>>) target_semaphore(%run_scoped3A : memref<!tpu.dma_semaphore, #tpu.memory_space<semaphore_mem>>)
      %dma_wait3A = arith.constant 0 : i32
      %dma_wait3A_65 = tpu.memref_slice %arg12[%add3A_42, %dma_wait3A] : memref<10240x128xf32, #tpu.memory_space<vmem_shared>> -> memref<128x128xf32, #tpu.memory_space<vmem_shared>>
      %dma_wait3A_66 = arith.constant 0 : i32
      %dma_wait3A_67 = tpu.memref_slice %arg12[%add3A_42, %dma_wait3A_66] : memref<10240x128xf32, #tpu.memory_space<vmem_shared>> -> memref<128x128xf32, #tpu.memory_space<vmem_shared>>
      tpu.wait_dma2 semaphore(%run_scoped3A : memref<!tpu.dma_semaphore, #tpu.memory_space<semaphore_mem>>) src(%arg10 : memref<128x128xf32, #tpu.memory_space<vmem>>) dst(%dma_wait3A_67 : memref<128x128xf32, #tpu.memory_space<vmem_shared>>)
      tpu.yield
    }) : () -> ()
    %mul3A_43 = arith.constant 640 : i32
    %mul3A_44 = arith.muli %arg1, %mul3A_43 : i32
    %add3A_45 = arith.constant 512 : i32
    %add3A_46 = arith.addi %mul3A_44, %add3A_45 : i32
    "tpu.region"() ({
      %run_scoped3A = tpu.sem_alloc : memref<!tpu.dma_semaphore, #tpu.memory_space<semaphore_mem>>
      %dma_start3A_61 = arith.constant 0 : i32
      %dma_start3A_62 = tpu.memref_slice %arg12[%add3A_46, %dma_start3A_61] : memref<10240x128xf32, #tpu.memory_space<vmem_shared>> -> memref<128x128xf32, #tpu.memory_space<vmem_shared>>
      %dma_start3A_63 = arith.constant 0 : i32
      %dma_start3A_64 = tpu.memref_slice %arg12[%add3A_46, %dma_start3A_63] : memref<10240x128xf32, #tpu.memory_space<vmem_shared>> -> memref<128x128xf32, #tpu.memory_space<vmem_shared>>
      tpu.enqueue_dma source(%arg10 : memref<128x128xf32, #tpu.memory_space<vmem>>) target(%dma_start3A_64 : memref<128x128xf32, #tpu.memory_space<vmem_shared>>) target_semaphore(%run_scoped3A : memref<!tpu.dma_semaphore, #tpu.memory_space<semaphore_mem>>)
      %dma_wait3A = arith.constant 0 : i32
      %dma_wait3A_65 = tpu.memref_slice %arg12[%add3A_46, %dma_wait3A] : memref<10240x128xf32, #tpu.memory_space<vmem_shared>> -> memref<128x128xf32, #tpu.memory_space<vmem_shared>>
      %dma_wait3A_66 = arith.constant 0 : i32
      %dma_wait3A_67 = tpu.memref_slice %arg12[%add3A_46, %dma_wait3A_66] : memref<10240x128xf32, #tpu.memory_space<vmem_shared>> -> memref<128x128xf32, #tpu.memory_space<vmem_shared>>
      tpu.wait_dma2 semaphore(%run_scoped3A : memref<!tpu.dma_semaphore, #tpu.memory_space<semaphore_mem>>) src(%arg10 : memref<128x128xf32, #tpu.memory_space<vmem>>) dst(%dma_wait3A_67 : memref<128x128xf32, #tpu.memory_space<vmem_shared>>)
      tpu.yield
    }) : () -> ()
    %barrier3A = arith.constant 0 : index
    tpu.barrier barrier_id(%barrier3A)
    %scan3A_47 = arith.constant 0 : i32
    %scan3A_48 = arith.constant 0 : i32
    %scan3A_49 = arith.constant 2 : i32
    %scan3A_50 = arith.addi %scan3A_48, %scan3A_49 : i32
    %scan3A_51 = arith.constant 1 : i32
    scf.for %scan3A_61 = %scan3A_48 to %scan3A_50 step %scan3A_51  : i32 {
      %mul3A_62 = arith.constant 2 : i32
      %mul3A_63 = arith.muli %mul3A_62, %scan3A_61 : i32
      %add3A_64 = arith.constant 1 : i32
      %add3A_65 = arith.addi %mul3A_63, %add3A_64 : i32
      %add3A_66 = arith.addi %mul3A_2, %add3A_65 : i32
      %min3A_67 = arith.constant 124 : i32
      %min3A_68 = arith.minsi %add3A_66, %min3A_67 : i32
      %dma_start3A_69 = arith.constant 0 : i32
      %dma_start3A_70 = arith.constant 0 : i32
      %dma_start3A_71 = tpu.memref_slice %arg3[%min3A_68, %dma_start3A_69, %dma_start3A_70] : memref<125x20x128xi32, #tpu.memory_space<hbm>> -> memref<1x20x128xi32, #tpu.memory_space<hbm>>
      %dma_start3A_72 = tpu.memref_squeeze %dma_start3A_71 : memref<1x20x128xi32, #tpu.memory_space<hbm>> -> memref<20x128xi32, #tpu.memory_space<hbm>>
      %dma_start3A_73 = arith.constant 0 : i32
      %dma_start3A_74 = arith.constant 0 : i32
      %dma_start3A_75 = tpu.memref_slice %arg3[%min3A_68, %dma_start3A_73, %dma_start3A_74] : memref<125x20x128xi32, #tpu.memory_space<hbm>> -> memref<1x20x128xi32, #tpu.memory_space<hbm>>
      %dma_start3A_76 = tpu.memref_squeeze %dma_start3A_75 : memref<1x20x128xi32, #tpu.memory_space<hbm>> -> memref<20x128xi32, #tpu.memory_space<hbm>>
      tpu.enqueue_dma source(%dma_start3A_76 : memref<20x128xi32, #tpu.memory_space<hbm>>) target(%arg8 : memref<20x128xi32, #tpu.memory_space<vmem>>) target_semaphore(%arg16 : memref<!tpu.dma_semaphore, #tpu.memory_space<semaphore_mem>>)
      %dma_start3A_77 = arith.constant 0 : i32
      %dma_start3A_78 = arith.constant 0 : i32
      %dma_start3A_79 = tpu.memref_slice %arg4[%min3A_68, %dma_start3A_77, %dma_start3A_78] : memref<125x20x128xi32, #tpu.memory_space<hbm>> -> memref<1x20x128xi32, #tpu.memory_space<hbm>>
      %dma_start3A_80 = tpu.memref_squeeze %dma_start3A_79 : memref<1x20x128xi32, #tpu.memory_space<hbm>> -> memref<20x128xi32, #tpu.memory_space<hbm>>
      %dma_start3A_81 = arith.constant 0 : i32
      %dma_start3A_82 = arith.constant 0 : i32
      %dma_start3A_83 = tpu.memref_slice %arg4[%min3A_68, %dma_start3A_81, %dma_start3A_82] : memref<125x20x128xi32, #tpu.memory_space<hbm>> -> memref<1x20x128xi32, #tpu.memory_space<hbm>>
      %dma_start3A_84 = tpu.memref_squeeze %dma_start3A_83 : memref<1x20x128xi32, #tpu.memory_space<hbm>> -> memref<20x128xi32, #tpu.memory_space<hbm>>
      tpu.enqueue_dma source(%dma_start3A_84 : memref<20x128xi32, #tpu.memory_space<hbm>>) target(%arg9 : memref<20x128xi32, #tpu.memory_space<vmem>>) target_semaphore(%arg16 : memref<!tpu.dma_semaphore, #tpu.memory_space<semaphore_mem>>)
      %dma_wait3A = arith.constant 0 : i32
      %dma_wait3A_85 = arith.constant 0 : i32
      %dma_wait3A_86 = arith.constant 0 : i32
      %dma_wait3A_87 = tpu.memref_slice %arg3[%dma_wait3A, %dma_wait3A_85, %dma_wait3A_86] : memref<125x20x128xi32, #tpu.memory_space<hbm>> -> memref<1x20x128xi32, #tpu.memory_space<hbm>>
      %dma_wait3A_88 = tpu.memref_squeeze %dma_wait3A_87 : memref<1x20x128xi32, #tpu.memory_space<hbm>> -> memref<20x128xi32, #tpu.memory_space<hbm>>
      %dma_wait3A_89 = arith.constant 0 : i32
      %dma_wait3A_90 = arith.constant 0 : i32
      %dma_wait3A_91 = tpu.memref_slice %arg3[%dma_wait3A, %dma_wait3A_89, %dma_wait3A_90] : memref<125x20x128xi32, #tpu.memory_space<hbm>> -> memref<1x20x128xi32, #tpu.memory_space<hbm>>
      %dma_wait3A_92 = tpu.memref_squeeze %dma_wait3A_91 : memref<1x20x128xi32, #tpu.memory_space<hbm>> -> memref<20x128xi32, #tpu.memory_space<hbm>>
      tpu.wait_dma2 semaphore(%arg15 : memref<!tpu.dma_semaphore, #tpu.memory_space<semaphore_mem>>) src(%dma_wait3A_92 : memref<20x128xi32, #tpu.memory_space<hbm>>) dst(%arg6 : memref<20x128xi32, #tpu.memory_space<vmem>>)
      %dma_wait3A_93 = arith.constant 0 : i32
      %dma_wait3A_94 = arith.constant 0 : i32
      %dma_wait3A_95 = arith.constant 0 : i32
      %dma_wait3A_96 = tpu.memref_slice %arg3[%dma_wait3A_93, %dma_wait3A_94, %dma_wait3A_95] : memref<125x20x128xi32, #tpu.memory_space<hbm>> -> memref<1x20x128xi32, #tpu.memory_space<hbm>>
      %dma_wait3A_97 = tpu.memref_squeeze %dma_wait3A_96 : memref<1x20x128xi32, #tpu.memory_space<hbm>> -> memref<20x128xi32, #tpu.memory_space<hbm>>
      %dma_wait3A_98 = arith.constant 0 : i32
      %dma_wait3A_99 = arith.constant 0 : i32
      %dma_wait3A_100 = tpu.memref_slice %arg3[%dma_wait3A_93, %dma_wait3A_98, %dma_wait3A_99] : memref<125x20x128xi32, #tpu.memory_space<hbm>> -> memref<1x20x128xi32, #tpu.memory_space<hbm>>
      %dma_wait3A_101 = tpu.memref_squeeze %dma_wait3A_100 : memref<1x20x128xi32, #tpu.memory_space<hbm>> -> memref<20x128xi32, #tpu.memory_space<hbm>>
      tpu.wait_dma2 semaphore(%arg15 : memref<!tpu.dma_semaphore, #tpu.memory_space<semaphore_mem>>) src(%dma_wait3A_101 : memref<20x128xi32, #tpu.memory_space<hbm>>) dst(%arg7 : memref<20x128xi32, #tpu.memory_space<vmem>>)
      %add3A_102 = arith.addi %mul3A_2, %mul3A_63 : i32
      %lt3A = arith.constant 125 : i32
      %lt3A_103 = arith.cmpi slt, %add3A_102, %lt3A : i32
      %convert_element_type3A = arith.extui %lt3A_103 : i1 to i32
      %cond3A = arith.constant 0 : i32
      %cond3A_104 = arith.cmpi ne, %convert_element_type3A, %cond3A : i32
      scf.if %cond3A_104 {
        %dma_start3A_138 = arith.constant 0 : i32
        %dma_start3A_139 = arith.constant 0 : i32
        %dma_start3A_140 = tpu.memref_slice %arg6[%dma_start3A_138, %dma_start3A_139] : memref<20x128xi32, #tpu.memory_space<vmem>> -> memref<1x128xi32, #tpu.memory_space<vmem>>
        %dma_start3A_141 = tpu.memref_squeeze %dma_start3A_140 : memref<1x128xi32, #tpu.memory_space<vmem>> -> memref<128xi32, #tpu.memory_space<vmem>>
        %dma_start3A_142 = arith.constant 0 : i32
        %dma_start3A_143 = arith.constant 0 : i32
        %dma_start3A_144 = tpu.memref_slice %arg2[%dma_start3A_142, %dma_start3A_143] : memref<10000x128xf32, #tpu.memory_space<hbm>> -> memref<10000x128xf32, #tpu.memory_space<hbm>>
        tpu.enqueue_indirect_dma source(%dma_start3A_144 : memref<10000x128xf32, #tpu.memory_space<hbm>>) target(%arg10 : memref<128x128xf32, #tpu.memory_space<vmem>>) offsets(%dma_start3A_141 : memref<128xi32, #tpu.memory_space<vmem>>) semaphore(%arg13 : memref<!tpu.dma_semaphore, #tpu.memory_space<semaphore_mem>>)
        %dma_start3A_145 = arith.constant 1 : i32
        %dma_start3A_146 = arith.constant 0 : i32
        %dma_start3A_147 = tpu.memref_slice %arg6[%dma_start3A_145, %dma_start3A_146] : memref<20x128xi32, #tpu.memory_space<vmem>> -> memref<1x128xi32, #tpu.memory_space<vmem>>
        %dma_start3A_148 = tpu.memref_squeeze %dma_start3A_147 : memref<1x128xi32, #tpu.memory_space<vmem>> -> memref<128xi32, #tpu.memory_space<vmem>>
        %dma_start3A_149 = arith.constant 0 : i32
        %dma_start3A_150 = arith.constant 0 : i32
        %dma_start3A_151 = tpu.memref_slice %arg2[%dma_start3A_149, %dma_start3A_150] : memref<10000x128xf32, #tpu.memory_space<hbm>> -> memref<10000x128xf32, #tpu.memory_space<hbm>>
        tpu.enqueue_indirect_dma source(%dma_start3A_151 : memref<10000x128xf32, #tpu.memory_space<hbm>>) target(%arg11 : memref<128x128xf32, #tpu.memory_space<vmem>>) offsets(%dma_start3A_148 : memref<128xi32, #tpu.memory_space<vmem>>) semaphore(%arg14 : memref<!tpu.dma_semaphore, #tpu.memory_space<semaphore_mem>>)
        %dma_wait3A_152 = arith.constant 0 : i32
        %dma_wait3A_153 = arith.constant 0 : i32
        %dma_wait3A_154 = tpu.memref_slice %arg2[%dma_wait3A_152, %dma_wait3A_153] : memref<10000x128xf32, #tpu.memory_space<hbm>> -> memref<128x128xf32, #tpu.memory_space<hbm>>
        %dma_wait3A_155 = arith.constant 0 : i32
        %dma_wait3A_156 = arith.constant 0 : i32
        %dma_wait3A_157 = tpu.memref_slice %arg2[%dma_wait3A_155, %dma_wait3A_156] : memref<10000x128xf32, #tpu.memory_space<hbm>> -> memref<128x128xf32, #tpu.memory_space<hbm>>
        tpu.wait_dma2 semaphore(%arg13 : memref<!tpu.dma_semaphore, #tpu.memory_space<semaphore_mem>>) src(%dma_wait3A_157 : memref<128x128xf32, #tpu.memory_space<hbm>>) dst(%arg10 : memref<128x128xf32, #tpu.memory_space<vmem>>)
        %run_scoped3A = arith.constant 0 : i32
        "tpu.region"() ({
          %run_scoped3A_417 = tpu.sem_alloc : memref<!tpu.dma_semaphore, #tpu.memory_space<semaphore_mem>>
          %dma_start3A_418 = arith.constant 0 : i32
          %dma_start3A_419 = tpu.memref_slice %arg7[%run_scoped3A, %dma_start3A_418] : memref<20x128xi32, #tpu.memory_space<vmem>> -> memref<1x128xi32, #tpu.memory_space<vmem>>
          %dma_start3A_420 = tpu.memref_squeeze %dma_start3A_419 : memref<1x128xi32, #tpu.memory_space<vmem>> -> memref<128xi32, #tpu.memory_space<vmem>>
          %dma_start3A_421 = arith.constant 0 : i32
          %dma_start3A_422 = arith.constant 0 : i32
          %dma_start3A_423 = tpu.memref_slice %arg12[%dma_start3A_421, %dma_start3A_422] : memref<10240x128xf32, #tpu.memory_space<vmem_shared>> -> memref<10240x128xf32, #tpu.memory_space<vmem_shared>>
          tpu.enqueue_indirect_dma source(%arg10 : memref<128x128xf32, #tpu.memory_space<vmem>>) target(%dma_start3A_423 : memref<10240x128xf32, #tpu.memory_space<vmem_shared>>) offsets(%dma_start3A_420 : memref<128xi32, #tpu.memory_space<vmem>>) semaphore(%run_scoped3A_417 : memref<!tpu.dma_semaphore, #tpu.memory_space<semaphore_mem>>) {add = true}
          %dma_wait3A_424 = arith.constant 0 : i32
          %dma_wait3A_425 = tpu.memref_slice %arg7[%run_scoped3A, %dma_wait3A_424] : memref<20x128xi32, #tpu.memory_space<vmem>> -> memref<1x128xi32, #tpu.memory_space<vmem>>
          %dma_wait3A_426 = tpu.memref_squeeze %dma_wait3A_425 : memref<1x128xi32, #tpu.memory_space<vmem>> -> memref<128xi32, #tpu.memory_space<vmem>>
          %dma_wait3A_427 = arith.constant 0 : i32
          %dma_wait3A_428 = arith.constant 0 : i32
          %dma_wait3A_429 = tpu.memref_slice %arg12[%dma_wait3A_427, %dma_wait3A_428] : memref<10240x128xf32, #tpu.memory_space<vmem_shared>> -> memref<10240x128xf32, #tpu.memory_space<vmem_shared>>
          tpu.wait_indirect_dma semaphore(%run_scoped3A_417 : memref<!tpu.dma_semaphore, #tpu.memory_space<semaphore_mem>>) src(%arg10 : memref<128x128xf32, #tpu.memory_space<vmem>>) dst(%dma_wait3A_429 : memref<10240x128xf32, #tpu.memory_space<vmem_shared>>)
          tpu.yield
        }) : () -> ()
        %dma_start3A_158 = arith.constant 2 : i32
        %dma_start3A_159 = arith.constant 0 : i32
        %dma_start3A_160 = tpu.memref_slice %arg6[%dma_start3A_158, %dma_start3A_159] : memref<20x128xi32, #tpu.memory_space<vmem>> -> memref<1x128xi32, #tpu.memory_space<vmem>>
        %dma_start3A_161 = tpu.memref_squeeze %dma_start3A_160 : memref<1x128xi32, #tpu.memory_space<vmem>> -> memref<128xi32, #tpu.memory_space<vmem>>
        %dma_start3A_162 = arith.constant 0 : i32
        %dma_start3A_163 = arith.constant 0 : i32
        %dma_start3A_164 = tpu.memref_slice %arg2[%dma_start3A_162, %dma_start3A_163] : memref<10000x128xf32, #tpu.memory_space<hbm>> -> memref<10000x128xf32, #tpu.memory_space<hbm>>
        tpu.enqueue_indirect_dma source(%dma_start3A_164 : memref<10000x128xf32, #tpu.memory_space<hbm>>) target(%arg10 : memref<128x128xf32, #tpu.memory_space<vmem>>) offsets(%dma_start3A_161 : memref<128xi32, #tpu.memory_space<vmem>>) semaphore(%arg13 : memref<!tpu.dma_semaphore, #tpu.memory_space<semaphore_mem>>)
        %dma_wait3A_165 = arith.constant 0 : i32
        %dma_wait3A_166 = arith.constant 0 : i32
        %dma_wait3A_167 = tpu.memref_slice %arg2[%dma_wait3A_165, %dma_wait3A_166] : memref<10000x128xf32, #tpu.memory_space<hbm>> -> memref<128x128xf32, #tpu.memory_space<hbm>>
        %dma_wait3A_168 = arith.constant 0 : i32
        %dma_wait3A_169 = arith.constant 0 : i32
        %dma_wait3A_170 = tpu.memref_slice %arg2[%dma_wait3A_168, %dma_wait3A_169] : memref<10000x128xf32, #tpu.memory_space<hbm>> -> memref<128x128xf32, #tpu.memory_space<hbm>>
        tpu.wait_dma2 semaphore(%arg14 : memref<!tpu.dma_semaphore, #tpu.memory_space<semaphore_mem>>) src(%dma_wait3A_170 : memref<128x128xf32, #tpu.memory_space<hbm>>) dst(%arg11 : memref<128x128xf32, #tpu.memory_space<vmem>>)
        %run_scoped3A_171 = arith.constant 1 : i32
        "tpu.region"() ({
          %run_scoped3A_417 = tpu.sem_alloc : memref<!tpu.dma_semaphore, #tpu.memory_space<semaphore_mem>>
          %dma_start3A_418 = arith.constant 0 : i32
          %dma_start3A_419 = tpu.memref_slice %arg7[%run_scoped3A_171, %dma_start3A_418] : memref<20x128xi32, #tpu.memory_space<vmem>> -> memref<1x128xi32, #tpu.memory_space<vmem>>
          %dma_start3A_420 = tpu.memref_squeeze %dma_start3A_419 : memref<1x128xi32, #tpu.memory_space<vmem>> -> memref<128xi32, #tpu.memory_space<vmem>>
          %dma_start3A_421 = arith.constant 0 : i32
          %dma_start3A_422 = arith.constant 0 : i32
          %dma_start3A_423 = tpu.memref_slice %arg12[%dma_start3A_421, %dma_start3A_422] : memref<10240x128xf32, #tpu.memory_space<vmem_shared>> -> memref<10240x128xf32, #tpu.memory_space<vmem_shared>>
          tpu.enqueue_indirect_dma source(%arg11 : memref<128x128xf32, #tpu.memory_space<vmem>>) target(%dma_start3A_423 : memref<10240x128xf32, #tpu.memory_space<vmem_shared>>) offsets(%dma_start3A_420 : memref<128xi32, #tpu.memory_space<vmem>>) semaphore(%run_scoped3A_417 : memref<!tpu.dma_semaphore, #tpu.memory_space<semaphore_mem>>) {add = true}
          %dma_wait3A_424 = arith.constant 0 : i32
          %dma_wait3A_425 = tpu.memref_slice %arg7[%run_scoped3A_171, %dma_wait3A_424] : memref<20x128xi32, #tpu.memory_space<vmem>> -> memref<1x128xi32, #tpu.memory_space<vmem>>
          %dma_wait3A_426 = tpu.memref_squeeze %dma_wait3A_425 : memref<1x128xi32, #tpu.memory_space<vmem>> -> memref<128xi32, #tpu.memory_space<vmem>>
          %dma_wait3A_427 = arith.constant 0 : i32
          %dma_wait3A_428 = arith.constant 0 : i32
          %dma_wait3A_429 = tpu.memref_slice %arg12[%dma_wait3A_427, %dma_wait3A_428] : memref<10240x128xf32, #tpu.memory_space<vmem_shared>> -> memref<10240x128xf32, #tpu.memory_space<vmem_shared>>
          tpu.wait_indirect_dma semaphore(%run_scoped3A_417 : memref<!tpu.dma_semaphore, #tpu.memory_space<semaphore_mem>>) src(%arg11 : memref<128x128xf32, #tpu.memory_space<vmem>>) dst(%dma_wait3A_429 : memref<10240x128xf32, #tpu.memory_space<vmem_shared>>)
          tpu.yield
        }) : () -> ()
        %dma_start3A_172 = arith.constant 3 : i32
        %dma_start3A_173 = arith.constant 0 : i32
        %dma_start3A_174 = tpu.memref_slice %arg6[%dma_start3A_172, %dma_start3A_173] : memref<20x128xi32, #tpu.memory_space<vmem>> -> memref<1x128xi32, #tpu.memory_space<vmem>>
        %dma_start3A_175 = tpu.memref_squeeze %dma_start3A_174 : memref<1x128xi32, #tpu.memory_space<vmem>> -> memref<128xi32, #tpu.memory_space<vmem>>
        %dma_start3A_176 = arith.constant 0 : i32
        %dma_start3A_177 = arith.constant 0 : i32
        %dma_start3A_178 = tpu.memref_slice %arg2[%dma_start3A_176, %dma_start3A_177] : memref<10000x128xf32, #tpu.memory_space<hbm>> -> memref<10000x128xf32, #tpu.memory_space<hbm>>
        tpu.enqueue_indirect_dma source(%dma_start3A_178 : memref<10000x128xf32, #tpu.memory_space<hbm>>) target(%arg11 : memref<128x128xf32, #tpu.memory_space<vmem>>) offsets(%dma_start3A_175 : memref<128xi32, #tpu.memory_space<vmem>>) semaphore(%arg14 : memref<!tpu.dma_semaphore, #tpu.memory_space<semaphore_mem>>)
        %dma_wait3A_179 = arith.constant 0 : i32
        %dma_wait3A_180 = arith.constant 0 : i32
        %dma_wait3A_181 = tpu.memref_slice %arg2[%dma_wait3A_179, %dma_wait3A_180] : memref<10000x128xf32, #tpu.memory_space<hbm>> -> memref<128x128xf32, #tpu.memory_space<hbm>>
        %dma_wait3A_182 = arith.constant 0 : i32
        %dma_wait3A_183 = arith.constant 0 : i32
        %dma_wait3A_184 = tpu.memref_slice %arg2[%dma_wait3A_182, %dma_wait3A_183] : memref<10000x128xf32, #tpu.memory_space<hbm>> -> memref<128x128xf32, #tpu.memory_space<hbm>>
        tpu.wait_dma2 semaphore(%arg13 : memref<!tpu.dma_semaphore, #tpu.memory_space<semaphore_mem>>) src(%dma_wait3A_184 : memref<128x128xf32, #tpu.memory_space<hbm>>) dst(%arg10 : memref<128x128xf32, #tpu.memory_space<vmem>>)
        %run_scoped3A_185 = arith.constant 2 : i32
        "tpu.region"() ({
          %run_scoped3A_417 = tpu.sem_alloc : memref<!tpu.dma_semaphore, #tpu.memory_space<semaphore_mem>>
          %dma_start3A_418 = arith.constant 0 : i32
          %dma_start3A_419 = tpu.memref_slice %arg7[%run_scoped3A_185, %dma_start3A_418] : memref<20x128xi32, #tpu.memory_space<vmem>> -> memref<1x128xi32, #tpu.memory_space<vmem>>
          %dma_start3A_420 = tpu.memref_squeeze %dma_start3A_419 : memref<1x128xi32, #tpu.memory_space<vmem>> -> memref<128xi32, #tpu.memory_space<vmem>>
          %dma_start3A_421 = arith.constant 0 : i32
          %dma_start3A_422 = arith.constant 0 : i32
          %dma_start3A_423 = tpu.memref_slice %arg12[%dma_start3A_421, %dma_start3A_422] : memref<10240x128xf32, #tpu.memory_space<vmem_shared>> -> memref<10240x128xf32, #tpu.memory_space<vmem_shared>>
          tpu.enqueue_indirect_dma source(%arg10 : memref<128x128xf32, #tpu.memory_space<vmem>>) target(%dma_start3A_423 : memref<10240x128xf32, #tpu.memory_space<vmem_shared>>) offsets(%dma_start3A_420 : memref<128xi32, #tpu.memory_space<vmem>>) semaphore(%run_scoped3A_417 : memref<!tpu.dma_semaphore, #tpu.memory_space<semaphore_mem>>) {add = true}
          %dma_wait3A_424 = arith.constant 0 : i32
          %dma_wait3A_425 = tpu.memref_slice %arg7[%run_scoped3A_185, %dma_wait3A_424] : memref<20x128xi32, #tpu.memory_space<vmem>> -> memref<1x128xi32, #tpu.memory_space<vmem>>
          %dma_wait3A_426 = tpu.memref_squeeze %dma_wait3A_425 : memref<1x128xi32, #tpu.memory_space<vmem>> -> memref<128xi32, #tpu.memory_space<vmem>>
          %dma_wait3A_427 = arith.constant 0 : i32
          %dma_wait3A_428 = arith.constant 0 : i32
          %dma_wait3A_429 = tpu.memref_slice %arg12[%dma_wait3A_427, %dma_wait3A_428] : memref<10240x128xf32, #tpu.memory_space<vmem_shared>> -> memref<10240x128xf32, #tpu.memory_space<vmem_shared>>
          tpu.wait_indirect_dma semaphore(%run_scoped3A_417 : memref<!tpu.dma_semaphore, #tpu.memory_space<semaphore_mem>>) src(%arg10 : memref<128x128xf32, #tpu.memory_space<vmem>>) dst(%dma_wait3A_429 : memref<10240x128xf32, #tpu.memory_space<vmem_shared>>)
          tpu.yield
        }) : () -> ()
        %dma_start3A_186 = arith.constant 4 : i32
        %dma_start3A_187 = arith.constant 0 : i32
        %dma_start3A_188 = tpu.memref_slice %arg6[%dma_start3A_186, %dma_start3A_187] : memref<20x128xi32, #tpu.memory_space<vmem>> -> memref<1x128xi32, #tpu.memory_space<vmem>>
        %dma_start3A_189 = tpu.memref_squeeze %dma_start3A_188 : memref<1x128xi32, #tpu.memory_space<vmem>> -> memref<128xi32, #tpu.memory_space<vmem>>
        %dma_start3A_190 = arith.constant 0 : i32
        %dma_start3A_191 = arith.constant 0 : i32
        %dma_start3A_192 = tpu.memref_slice %arg2[%dma_start3A_190, %dma_start3A_191] : memref<10000x128xf32, #tpu.memory_space<hbm>> -> memref<10000x128xf32, #tpu.memory_space<hbm>>
        tpu.enqueue_indirect_dma source(%dma_start3A_192 : memref<10000x128xf32, #tpu.memory_space<hbm>>) target(%arg10 : memref<128x128xf32, #tpu.memory_space<vmem>>) offsets(%dma_start3A_189 : memref<128xi32, #tpu.memory_space<vmem>>) semaphore(%arg13 : memref<!tpu.dma_semaphore, #tpu.memory_space<semaphore_mem>>)
        %dma_wait3A_193 = arith.constant 0 : i32
        %dma_wait3A_194 = arith.constant 0 : i32
        %dma_wait3A_195 = tpu.memref_slice %arg2[%dma_wait3A_193, %dma_wait3A_194] : memref<10000x128xf32, #tpu.memory_space<hbm>> -> memref<128x128xf32, #tpu.memory_space<hbm>>
        %dma_wait3A_196 = arith.constant 0 : i32
        %dma_wait3A_197 = arith.constant 0 : i32
        %dma_wait3A_198 = tpu.memref_slice %arg2[%dma_wait3A_196, %dma_wait3A_197] : memref<10000x128xf32, #tpu.memory_space<hbm>> -> memref<128x128xf32, #tpu.memory_space<hbm>>
        tpu.wait_dma2 semaphore(%arg14 : memref<!tpu.dma_semaphore, #tpu.memory_space<semaphore_mem>>) src(%dma_wait3A_198 : memref<128x128xf32, #tpu.memory_space<hbm>>) dst(%arg11 : memref<128x128xf32, #tpu.memory_space<vmem>>)
        %run_scoped3A_199 = arith.constant 3 : i32
        "tpu.region"() ({
          %run_scoped3A_417 = tpu.sem_alloc : memref<!tpu.dma_semaphore, #tpu.memory_space<semaphore_mem>>
          %dma_start3A_418 = arith.constant 0 : i32
          %dma_start3A_419 = tpu.memref_slice %arg7[%run_scoped3A_199, %dma_start3A_418] : memref<20x128xi32, #tpu.memory_space<vmem>> -> memref<1x128xi32, #tpu.memory_space<vmem>>
          %dma_start3A_420 = tpu.memref_squeeze %dma_start3A_419 : memref<1x128xi32, #tpu.memory_space<vmem>> -> memref<128xi32, #tpu.memory_space<vmem>>
          %dma_start3A_421 = arith.constant 0 : i32
          %dma_start3A_422 = arith.constant 0 : i32
          %dma_start3A_423 = tpu.memref_slice %arg12[%dma_start3A_421, %dma_start3A_422] : memref<10240x128xf32, #tpu.memory_space<vmem_shared>> -> memref<10240x128xf32, #tpu.memory_space<vmem_shared>>
          tpu.enqueue_indirect_dma source(%arg11 : memref<128x128xf32, #tpu.memory_space<vmem>>) target(%dma_start3A_423 : memref<10240x128xf32, #tpu.memory_space<vmem_shared>>) offsets(%dma_start3A_420 : memref<128xi32, #tpu.memory_space<vmem>>) semaphore(%run_scoped3A_417 : memref<!tpu.dma_semaphore, #tpu.memory_space<semaphore_mem>>) {add = true}
          %dma_wait3A_424 = arith.constant 0 : i32
          %dma_wait3A_425 = tpu.memref_slice %arg7[%run_scoped3A_199, %dma_wait3A_424] : memref<20x128xi32, #tpu.memory_space<vmem>> -> memref<1x128xi32, #tpu.memory_space<vmem>>
          %dma_wait3A_426 = tpu.memref_squeeze %dma_wait3A_425 : memref<1x128xi32, #tpu.memory_space<vmem>> -> memref<128xi32, #tpu.memory_space<vmem>>
          %dma_wait3A_427 = arith.constant 0 : i32
          %dma_wait3A_428 = arith.constant 0 : i32
          %dma_wait3A_429 = tpu.memref_slice %arg12[%dma_wait3A_427, %dma_wait3A_428] : memref<10240x128xf32, #tpu.memory_space<vmem_shared>> -> memref<10240x128xf32, #tpu.memory_space<vmem_shared>>
          tpu.wait_indirect_dma semaphore(%run_scoped3A_417 : memref<!tpu.dma_semaphore, #tpu.memory_space<semaphore_mem>>) src(%arg11 : memref<128x128xf32, #tpu.memory_space<vmem>>) dst(%dma_wait3A_429 : memref<10240x128xf32, #tpu.memory_space<vmem_shared>>)
          tpu.yield
        }) : () -> ()
        %dma_start3A_200 = arith.constant 5 : i32
        %dma_start3A_201 = arith.constant 0 : i32
        %dma_start3A_202 = tpu.memref_slice %arg6[%dma_start3A_200, %dma_start3A_201] : memref<20x128xi32, #tpu.memory_space<vmem>> -> memref<1x128xi32, #tpu.memory_space<vmem>>
        %dma_start3A_203 = tpu.memref_squeeze %dma_start3A_202 : memref<1x128xi32, #tpu.memory_space<vmem>> -> memref<128xi32, #tpu.memory_space<vmem>>
        %dma_start3A_204 = arith.constant 0 : i32
        %dma_start3A_205 = arith.constant 0 : i32
        %dma_start3A_206 = tpu.memref_slice %arg2[%dma_start3A_204, %dma_start3A_205] : memref<10000x128xf32, #tpu.memory_space<hbm>> -> memref<10000x128xf32, #tpu.memory_space<hbm>>
        tpu.enqueue_indirect_dma source(%dma_start3A_206 : memref<10000x128xf32, #tpu.memory_space<hbm>>) target(%arg11 : memref<128x128xf32, #tpu.memory_space<vmem>>) offsets(%dma_start3A_203 : memref<128xi32, #tpu.memory_space<vmem>>) semaphore(%arg14 : memref<!tpu.dma_semaphore, #tpu.memory_space<semaphore_mem>>)
        %dma_wait3A_207 = arith.constant 0 : i32
        %dma_wait3A_208 = arith.constant 0 : i32
        %dma_wait3A_209 = tpu.memref_slice %arg2[%dma_wait3A_207, %dma_wait3A_208] : memref<10000x128xf32, #tpu.memory_space<hbm>> -> memref<128x128xf32, #tpu.memory_space<hbm>>
        %dma_wait3A_210 = arith.constant 0 : i32
        %dma_wait3A_211 = arith.constant 0 : i32
        %dma_wait3A_212 = tpu.memref_slice %arg2[%dma_wait3A_210, %dma_wait3A_211] : memref<10000x128xf32, #tpu.memory_space<hbm>> -> memref<128x128xf32, #tpu.memory_space<hbm>>
        tpu.wait_dma2 semaphore(%arg13 : memref<!tpu.dma_semaphore, #tpu.memory_space<semaphore_mem>>) src(%dma_wait3A_212 : memref<128x128xf32, #tpu.memory_space<hbm>>) dst(%arg10 : memref<128x128xf32, #tpu.memory_space<vmem>>)
        %run_scoped3A_213 = arith.constant 4 : i32
        "tpu.region"() ({
          %run_scoped3A_417 = tpu.sem_alloc : memref<!tpu.dma_semaphore, #tpu.memory_space<semaphore_mem>>
          %dma_start3A_418 = arith.constant 0 : i32
          %dma_start3A_419 = tpu.memref_slice %arg7[%run_scoped3A_213, %dma_start3A_418] : memref<20x128xi32, #tpu.memory_space<vmem>> -> memref<1x128xi32, #tpu.memory_space<vmem>>
          %dma_start3A_420 = tpu.memref_squeeze %dma_start3A_419 : memref<1x128xi32, #tpu.memory_space<vmem>> -> memref<128xi32, #tpu.memory_space<vmem>>
          %dma_start3A_421 = arith.constant 0 : i32
          %dma_start3A_422 = arith.constant 0 : i32
          %dma_start3A_423 = tpu.memref_slice %arg12[%dma_start3A_421, %dma_start3A_422] : memref<10240x128xf32, #tpu.memory_space<vmem_shared>> -> memref<10240x128xf32, #tpu.memory_space<vmem_shared>>
          tpu.enqueue_indirect_dma source(%arg10 : memref<128x128xf32, #tpu.memory_space<vmem>>) target(%dma_start3A_423 : memref<10240x128xf32, #tpu.memory_space<vmem_shared>>) offsets(%dma_start3A_420 : memref<128xi32, #tpu.memory_space<vmem>>) semaphore(%run_scoped3A_417 : memref<!tpu.dma_semaphore, #tpu.memory_space<semaphore_mem>>) {add = true}
          %dma_wait3A_424 = arith.constant 0 : i32
          %dma_wait3A_425 = tpu.memref_slice %arg7[%run_scoped3A_213, %dma_wait3A_424] : memref<20x128xi32, #tpu.memory_space<vmem>> -> memref<1x128xi32, #tpu.memory_space<vmem>>
          %dma_wait3A_426 = tpu.memref_squeeze %dma_wait3A_425 : memref<1x128xi32, #tpu.memory_space<vmem>> -> memref<128xi32, #tpu.memory_space<vmem>>
          %dma_wait3A_427 = arith.constant 0 : i32
          %dma_wait3A_428 = arith.constant 0 : i32
          %dma_wait3A_429 = tpu.memref_slice %arg12[%dma_wait3A_427, %dma_wait3A_428] : memref<10240x128xf32, #tpu.memory_space<vmem_shared>> -> memref<10240x128xf32, #tpu.memory_space<vmem_shared>>
          tpu.wait_indirect_dma semaphore(%run_scoped3A_417 : memref<!tpu.dma_semaphore, #tpu.memory_space<semaphore_mem>>) src(%arg10 : memref<128x128xf32, #tpu.memory_space<vmem>>) dst(%dma_wait3A_429 : memref<10240x128xf32, #tpu.memory_space<vmem_shared>>)
          tpu.yield
        }) : () -> ()
        %dma_start3A_214 = arith.constant 6 : i32
        %dma_start3A_215 = arith.constant 0 : i32
        %dma_start3A_216 = tpu.memref_slice %arg6[%dma_start3A_214, %dma_start3A_215] : memref<20x128xi32, #tpu.memory_space<vmem>> -> memref<1x128xi32, #tpu.memory_space<vmem>>
        %dma_start3A_217 = tpu.memref_squeeze %dma_start3A_216 : memref<1x128xi32, #tpu.memory_space<vmem>> -> memref<128xi32, #tpu.memory_space<vmem>>
        %dma_start3A_218 = arith.constant 0 : i32
        %dma_start3A_219 = arith.constant 0 : i32
        %dma_start3A_220 = tpu.memref_slice %arg2[%dma_start3A_218, %dma_start3A_219] : memref<10000x128xf32, #tpu.memory_space<hbm>> -> memref<10000x128xf32, #tpu.memory_space<hbm>>
        tpu.enqueue_indirect_dma source(%dma_start3A_220 : memref<10000x128xf32, #tpu.memory_space<hbm>>) target(%arg10 : memref<128x128xf32, #tpu.memory_space<vmem>>) offsets(%dma_start3A_217 : memref<128xi32, #tpu.memory_space<vmem>>) semaphore(%arg13 : memref<!tpu.dma_semaphore, #tpu.memory_space<semaphore_mem>>)
        %dma_wait3A_221 = arith.constant 0 : i32
        %dma_wait3A_222 = arith.constant 0 : i32
        %dma_wait3A_223 = tpu.memref_slice %arg2[%dma_wait3A_221, %dma_wait3A_222] : memref<10000x128xf32, #tpu.memory_space<hbm>> -> memref<128x128xf32, #tpu.memory_space<hbm>>
        %dma_wait3A_224 = arith.constant 0 : i32
        %dma_wait3A_225 = arith.constant 0 : i32
        %dma_wait3A_226 = tpu.memref_slice %arg2[%dma_wait3A_224, %dma_wait3A_225] : memref<10000x128xf32, #tpu.memory_space<hbm>> -> memref<128x128xf32, #tpu.memory_space<hbm>>
        tpu.wait_dma2 semaphore(%arg14 : memref<!tpu.dma_semaphore, #tpu.memory_space<semaphore_mem>>) src(%dma_wait3A_226 : memref<128x128xf32, #tpu.memory_space<hbm>>) dst(%arg11 : memref<128x128xf32, #tpu.memory_space<vmem>>)
        %run_scoped3A_227 = arith.constant 5 : i32
        "tpu.region"() ({
          %run_scoped3A_417 = tpu.sem_alloc : memref<!tpu.dma_semaphore, #tpu.memory_space<semaphore_mem>>
          %dma_start3A_418 = arith.constant 0 : i32
          %dma_start3A_419 = tpu.memref_slice %arg7[%run_scoped3A_227, %dma_start3A_418] : memref<20x128xi32, #tpu.memory_space<vmem>> -> memref<1x128xi32, #tpu.memory_space<vmem>>
          %dma_start3A_420 = tpu.memref_squeeze %dma_start3A_419 : memref<1x128xi32, #tpu.memory_space<vmem>> -> memref<128xi32, #tpu.memory_space<vmem>>
          %dma_start3A_421 = arith.constant 0 : i32
          %dma_start3A_422 = arith.constant 0 : i32
          %dma_start3A_423 = tpu.memref_slice %arg12[%dma_start3A_421, %dma_start3A_422] : memref<10240x128xf32, #tpu.memory_space<vmem_shared>> -> memref<10240x128xf32, #tpu.memory_space<vmem_shared>>
          tpu.enqueue_indirect_dma source(%arg11 : memref<128x128xf32, #tpu.memory_space<vmem>>) target(%dma_start3A_423 : memref<10240x128xf32, #tpu.memory_space<vmem_shared>>) offsets(%dma_start3A_420 : memref<128xi32, #tpu.memory_space<vmem>>) semaphore(%run_scoped3A_417 : memref<!tpu.dma_semaphore, #tpu.memory_space<semaphore_mem>>) {add = true}
          %dma_wait3A_424 = arith.constant 0 : i32
          %dma_wait3A_425 = tpu.memref_slice %arg7[%run_scoped3A_227, %dma_wait3A_424] : memref<20x128xi32, #tpu.memory_space<vmem>> -> memref<1x128xi32, #tpu.memory_space<vmem>>
          %dma_wait3A_426 = tpu.memref_squeeze %dma_wait3A_425 : memref<1x128xi32, #tpu.memory_space<vmem>> -> memref<128xi32, #tpu.memory_space<vmem>>
          %dma_wait3A_427 = arith.constant 0 : i32
          %dma_wait3A_428 = arith.constant 0 : i32
          %dma_wait3A_429 = tpu.memref_slice %arg12[%dma_wait3A_427, %dma_wait3A_428] : memref<10240x128xf32, #tpu.memory_space<vmem_shared>> -> memref<10240x128xf32, #tpu.memory_space<vmem_shared>>
          tpu.wait_indirect_dma semaphore(%run_scoped3A_417 : memref<!tpu.dma_semaphore, #tpu.memory_space<semaphore_mem>>) src(%arg11 : memref<128x128xf32, #tpu.memory_space<vmem>>) dst(%dma_wait3A_429 : memref<10240x128xf32, #tpu.memory_space<vmem_shared>>)
          tpu.yield
        }) : () -> ()
        %dma_start3A_228 = arith.constant 7 : i32
        %dma_start3A_229 = arith.constant 0 : i32
        %dma_start3A_230 = tpu.memref_slice %arg6[%dma_start3A_228, %dma_start3A_229] : memref<20x128xi32, #tpu.memory_space<vmem>> -> memref<1x128xi32, #tpu.memory_space<vmem>>
        %dma_start3A_231 = tpu.memref_squeeze %dma_start3A_230 : memref<1x128xi32, #tpu.memory_space<vmem>> -> memref<128xi32, #tpu.memory_space<vmem>>
        %dma_start3A_232 = arith.constant 0 : i32
        %dma_start3A_233 = arith.constant 0 : i32
        %dma_start3A_234 = tpu.memref_slice %arg2[%dma_start3A_232, %dma_start3A_233] : memref<10000x128xf32, #tpu.memory_space<hbm>> -> memref<10000x128xf32, #tpu.memory_space<hbm>>
        tpu.enqueue_indirect_dma source(%dma_start3A_234 : memref<10000x128xf32, #tpu.memory_space<hbm>>) target(%arg11 : memref<128x128xf32, #tpu.memory_space<vmem>>) offsets(%dma_start3A_231 : memref<128xi32, #tpu.memory_space<vmem>>) semaphore(%arg14 : memref<!tpu.dma_semaphore, #tpu.memory_space<semaphore_mem>>)
        %dma_wait3A_235 = arith.constant 0 : i32
        %dma_wait3A_236 = arith.constant 0 : i32
        %dma_wait3A_237 = tpu.memref_slice %arg2[%dma_wait3A_235, %dma_wait3A_236] : memref<10000x128xf32, #tpu.memory_space<hbm>> -> memref<128x128xf32, #tpu.memory_space<hbm>>
        %dma_wait3A_238 = arith.constant 0 : i32
        %dma_wait3A_239 = arith.constant 0 : i32
        %dma_wait3A_240 = tpu.memref_slice %arg2[%dma_wait3A_238, %dma_wait3A_239] : memref<10000x128xf32, #tpu.memory_space<hbm>> -> memref<128x128xf32, #tpu.memory_space<hbm>>
        tpu.wait_dma2 semaphore(%arg13 : memref<!tpu.dma_semaphore, #tpu.memory_space<semaphore_mem>>) src(%dma_wait3A_240 : memref<128x128xf32, #tpu.memory_space<hbm>>) dst(%arg10 : memref<128x128xf32, #tpu.memory_space<vmem>>)
        %run_scoped3A_241 = arith.constant 6 : i32
        "tpu.region"() ({
          %run_scoped3A_417 = tpu.sem_alloc : memref<!tpu.dma_semaphore, #tpu.memory_space<semaphore_mem>>
          %dma_start3A_418 = arith.constant 0 : i32
          %dma_start3A_419 = tpu.memref_slice %arg7[%run_scoped3A_241, %dma_start3A_418] : memref<20x128xi32, #tpu.memory_space<vmem>> -> memref<1x128xi32, #tpu.memory_space<vmem>>
          %dma_start3A_420 = tpu.memref_squeeze %dma_start3A_419 : memref<1x128xi32, #tpu.memory_space<vmem>> -> memref<128xi32, #tpu.memory_space<vmem>>
          %dma_start3A_421 = arith.constant 0 : i32
          %dma_start3A_422 = arith.constant 0 : i32
          %dma_start3A_423 = tpu.memref_slice %arg12[%dma_start3A_421, %dma_start3A_422] : memref<10240x128xf32, #tpu.memory_space<vmem_shared>> -> memref<10240x128xf32, #tpu.memory_space<vmem_shared>>
          tpu.enqueue_indirect_dma source(%arg10 : memref<128x128xf32, #tpu.memory_space<vmem>>) target(%dma_start3A_423 : memref<10240x128xf32, #tpu.memory_space<vmem_shared>>) offsets(%dma_start3A_420 : memref<128xi32, #tpu.memory_space<vmem>>) semaphore(%run_scoped3A_417 : memref<!tpu.dma_semaphore, #tpu.memory_space<semaphore_mem>>) {add = true}
          %dma_wait3A_424 = arith.constant 0 : i32
          %dma_wait3A_425 = tpu.memref_slice %arg7[%run_scoped3A_241, %dma_wait3A_424] : memref<20x128xi32, #tpu.memory_space<vmem>> -> memref<1x128xi32, #tpu.memory_space<vmem>>
          %dma_wait3A_426 = tpu.memref_squeeze %dma_wait3A_425 : memref<1x128xi32, #tpu.memory_space<vmem>> -> memref<128xi32, #tpu.memory_space<vmem>>
          %dma_wait3A_427 = arith.constant 0 : i32
          %dma_wait3A_428 = arith.constant 0 : i32
          %dma_wait3A_429 = tpu.memref_slice %arg12[%dma_wait3A_427, %dma_wait3A_428] : memref<10240x128xf32, #tpu.memory_space<vmem_shared>> -> memref<10240x128xf32, #tpu.memory_space<vmem_shared>>
          tpu.wait_indirect_dma semaphore(%run_scoped3A_417 : memref<!tpu.dma_semaphore, #tpu.memory_space<semaphore_mem>>) src(%arg10 : memref<128x128xf32, #tpu.memory_space<vmem>>) dst(%dma_wait3A_429 : memref<10240x128xf32, #tpu.memory_space<vmem_shared>>)
          tpu.yield
        }) : () -> ()
        %dma_start3A_242 = arith.constant 8 : i32
        %dma_start3A_243 = arith.constant 0 : i32
        %dma_start3A_244 = tpu.memref_slice %arg6[%dma_start3A_242, %dma_start3A_243] : memref<20x128xi32, #tpu.memory_space<vmem>> -> memref<1x128xi32, #tpu.memory_space<vmem>>
        %dma_start3A_245 = tpu.memref_squeeze %dma_start3A_244 : memref<1x128xi32, #tpu.memory_space<vmem>> -> memref<128xi32, #tpu.memory_space<vmem>>
        %dma_start3A_246 = arith.constant 0 : i32
        %dma_start3A_247 = arith.constant 0 : i32
        %dma_start3A_248 = tpu.memref_slice %arg2[%dma_start3A_246, %dma_start3A_247] : memref<10000x128xf32, #tpu.memory_space<hbm>> -> memref<10000x128xf32, #tpu.memory_space<hbm>>
        tpu.enqueue_indirect_dma source(%dma_start3A_248 : memref<10000x128xf32, #tpu.memory_space<hbm>>) target(%arg10 : memref<128x128xf32, #tpu.memory_space<vmem>>) offsets(%dma_start3A_245 : memref<128xi32, #tpu.memory_space<vmem>>) semaphore(%arg13 : memref<!tpu.dma_semaphore, #tpu.memory_space<semaphore_mem>>)
        %dma_wait3A_249 = arith.constant 0 : i32
        %dma_wait3A_250 = arith.constant 0 : i32
        %dma_wait3A_251 = tpu.memref_slice %arg2[%dma_wait3A_249, %dma_wait3A_250] : memref<10000x128xf32, #tpu.memory_space<hbm>> -> memref<128x128xf32, #tpu.memory_space<hbm>>
        %dma_wait3A_252 = arith.constant 0 : i32
        %dma_wait3A_253 = arith.constant 0 : i32
        %dma_wait3A_254 = tpu.memref_slice %arg2[%dma_wait3A_252, %dma_wait3A_253] : memref<10000x128xf32, #tpu.memory_space<hbm>> -> memref<128x128xf32, #tpu.memory_space<hbm>>
        tpu.wait_dma2 semaphore(%arg14 : memref<!tpu.dma_semaphore, #tpu.memory_space<semaphore_mem>>) src(%dma_wait3A_254 : memref<128x128xf32, #tpu.memory_space<hbm>>) dst(%arg11 : memref<128x128xf32, #tpu.memory_space<vmem>>)
        %run_scoped3A_255 = arith.constant 7 : i32
        "tpu.region"() ({
          %run_scoped3A_417 = tpu.sem_alloc : memref<!tpu.dma_semaphore, #tpu.memory_space<semaphore_mem>>
          %dma_start3A_418 = arith.constant 0 : i32
          %dma_start3A_419 = tpu.memref_slice %arg7[%run_scoped3A_255, %dma_start3A_418] : memref<20x128xi32, #tpu.memory_space<vmem>> -> memref<1x128xi32, #tpu.memory_space<vmem>>
          %dma_start3A_420 = tpu.memref_squeeze %dma_start3A_419 : memref<1x128xi32, #tpu.memory_space<vmem>> -> memref<128xi32, #tpu.memory_space<vmem>>
          %dma_start3A_421 = arith.constant 0 : i32
          %dma_start3A_422 = arith.constant 0 : i32
          %dma_start3A_423 = tpu.memref_slice %arg12[%dma_start3A_421, %dma_start3A_422] : memref<10240x128xf32, #tpu.memory_space<vmem_shared>> -> memref<10240x128xf32, #tpu.memory_space<vmem_shared>>
          tpu.enqueue_indirect_dma source(%arg11 : memref<128x128xf32, #tpu.memory_space<vmem>>) target(%dma_start3A_423 : memref<10240x128xf32, #tpu.memory_space<vmem_shared>>) offsets(%dma_start3A_420 : memref<128xi32, #tpu.memory_space<vmem>>) semaphore(%run_scoped3A_417 : memref<!tpu.dma_semaphore, #tpu.memory_space<semaphore_mem>>) {add = true}
          %dma_wait3A_424 = arith.constant 0 : i32
          %dma_wait3A_425 = tpu.memref_slice %arg7[%run_scoped3A_255, %dma_wait3A_424] : memref<20x128xi32, #tpu.memory_space<vmem>> -> memref<1x128xi32, #tpu.memory_space<vmem>>
          %dma_wait3A_426 = tpu.memref_squeeze %dma_wait3A_425 : memref<1x128xi32, #tpu.memory_space<vmem>> -> memref<128xi32, #tpu.memory_space<vmem>>
          %dma_wait3A_427 = arith.constant 0 : i32
          %dma_wait3A_428 = arith.constant 0 : i32
          %dma_wait3A_429 = tpu.memref_slice %arg12[%dma_wait3A_427, %dma_wait3A_428] : memref<10240x128xf32, #tpu.memory_space<vmem_shared>> -> memref<10240x128xf32, #tpu.memory_space<vmem_shared>>
          tpu.wait_indirect_dma semaphore(%run_scoped3A_417 : memref<!tpu.dma_semaphore, #tpu.memory_space<semaphore_mem>>) src(%arg11 : memref<128x128xf32, #tpu.memory_space<vmem>>) dst(%dma_wait3A_429 : memref<10240x128xf32, #tpu.memory_space<vmem_shared>>)
          tpu.yield
        }) : () -> ()
        %dma_start3A_256 = arith.constant 9 : i32
        %dma_start3A_257 = arith.constant 0 : i32
        %dma_start3A_258 = tpu.memref_slice %arg6[%dma_start3A_256, %dma_start3A_257] : memref<20x128xi32, #tpu.memory_space<vmem>> -> memref<1x128xi32, #tpu.memory_space<vmem>>
        %dma_start3A_259 = tpu.memref_squeeze %dma_start3A_258 : memref<1x128xi32, #tpu.memory_space<vmem>> -> memref<128xi32, #tpu.memory_space<vmem>>
        %dma_start3A_260 = arith.constant 0 : i32
        %dma_start3A_261 = arith.constant 0 : i32
        %dma_start3A_262 = tpu.memref_slice %arg2[%dma_start3A_260, %dma_start3A_261] : memref<10000x128xf32, #tpu.memory_space<hbm>> -> memref<10000x128xf32, #tpu.memory_space<hbm>>
        tpu.enqueue_indirect_dma source(%dma_start3A_262 : memref<10000x128xf32, #tpu.memory_space<hbm>>) target(%arg11 : memref<128x128xf32, #tpu.memory_space<vmem>>) offsets(%dma_start3A_259 : memref<128xi32, #tpu.memory_space<vmem>>) semaphore(%arg14 : memref<!tpu.dma_semaphore, #tpu.memory_space<semaphore_mem>>)
        %dma_wait3A_263 = arith.constant 0 : i32
        %dma_wait3A_264 = arith.constant 0 : i32
        %dma_wait3A_265 = tpu.memref_slice %arg2[%dma_wait3A_263, %dma_wait3A_264] : memref<10000x128xf32, #tpu.memory_space<hbm>> -> memref<128x128xf32, #tpu.memory_space<hbm>>
        %dma_wait3A_266 = arith.constant 0 : i32
        %dma_wait3A_267 = arith.constant 0 : i32
        %dma_wait3A_268 = tpu.memref_slice %arg2[%dma_wait3A_266, %dma_wait3A_267] : memref<10000x128xf32, #tpu.memory_space<hbm>> -> memref<128x128xf32, #tpu.memory_space<hbm>>
        tpu.wait_dma2 semaphore(%arg13 : memref<!tpu.dma_semaphore, #tpu.memory_space<semaphore_mem>>) src(%dma_wait3A_268 : memref<128x128xf32, #tpu.memory_space<hbm>>) dst(%arg10 : memref<128x128xf32, #tpu.memory_space<vmem>>)
        %run_scoped3A_269 = arith.constant 8 : i32
        "tpu.region"() ({
          %run_scoped3A_417 = tpu.sem_alloc : memref<!tpu.dma_semaphore, #tpu.memory_space<semaphore_mem>>
          %dma_start3A_418 = arith.constant 0 : i32
          %dma_start3A_419 = tpu.memref_slice %arg7[%run_scoped3A_269, %dma_start3A_418] : memref<20x128xi32, #tpu.memory_space<vmem>> -> memref<1x128xi32, #tpu.memory_space<vmem>>
          %dma_start3A_420 = tpu.memref_squeeze %dma_start3A_419 : memref<1x128xi32, #tpu.memory_space<vmem>> -> memref<128xi32, #tpu.memory_space<vmem>>
          %dma_start3A_421 = arith.constant 0 : i32
          %dma_start3A_422 = arith.constant 0 : i32
          %dma_start3A_423 = tpu.memref_slice %arg12[%dma_start3A_421, %dma_start3A_422] : memref<10240x128xf32, #tpu.memory_space<vmem_shared>> -> memref<10240x128xf32, #tpu.memory_space<vmem_shared>>
          tpu.enqueue_indirect_dma source(%arg10 : memref<128x128xf32, #tpu.memory_space<vmem>>) target(%dma_start3A_423 : memref<10240x128xf32, #tpu.memory_space<vmem_shared>>) offsets(%dma_start3A_420 : memref<128xi32, #tpu.memory_space<vmem>>) semaphore(%run_scoped3A_417 : memref<!tpu.dma_semaphore, #tpu.memory_space<semaphore_mem>>) {add = true}
          %dma_wait3A_424 = arith.constant 0 : i32
          %dma_wait3A_425 = tpu.memref_slice %arg7[%run_scoped3A_269, %dma_wait3A_424] : memref<20x128xi32, #tpu.memory_space<vmem>> -> memref<1x128xi32, #tpu.memory_space<vmem>>
          %dma_wait3A_426 = tpu.memref_squeeze %dma_wait3A_425 : memref<1x128xi32, #tpu.memory_space<vmem>> -> memref<128xi32, #tpu.memory_space<vmem>>
          %dma_wait3A_427 = arith.constant 0 : i32
          %dma_wait3A_428 = arith.constant 0 : i32
          %dma_wait3A_429 = tpu.memref_slice %arg12[%dma_wait3A_427, %dma_wait3A_428] : memref<10240x128xf32, #tpu.memory_space<vmem_shared>> -> memref<10240x128xf32, #tpu.memory_space<vmem_shared>>
          tpu.wait_indirect_dma semaphore(%run_scoped3A_417 : memref<!tpu.dma_semaphore, #tpu.memory_space<semaphore_mem>>) src(%arg10 : memref<128x128xf32, #tpu.memory_space<vmem>>) dst(%dma_wait3A_429 : memref<10240x128xf32, #tpu.memory_space<vmem_shared>>)
          tpu.yield
        }) : () -> ()
        %dma_start3A_270 = arith.constant 10 : i32
        %dma_start3A_271 = arith.constant 0 : i32
        %dma_start3A_272 = tpu.memref_slice %arg6[%dma_start3A_270, %dma_start3A_271] : memref<20x128xi32, #tpu.memory_space<vmem>> -> memref<1x128xi32, #tpu.memory_space<vmem>>
        %dma_start3A_273 = tpu.memref_squeeze %dma_start3A_272 : memref<1x128xi32, #tpu.memory_space<vmem>> -> memref<128xi32, #tpu.memory_space<vmem>>
        %dma_start3A_274 = arith.constant 0 : i32
        %dma_start3A_275 = arith.constant 0 : i32
        %dma_start3A_276 = tpu.memref_slice %arg2[%dma_start3A_274, %dma_start3A_275] : memref<10000x128xf32, #tpu.memory_space<hbm>> -> memref<10000x128xf32, #tpu.memory_space<hbm>>
        tpu.enqueue_indirect_dma source(%dma_start3A_276 : memref<10000x128xf32, #tpu.memory_space<hbm>>) target(%arg10 : memref<128x128xf32, #tpu.memory_space<vmem>>) offsets(%dma_start3A_273 : memref<128xi32, #tpu.memory_space<vmem>>) semaphore(%arg13 : memref<!tpu.dma_semaphore, #tpu.memory_space<semaphore_mem>>)
        %dma_wait3A_277 = arith.constant 0 : i32
        %dma_wait3A_278 = arith.constant 0 : i32
        %dma_wait3A_279 = tpu.memref_slice %arg2[%dma_wait3A_277, %dma_wait3A_278] : memref<10000x128xf32, #tpu.memory_space<hbm>> -> memref<128x128xf32, #tpu.memory_space<hbm>>
        %dma_wait3A_280 = arith.constant 0 : i32
        %dma_wait3A_281 = arith.constant 0 : i32
        %dma_wait3A_282 = tpu.memref_slice %arg2[%dma_wait3A_280, %dma_wait3A_281] : memref<10000x128xf32, #tpu.memory_space<hbm>> -> memref<128x128xf32, #tpu.memory_space<hbm>>
        tpu.wait_dma2 semaphore(%arg14 : memref<!tpu.dma_semaphore, #tpu.memory_space<semaphore_mem>>) src(%dma_wait3A_282 : memref<128x128xf32, #tpu.memory_space<hbm>>) dst(%arg11 : memref<128x128xf32, #tpu.memory_space<vmem>>)
        %run_scoped3A_283 = arith.constant 9 : i32
        "tpu.region"() ({
          %run_scoped3A_417 = tpu.sem_alloc : memref<!tpu.dma_semaphore, #tpu.memory_space<semaphore_mem>>
          %dma_start3A_418 = arith.constant 0 : i32
          %dma_start3A_419 = tpu.memref_slice %arg7[%run_scoped3A_283, %dma_start3A_418] : memref<20x128xi32, #tpu.memory_space<vmem>> -> memref<1x128xi32, #tpu.memory_space<vmem>>
          %dma_start3A_420 = tpu.memref_squeeze %dma_start3A_419 : memref<1x128xi32, #tpu.memory_space<vmem>> -> memref<128xi32, #tpu.memory_space<vmem>>
          %dma_start3A_421 = arith.constant 0 : i32
          %dma_start3A_422 = arith.constant 0 : i32
          %dma_start3A_423 = tpu.memref_slice %arg12[%dma_start3A_421, %dma_start3A_422] : memref<10240x128xf32, #tpu.memory_space<vmem_shared>> -> memref<10240x128xf32, #tpu.memory_space<vmem_shared>>
          tpu.enqueue_indirect_dma source(%arg11 : memref<128x128xf32, #tpu.memory_space<vmem>>) target(%dma_start3A_423 : memref<10240x128xf32, #tpu.memory_space<vmem_shared>>) offsets(%dma_start3A_420 : memref<128xi32, #tpu.memory_space<vmem>>) semaphore(%run_scoped3A_417 : memref<!tpu.dma_semaphore, #tpu.memory_space<semaphore_mem>>) {add = true}
          %dma_wait3A_424 = arith.constant 0 : i32
          %dma_wait3A_425 = tpu.memref_slice %arg7[%run_scoped3A_283, %dma_wait3A_424] : memref<20x128xi32, #tpu.memory_space<vmem>> -> memref<1x128xi32, #tpu.memory_space<vmem>>
          %dma_wait3A_426 = tpu.memref_squeeze %dma_wait3A_425 : memref<1x128xi32, #tpu.memory_space<vmem>> -> memref<128xi32, #tpu.memory_space<vmem>>
          %dma_wait3A_427 = arith.constant 0 : i32
          %dma_wait3A_428 = arith.constant 0 : i32
          %dma_wait3A_429 = tpu.memref_slice %arg12[%dma_wait3A_427, %dma_wait3A_428] : memref<10240x128xf32, #tpu.memory_space<vmem_shared>> -> memref<10240x128xf32, #tpu.memory_space<vmem_shared>>
          tpu.wait_indirect_dma semaphore(%run_scoped3A_417 : memref<!tpu.dma_semaphore, #tpu.memory_space<semaphore_mem>>) src(%arg11 : memref<128x128xf32, #tpu.memory_space<vmem>>) dst(%dma_wait3A_429 : memref<10240x128xf32, #tpu.memory_space<vmem_shared>>)
          tpu.yield
        }) : () -> ()
        %dma_start3A_284 = arith.constant 11 : i32
        %dma_start3A_285 = arith.constant 0 : i32
        %dma_start3A_286 = tpu.memref_slice %arg6[%dma_start3A_284, %dma_start3A_285] : memref<20x128xi32, #tpu.memory_space<vmem>> -> memref<1x128xi32, #tpu.memory_space<vmem>>
        %dma_start3A_287 = tpu.memref_squeeze %dma_start3A_286 : memref<1x128xi32, #tpu.memory_space<vmem>> -> memref<128xi32, #tpu.memory_space<vmem>>
        %dma_start3A_288 = arith.constant 0 : i32
        %dma_start3A_289 = arith.constant 0 : i32
        %dma_start3A_290 = tpu.memref_slice %arg2[%dma_start3A_288, %dma_start3A_289] : memref<10000x128xf32, #tpu.memory_space<hbm>> -> memref<10000x128xf32, #tpu.memory_space<hbm>>
        tpu.enqueue_indirect_dma source(%dma_start3A_290 : memref<10000x128xf32, #tpu.memory_space<hbm>>) target(%arg11 : memref<128x128xf32, #tpu.memory_space<vmem>>) offsets(%dma_start3A_287 : memref<128xi32, #tpu.memory_space<vmem>>) semaphore(%arg14 : memref<!tpu.dma_semaphore, #tpu.memory_space<semaphore_mem>>)
        %dma_wait3A_291 = arith.constant 0 : i32
        %dma_wait3A_292 = arith.constant 0 : i32
        %dma_wait3A_293 = tpu.memref_slice %arg2[%dma_wait3A_291, %dma_wait3A_292] : memref<10000x128xf32, #tpu.memory_space<hbm>> -> memref<128x128xf32, #tpu.memory_space<hbm>>
        %dma_wait3A_294 = arith.constant 0 : i32
        %dma_wait3A_295 = arith.constant 0 : i32
        %dma_wait3A_296 = tpu.memref_slice %arg2[%dma_wait3A_294, %dma_wait3A_295] : memref<10000x128xf32, #tpu.memory_space<hbm>> -> memref<128x128xf32, #tpu.memory_space<hbm>>
        tpu.wait_dma2 semaphore(%arg13 : memref<!tpu.dma_semaphore, #tpu.memory_space<semaphore_mem>>) src(%dma_wait3A_296 : memref<128x128xf32, #tpu.memory_space<hbm>>) dst(%arg10 : memref<128x128xf32, #tpu.memory_space<vmem>>)
        %run_scoped3A_297 = arith.constant 10 : i32
        "tpu.region"() ({
          %run_scoped3A_417 = tpu.sem_alloc : memref<!tpu.dma_semaphore, #tpu.memory_space<semaphore_mem>>
          %dma_start3A_418 = arith.constant 0 : i32
          %dma_start3A_419 = tpu.memref_slice %arg7[%run_scoped3A_297, %dma_start3A_418] : memref<20x128xi32, #tpu.memory_space<vmem>> -> memref<1x128xi32, #tpu.memory_space<vmem>>
          %dma_start3A_420 = tpu.memref_squeeze %dma_start3A_419 : memref<1x128xi32, #tpu.memory_space<vmem>> -> memref<128xi32, #tpu.memory_space<vmem>>
          %dma_start3A_421 = arith.constant 0 : i32
          %dma_start3A_422 = arith.constant 0 : i32
          %dma_start3A_423 = tpu.memref_slice %arg12[%dma_start3A_421, %dma_start3A_422] : memref<10240x128xf32, #tpu.memory_space<vmem_shared>> -> memref<10240x128xf32, #tpu.memory_space<vmem_shared>>
          tpu.enqueue_indirect_dma source(%arg10 : memref<128x128xf32, #tpu.memory_space<vmem>>) target(%dma_start3A_423 : memref<10240x128xf32, #tpu.memory_space<vmem_shared>>) offsets(%dma_start3A_420 : memref<128xi32, #tpu.memory_space<vmem>>) semaphore(%run_scoped3A_417 : memref<!tpu.dma_semaphore, #tpu.memory_space<semaphore_mem>>) {add = true}
          %dma_wait3A_424 = arith.constant 0 : i32
          %dma_wait3A_425 = tpu.memref_slice %arg7[%run_scoped3A_297, %dma_wait3A_424] : memref<20x128xi32, #tpu.memory_space<vmem>> -> memref<1x128xi32, #tpu.memory_space<vmem>>
          %dma_wait3A_426 = tpu.memref_squeeze %dma_wait3A_425 : memref<1x128xi32, #tpu.memory_space<vmem>> -> memref<128xi32, #tpu.memory_space<vmem>>
          %dma_wait3A_427 = arith.constant 0 : i32
          %dma_wait3A_428 = arith.constant 0 : i32
          %dma_wait3A_429 = tpu.memref_slice %arg12[%dma_wait3A_427, %dma_wait3A_428] : memref<10240x128xf32, #tpu.memory_space<vmem_shared>> -> memref<10240x128xf32, #tpu.memory_space<vmem_shared>>
          tpu.wait_indirect_dma semaphore(%run_scoped3A_417 : memref<!tpu.dma_semaphore, #tpu.memory_space<semaphore_mem>>) src(%arg10 : memref<128x128xf32, #tpu.memory_space<vmem>>) dst(%dma_wait3A_429 : memref<10240x128xf32, #tpu.memory_space<vmem_shared>>)
          tpu.yield
        }) : () -> ()
        %dma_start3A_298 = arith.constant 12 : i32
        %dma_start3A_299 = arith.constant 0 : i32
        %dma_start3A_300 = tpu.memref_slice %arg6[%dma_start3A_298, %dma_start3A_299] : memref<20x128xi32, #tpu.memory_space<vmem>> -> memref<1x128xi32, #tpu.memory_space<vmem>>
        %dma_start3A_301 = tpu.memref_squeeze %dma_start3A_300 : memref<1x128xi32, #tpu.memory_space<vmem>> -> memref<128xi32, #tpu.memory_space<vmem>>
        %dma_start3A_302 = arith.constant 0 : i32
        %dma_start3A_303 = arith.constant 0 : i32
        %dma_start3A_304 = tpu.memref_slice %arg2[%dma_start3A_302, %dma_start3A_303] : memref<10000x128xf32, #tpu.memory_space<hbm>> -> memref<10000x128xf32, #tpu.memory_space<hbm>>
        tpu.enqueue_indirect_dma source(%dma_start3A_304 : memref<10000x128xf32, #tpu.memory_space<hbm>>) target(%arg10 : memref<128x128xf32, #tpu.memory_space<vmem>>) offsets(%dma_start3A_301 : memref<128xi32, #tpu.memory_space<vmem>>) semaphore(%arg13 : memref<!tpu.dma_semaphore, #tpu.memory_space<semaphore_mem>>)
        %dma_wait3A_305 = arith.constant 0 : i32
        %dma_wait3A_306 = arith.constant 0 : i32
        %dma_wait3A_307 = tpu.memref_slice %arg2[%dma_wait3A_305, %dma_wait3A_306] : memref<10000x128xf32, #tpu.memory_space<hbm>> -> memref<128x128xf32, #tpu.memory_space<hbm>>
        %dma_wait3A_308 = arith.constant 0 : i32
        %dma_wait3A_309 = arith.constant 0 : i32
        %dma_wait3A_310 = tpu.memref_slice %arg2[%dma_wait3A_308, %dma_wait3A_309] : memref<10000x128xf32, #tpu.memory_space<hbm>> -> memref<128x128xf32, #tpu.memory_space<hbm>>
        tpu.wait_dma2 semaphore(%arg14 : memref<!tpu.dma_semaphore, #tpu.memory_space<semaphore_mem>>) src(%dma_wait3A_310 : memref<128x128xf32, #tpu.memory_space<hbm>>) dst(%arg11 : memref<128x128xf32, #tpu.memory_space<vmem>>)
        %run_scoped3A_311 = arith.constant 11 : i32
        "tpu.region"() ({
          %run_scoped3A_417 = tpu.sem_alloc : memref<!tpu.dma_semaphore, #tpu.memory_space<semaphore_mem>>
          %dma_start3A_418 = arith.constant 0 : i32
          %dma_start3A_419 = tpu.memref_slice %arg7[%run_scoped3A_311, %dma_start3A_418] : memref<20x128xi32, #tpu.memory_space<vmem>> -> memref<1x128xi32, #tpu.memory_space<vmem>>
          %dma_start3A_420 = tpu.memref_squeeze %dma_start3A_419 : memref<1x128xi32, #tpu.memory_space<vmem>> -> memref<128xi32, #tpu.memory_space<vmem>>
          %dma_start3A_421 = arith.constant 0 : i32
          %dma_start3A_422 = arith.constant 0 : i32
          %dma_start3A_423 = tpu.memref_slice %arg12[%dma_start3A_421, %dma_start3A_422] : memref<10240x128xf32, #tpu.memory_space<vmem_shared>> -> memref<10240x128xf32, #tpu.memory_space<vmem_shared>>
          tpu.enqueue_indirect_dma source(%arg11 : memref<128x128xf32, #tpu.memory_space<vmem>>) target(%dma_start3A_423 : memref<10240x128xf32, #tpu.memory_space<vmem_shared>>) offsets(%dma_start3A_420 : memref<128xi32, #tpu.memory_space<vmem>>) semaphore(%run_scoped3A_417 : memref<!tpu.dma_semaphore, #tpu.memory_space<semaphore_mem>>) {add = true}
          %dma_wait3A_424 = arith.constant 0 : i32
          %dma_wait3A_425 = tpu.memref_slice %arg7[%run_scoped3A_311, %dma_wait3A_424] : memref<20x128xi32, #tpu.memory_space<vmem>> -> memref<1x128xi32, #tpu.memory_space<vmem>>
          %dma_wait3A_426 = tpu.memref_squeeze %dma_wait3A_425 : memref<1x128xi32, #tpu.memory_space<vmem>> -> memref<128xi32, #tpu.memory_space<vmem>>
          %dma_wait3A_427 = arith.constant 0 : i32
          %dma_wait3A_428 = arith.constant 0 : i32
          %dma_wait3A_429 = tpu.memref_slice %arg12[%dma_wait3A_427, %dma_wait3A_428] : memref<10240x128xf32, #tpu.memory_space<vmem_shared>> -> memref<10240x128xf32, #tpu.memory_space<vmem_shared>>
          tpu.wait_indirect_dma semaphore(%run_scoped3A_417 : memref<!tpu.dma_semaphore, #tpu.memory_space<semaphore_mem>>) src(%arg11 : memref<128x128xf32, #tpu.memory_space<vmem>>) dst(%dma_wait3A_429 : memref<10240x128xf32, #tpu.memory_space<vmem_shared>>)
          tpu.yield
        }) : () -> ()
        %dma_start3A_312 = arith.constant 13 : i32
        %dma_start3A_313 = arith.constant 0 : i32
        %dma_start3A_314 = tpu.memref_slice %arg6[%dma_start3A_312, %dma_start3A_313] : memref<20x128xi32, #tpu.memory_space<vmem>> -> memref<1x128xi32, #tpu.memory_space<vmem>>
        %dma_start3A_315 = tpu.memref_squeeze %dma_start3A_314 : memref<1x128xi32, #tpu.memory_space<vmem>> -> memref<128xi32, #tpu.memory_space<vmem>>
        %dma_start3A_316 = arith.constant 0 : i32
        %dma_start3A_317 = arith.constant 0 : i32
        %dma_start3A_318 = tpu.memref_slice %arg2[%dma_start3A_316, %dma_start3A_317] : memref<10000x128xf32, #tpu.memory_space<hbm>> -> memref<10000x128xf32, #tpu.memory_space<hbm>>
        tpu.enqueue_indirect_dma source(%dma_start3A_318 : memref<10000x128xf32, #tpu.memory_space<hbm>>) target(%arg11 : memref<128x128xf32, #tpu.memory_space<vmem>>) offsets(%dma_start3A_315 : memref<128xi32, #tpu.memory_space<vmem>>) semaphore(%arg14 : memref<!tpu.dma_semaphore, #tpu.memory_space<semaphore_mem>>)
        %dma_wait3A_319 = arith.constant 0 : i32
        %dma_wait3A_320 = arith.constant 0 : i32
        %dma_wait3A_321 = tpu.memref_slice %arg2[%dma_wait3A_319, %dma_wait3A_320] : memref<10000x128xf32, #tpu.memory_space<hbm>> -> memref<128x128xf32, #tpu.memory_space<hbm>>
        %dma_wait3A_322 = arith.constant 0 : i32
        %dma_wait3A_323 = arith.constant 0 : i32
        %dma_wait3A_324 = tpu.memref_slice %arg2[%dma_wait3A_322, %dma_wait3A_323] : memref<10000x128xf32, #tpu.memory_space<hbm>> -> memref<128x128xf32, #tpu.memory_space<hbm>>
        tpu.wait_dma2 semaphore(%arg13 : memref<!tpu.dma_semaphore, #tpu.memory_space<semaphore_mem>>) src(%dma_wait3A_324 : memref<128x128xf32, #tpu.memory_space<hbm>>) dst(%arg10 : memref<128x128xf32, #tpu.memory_space<vmem>>)
        %run_scoped3A_325 = arith.constant 12 : i32
        "tpu.region"() ({
          %run_scoped3A_417 = tpu.sem_alloc : memref<!tpu.dma_semaphore, #tpu.memory_space<semaphore_mem>>
          %dma_start3A_418 = arith.constant 0 : i32
          %dma_start3A_419 = tpu.memref_slice %arg7[%run_scoped3A_325, %dma_start3A_418] : memref<20x128xi32, #tpu.memory_space<vmem>> -> memref<1x128xi32, #tpu.memory_space<vmem>>
          %dma_start3A_420 = tpu.memref_squeeze %dma_start3A_419 : memref<1x128xi32, #tpu.memory_space<vmem>> -> memref<128xi32, #tpu.memory_space<vmem>>
          %dma_start3A_421 = arith.constant 0 : i32
          %dma_start3A_422 = arith.constant 0 : i32
          %dma_start3A_423 = tpu.memref_slice %arg12[%dma_start3A_421, %dma_start3A_422] : memref<10240x128xf32, #tpu.memory_space<vmem_shared>> -> memref<10240x128xf32, #tpu.memory_space<vmem_shared>>
          tpu.enqueue_indirect_dma source(%arg10 : memref<128x128xf32, #tpu.memory_space<vmem>>) target(%dma_start3A_423 : memref<10240x128xf32, #tpu.memory_space<vmem_shared>>) offsets(%dma_start3A_420 : memref<128xi32, #tpu.memory_space<vmem>>) semaphore(%run_scoped3A_417 : memref<!tpu.dma_semaphore, #tpu.memory_space<semaphore_mem>>) {add = true}
          %dma_wait3A_424 = arith.constant 0 : i32
          %dma_wait3A_425 = tpu.memref_slice %arg7[%run_scoped3A_325, %dma_wait3A_424] : memref<20x128xi32, #tpu.memory_space<vmem>> -> memref<1x128xi32, #tpu.memory_space<vmem>>
          %dma_wait3A_426 = tpu.memref_squeeze %dma_wait3A_425 : memref<1x128xi32, #tpu.memory_space<vmem>> -> memref<128xi32, #tpu.memory_space<vmem>>
          %dma_wait3A_427 = arith.constant 0 : i32
          %dma_wait3A_428 = arith.constant 0 : i32
          %dma_wait3A_429 = tpu.memref_slice %arg12[%dma_wait3A_427, %dma_wait3A_428] : memref<10240x128xf32, #tpu.memory_space<vmem_shared>> -> memref<10240x128xf32, #tpu.memory_space<vmem_shared>>
          tpu.wait_indirect_dma semaphore(%run_scoped3A_417 : memref<!tpu.dma_semaphore, #tpu.memory_space<semaphore_mem>>) src(%arg10 : memref<128x128xf32, #tpu.memory_space<vmem>>) dst(%dma_wait3A_429 : memref<10240x128xf32, #tpu.memory_space<vmem_shared>>)
          tpu.yield
        }) : () -> ()
        %dma_start3A_326 = arith.constant 14 : i32
        %dma_start3A_327 = arith.constant 0 : i32
        %dma_start3A_328 = tpu.memref_slice %arg6[%dma_start3A_326, %dma_start3A_327] : memref<20x128xi32, #tpu.memory_space<vmem>> -> memref<1x128xi32, #tpu.memory_space<vmem>>
        %dma_start3A_329 = tpu.memref_squeeze %dma_start3A_328 : memref<1x128xi32, #tpu.memory_space<vmem>> -> memref<128xi32, #tpu.memory_space<vmem>>
        %dma_start3A_330 = arith.constant 0 : i32
        %dma_start3A_331 = arith.constant 0 : i32
        %dma_start3A_332 = tpu.memref_slice %arg2[%dma_start3A_330, %dma_start3A_331] : memref<10000x128xf32, #tpu.memory_space<hbm>> -> memref<10000x128xf32, #tpu.memory_space<hbm>>
        tpu.enqueue_indirect_dma source(%dma_start3A_332 : memref<10000x128xf32, #tpu.memory_space<hbm>>) target(%arg10 : memref<128x128xf32, #tpu.memory_space<vmem>>) offsets(%dma_start3A_329 : memref<128xi32, #tpu.memory_space<vmem>>) semaphore(%arg13 : memref<!tpu.dma_semaphore, #tpu.memory_space<semaphore_mem>>)
        %dma_wait3A_333 = arith.constant 0 : i32
        %dma_wait3A_334 = arith.constant 0 : i32
        %dma_wait3A_335 = tpu.memref_slice %arg2[%dma_wait3A_333, %dma_wait3A_334] : memref<10000x128xf32, #tpu.memory_space<hbm>> -> memref<128x128xf32, #tpu.memory_space<hbm>>
        %dma_wait3A_336 = arith.constant 0 : i32
        %dma_wait3A_337 = arith.constant 0 : i32
        %dma_wait3A_338 = tpu.memref_slice %arg2[%dma_wait3A_336, %dma_wait3A_337] : memref<10000x128xf32, #tpu.memory_space<hbm>> -> memref<128x128xf32, #tpu.memory_space<hbm>>
        tpu.wait_dma2 semaphore(%arg14 : memref<!tpu.dma_semaphore, #tpu.memory_space<semaphore_mem>>) src(%dma_wait3A_338 : memref<128x128xf32, #tpu.memory_space<hbm>>) dst(%arg11 : memref<128x128xf32, #tpu.memory_space<vmem>>)
        %run_scoped3A_339 = arith.constant 13 : i32
        "tpu.region"() ({
          %run_scoped3A_417 = tpu.sem_alloc : memref<!tpu.dma_semaphore, #tpu.memory_space<semaphore_mem>>
          %dma_start3A_418 = arith.constant 0 : i32
          %dma_start3A_419 = tpu.memref_slice %arg7[%run_scoped3A_339, %dma_start3A_418] : memref<20x128xi32, #tpu.memory_space<vmem>> -> memref<1x128xi32, #tpu.memory_space<vmem>>
          %dma_start3A_420 = tpu.memref_squeeze %dma_start3A_419 : memref<1x128xi32, #tpu.memory_space<vmem>> -> memref<128xi32, #tpu.memory_space<vmem>>
          %dma_start3A_421 = arith.constant 0 : i32
          %dma_start3A_422 = arith.constant 0 : i32
          %dma_start3A_423 = tpu.memref_slice %arg12[%dma_start3A_421, %dma_start3A_422] : memref<10240x128xf32, #tpu.memory_space<vmem_shared>> -> memref<10240x128xf32, #tpu.memory_space<vmem_shared>>
          tpu.enqueue_indirect_dma source(%arg11 : memref<128x128xf32, #tpu.memory_space<vmem>>) target(%dma_start3A_423 : memref<10240x128xf32, #tpu.memory_space<vmem_shared>>) offsets(%dma_start3A_420 : memref<128xi32, #tpu.memory_space<vmem>>) semaphore(%run_scoped3A_417 : memref<!tpu.dma_semaphore, #tpu.memory_space<semaphore_mem>>) {add = true}
          %dma_wait3A_424 = arith.constant 0 : i32
          %dma_wait3A_425 = tpu.memref_slice %arg7[%run_scoped3A_339, %dma_wait3A_424] : memref<20x128xi32, #tpu.memory_space<vmem>> -> memref<1x128xi32, #tpu.memory_space<vmem>>
          %dma_wait3A_426 = tpu.memref_squeeze %dma_wait3A_425 : memref<1x128xi32, #tpu.memory_space<vmem>> -> memref<128xi32, #tpu.memory_space<vmem>>
          %dma_wait3A_427 = arith.constant 0 : i32
          %dma_wait3A_428 = arith.constant 0 : i32
          %dma_wait3A_429 = tpu.memref_slice %arg12[%dma_wait3A_427, %dma_wait3A_428] : memref<10240x128xf32, #tpu.memory_space<vmem_shared>> -> memref<10240x128xf32, #tpu.memory_space<vmem_shared>>
          tpu.wait_indirect_dma semaphore(%run_scoped3A_417 : memref<!tpu.dma_semaphore, #tpu.memory_space<semaphore_mem>>) src(%arg11 : memref<128x128xf32, #tpu.memory_space<vmem>>) dst(%dma_wait3A_429 : memref<10240x128xf32, #tpu.memory_space<vmem_shared>>)
          tpu.yield
        }) : () -> ()
        %dma_start3A_340 = arith.constant 15 : i32
        %dma_start3A_341 = arith.constant 0 : i32
        %dma_start3A_342 = tpu.memref_slice %arg6[%dma_start3A_340, %dma_start3A_341] : memref<20x128xi32, #tpu.memory_space<vmem>> -> memref<1x128xi32, #tpu.memory_space<vmem>>
        %dma_start3A_343 = tpu.memref_squeeze %dma_start3A_342 : memref<1x128xi32, #tpu.memory_space<vmem>> -> memref<128xi32, #tpu.memory_space<vmem>>
        %dma_start3A_344 = arith.constant 0 : i32
        %dma_start3A_345 = arith.constant 0 : i32
        %dma_start3A_346 = tpu.memref_slice %arg2[%dma_start3A_344, %dma_start3A_345] : memref<10000x128xf32, #tpu.memory_space<hbm>> -> memref<10000x128xf32, #tpu.memory_space<hbm>>
        tpu.enqueue_indirect_dma source(%dma_start3A_346 : memref<10000x128xf32, #tpu.memory_space<hbm>>) target(%arg11 : memref<128x128xf32, #tpu.memory_space<vmem>>) offsets(%dma_start3A_343 : memref<128xi32, #tpu.memory_space<vmem>>) semaphore(%arg14 : memref<!tpu.dma_semaphore, #tpu.memory_space<semaphore_mem>>)
        %dma_wait3A_347 = arith.constant 0 : i32
        %dma_wait3A_348 = arith.constant 0 : i32
        %dma_wait3A_349 = tpu.memref_slice %arg2[%dma_wait3A_347, %dma_wait3A_348] : memref<10000x128xf32, #tpu.memory_space<hbm>> -> memref<128x128xf32, #tpu.memory_space<hbm>>
        %dma_wait3A_350 = arith.constant 0 : i32
        %dma_wait3A_351 = arith.constant 0 : i32
        %dma_wait3A_352 = tpu.memref_slice %arg2[%dma_wait3A_350, %dma_wait3A_351] : memref<10000x128xf32, #tpu.memory_space<hbm>> -> memref<128x128xf32, #tpu.memory_space<hbm>>
        tpu.wait_dma2 semaphore(%arg13 : memref<!tpu.dma_semaphore, #tpu.memory_space<semaphore_mem>>) src(%dma_wait3A_352 : memref<128x128xf32, #tpu.memory_space<hbm>>) dst(%arg10 : memref<128x128xf32, #tpu.memory_space<vmem>>)
        %run_scoped3A_353 = arith.constant 14 : i32
        "tpu.region"() ({
          %run_scoped3A_417 = tpu.sem_alloc : memref<!tpu.dma_semaphore, #tpu.memory_space<semaphore_mem>>
          %dma_start3A_418 = arith.constant 0 : i32
          %dma_start3A_419 = tpu.memref_slice %arg7[%run_scoped3A_353, %dma_start3A_418] : memref<20x128xi32, #tpu.memory_space<vmem>> -> memref<1x128xi32, #tpu.memory_space<vmem>>
          %dma_start3A_420 = tpu.memref_squeeze %dma_start3A_419 : memref<1x128xi32, #tpu.memory_space<vmem>> -> memref<128xi32, #tpu.memory_space<vmem>>
          %dma_start3A_421 = arith.constant 0 : i32
          %dma_start3A_422 = arith.constant 0 : i32
          %dma_start3A_423 = tpu.memref_slice %arg12[%dma_start3A_421, %dma_start3A_422] : memref<10240x128xf32, #tpu.memory_space<vmem_shared>> -> memref<10240x128xf32, #tpu.memory_space<vmem_shared>>
          tpu.enqueue_indirect_dma source(%arg10 : memref<128x128xf32, #tpu.memory_space<vmem>>) target(%dma_start3A_423 : memref<10240x128xf32, #tpu.memory_space<vmem_shared>>) offsets(%dma_start3A_420 : memref<128xi32, #tpu.memory_space<vmem>>) semaphore(%run_scoped3A_417 : memref<!tpu.dma_semaphore, #tpu.memory_space<semaphore_mem>>) {add = true}
          %dma_wait3A_424 = arith.constant 0 : i32
          %dma_wait3A_425 = tpu.memref_slice %arg7[%run_scoped3A_353, %dma_wait3A_424] : memref<20x128xi32, #tpu.memory_space<vmem>> -> memref<1x128xi32, #tpu.memory_space<vmem>>
          %dma_wait3A_426 = tpu.memref_squeeze %dma_wait3A_425 : memref<1x128xi32, #tpu.memory_space<vmem>> -> memref<128xi32, #tpu.memory_space<vmem>>
          %dma_wait3A_427 = arith.constant 0 : i32
          %dma_wait3A_428 = arith.constant 0 : i32
          %dma_wait3A_429 = tpu.memref_slice %arg12[%dma_wait3A_427, %dma_wait3A_428] : memref<10240x128xf32, #tpu.memory_space<vmem_shared>> -> memref<10240x128xf32, #tpu.memory_space<vmem_shared>>
          tpu.wait_indirect_dma semaphore(%run_scoped3A_417 : memref<!tpu.dma_semaphore, #tpu.memory_space<semaphore_mem>>) src(%arg10 : memref<128x128xf32, #tpu.memory_space<vmem>>) dst(%dma_wait3A_429 : memref<10240x128xf32, #tpu.memory_space<vmem_shared>>)
          tpu.yield
        }) : () -> ()
        %dma_start3A_354 = arith.constant 16 : i32
        %dma_start3A_355 = arith.constant 0 : i32
        %dma_start3A_356 = tpu.memref_slice %arg6[%dma_start3A_354, %dma_start3A_355] : memref<20x128xi32, #tpu.memory_space<vmem>> -> memref<1x128xi32, #tpu.memory_space<vmem>>
        %dma_start3A_357 = tpu.memref_squeeze %dma_start3A_356 : memref<1x128xi32, #tpu.memory_space<vmem>> -> memref<128xi32, #tpu.memory_space<vmem>>
        %dma_start3A_358 = arith.constant 0 : i32
        %dma_start3A_359 = arith.constant 0 : i32
        %dma_start3A_360 = tpu.memref_slice %arg2[%dma_start3A_358, %dma_start3A_359] : memref<10000x128xf32, #tpu.memory_space<hbm>> -> memref<10000x128xf32, #tpu.memory_space<hbm>>
        tpu.enqueue_indirect_dma source(%dma_start3A_360 : memref<10000x128xf32, #tpu.memory_space<hbm>>) target(%arg10 : memref<128x128xf32, #tpu.memory_space<vmem>>) offsets(%dma_start3A_357 : memref<128xi32, #tpu.memory_space<vmem>>) semaphore(%arg13 : memref<!tpu.dma_semaphore, #tpu.memory_space<semaphore_mem>>)
        %dma_wait3A_361 = arith.constant 0 : i32
        %dma_wait3A_362 = arith.constant 0 : i32
        %dma_wait3A_363 = tpu.memref_slice %arg2[%dma_wait3A_361, %dma_wait3A_362] : memref<10000x128xf32, #tpu.memory_space<hbm>> -> memref<128x128xf32, #tpu.memory_space<hbm>>
        %dma_wait3A_364 = arith.constant 0 : i32
        %dma_wait3A_365 = arith.constant 0 : i32
        %dma_wait3A_366 = tpu.memref_slice %arg2[%dma_wait3A_364, %dma_wait3A_365] : memref<10000x128xf32, #tpu.memory_space<hbm>> -> memref<128x128xf32, #tpu.memory_space<hbm>>
        tpu.wait_dma2 semaphore(%arg14 : memref<!tpu.dma_semaphore, #tpu.memory_space<semaphore_mem>>) src(%dma_wait3A_366 : memref<128x128xf32, #tpu.memory_space<hbm>>) dst(%arg11 : memref<128x128xf32, #tpu.memory_space<vmem>>)
        %run_scoped3A_367 = arith.constant 15 : i32
        "tpu.region"() ({
          %run_scoped3A_417 = tpu.sem_alloc : memref<!tpu.dma_semaphore, #tpu.memory_space<semaphore_mem>>
          %dma_start3A_418 = arith.constant 0 : i32
          %dma_start3A_419 = tpu.memref_slice %arg7[%run_scoped3A_367, %dma_start3A_418] : memref<20x128xi32, #tpu.memory_space<vmem>> -> memref<1x128xi32, #tpu.memory_space<vmem>>
          %dma_start3A_420 = tpu.memref_squeeze %dma_start3A_419 : memref<1x128xi32, #tpu.memory_space<vmem>> -> memref<128xi32, #tpu.memory_space<vmem>>
          %dma_start3A_421 = arith.constant 0 : i32
          %dma_start3A_422 = arith.constant 0 : i32
          %dma_start3A_423 = tpu.memref_slice %arg12[%dma_start3A_421, %dma_start3A_422] : memref<10240x128xf32, #tpu.memory_space<vmem_shared>> -> memref<10240x128xf32, #tpu.memory_space<vmem_shared>>
          tpu.enqueue_indirect_dma source(%arg11 : memref<128x128xf32, #tpu.memory_space<vmem>>) target(%dma_start3A_423 : memref<10240x128xf32, #tpu.memory_space<vmem_shared>>) offsets(%dma_start3A_420 : memref<128xi32, #tpu.memory_space<vmem>>) semaphore(%run_scoped3A_417 : memref<!tpu.dma_semaphore, #tpu.memory_space<semaphore_mem>>) {add = true}
          %dma_wait3A_424 = arith.constant 0 : i32
          %dma_wait3A_425 = tpu.memref_slice %arg7[%run_scoped3A_367, %dma_wait3A_424] : memref<20x128xi32, #tpu.memory_space<vmem>> -> memref<1x128xi32, #tpu.memory_space<vmem>>
          %dma_wait3A_426 = tpu.memref_squeeze %dma_wait3A_425 : memref<1x128xi32, #tpu.memory_space<vmem>> -> memref<128xi32, #tpu.memory_space<vmem>>
          %dma_wait3A_427 = arith.constant 0 : i32
          %dma_wait3A_428 = arith.constant 0 : i32
          %dma_wait3A_429 = tpu.memref_slice %arg12[%dma_wait3A_427, %dma_wait3A_428] : memref<10240x128xf32, #tpu.memory_space<vmem_shared>> -> memref<10240x128xf32, #tpu.memory_space<vmem_shared>>
          tpu.wait_indirect_dma semaphore(%run_scoped3A_417 : memref<!tpu.dma_semaphore, #tpu.memory_space<semaphore_mem>>) src(%arg11 : memref<128x128xf32, #tpu.memory_space<vmem>>) dst(%dma_wait3A_429 : memref<10240x128xf32, #tpu.memory_space<vmem_shared>>)
          tpu.yield
        }) : () -> ()
        %dma_start3A_368 = arith.constant 17 : i32
        %dma_start3A_369 = arith.constant 0 : i32
        %dma_start3A_370 = tpu.memref_slice %arg6[%dma_start3A_368, %dma_start3A_369] : memref<20x128xi32, #tpu.memory_space<vmem>> -> memref<1x128xi32, #tpu.memory_space<vmem>>
        %dma_start3A_371 = tpu.memref_squeeze %dma_start3A_370 : memref<1x128xi32, #tpu.memory_space<vmem>> -> memref<128xi32, #tpu.memory_space<vmem>>
        %dma_start3A_372 = arith.constant 0 : i32
        %dma_start3A_373 = arith.constant 0 : i32
        %dma_start3A_374 = tpu.memref_slice %arg2[%dma_start3A_372, %dma_start3A_373] : memref<10000x128xf32, #tpu.memory_space<hbm>> -> memref<10000x128xf32, #tpu.memory_space<hbm>>
        tpu.enqueue_indirect_dma source(%dma_start3A_374 : memref<10000x128xf32, #tpu.memory_space<hbm>>) target(%arg11 : memref<128x128xf32, #tpu.memory_space<vmem>>) offsets(%dma_start3A_371 : memref<128xi32, #tpu.memory_space<vmem>>) semaphore(%arg14 : memref<!tpu.dma_semaphore, #tpu.memory_space<semaphore_mem>>)
        %dma_wait3A_375 = arith.constant 0 : i32
        %dma_wait3A_376 = arith.constant 0 : i32
        %dma_wait3A_377 = tpu.memref_slice %arg2[%dma_wait3A_375, %dma_wait3A_376] : memref<10000x128xf32, #tpu.memory_space<hbm>> -> memref<128x128xf32, #tpu.memory_space<hbm>>
        %dma_wait3A_378 = arith.constant 0 : i32
        %dma_wait3A_379 = arith.constant 0 : i32
        %dma_wait3A_380 = tpu.memref_slice %arg2[%dma_wait3A_378, %dma_wait3A_379] : memref<10000x128xf32, #tpu.memory_space<hbm>> -> memref<128x128xf32, #tpu.memory_space<hbm>>
        tpu.wait_dma2 semaphore(%arg13 : memref<!tpu.dma_semaphore, #tpu.memory_space<semaphore_mem>>) src(%dma_wait3A_380 : memref<128x128xf32, #tpu.memory_space<hbm>>) dst(%arg10 : memref<128x128xf32, #tpu.memory_space<vmem>>)
        %run_scoped3A_381 = arith.constant 16 : i32
        "tpu.region"() ({
          %run_scoped3A_417 = tpu.sem_alloc : memref<!tpu.dma_semaphore, #tpu.memory_space<semaphore_mem>>
          %dma_start3A_418 = arith.constant 0 : i32
          %dma_start3A_419 = tpu.memref_slice %arg7[%run_scoped3A_381, %dma_start3A_418] : memref<20x128xi32, #tpu.memory_space<vmem>> -> memref<1x128xi32, #tpu.memory_space<vmem>>
          %dma_start3A_420 = tpu.memref_squeeze %dma_start3A_419 : memref<1x128xi32, #tpu.memory_space<vmem>> -> memref<128xi32, #tpu.memory_space<vmem>>
          %dma_start3A_421 = arith.constant 0 : i32
          %dma_start3A_422 = arith.constant 0 : i32
          %dma_start3A_423 = tpu.memref_slice %arg12[%dma_start3A_421, %dma_start3A_422] : memref<10240x128xf32, #tpu.memory_space<vmem_shared>> -> memref<10240x128xf32, #tpu.memory_space<vmem_shared>>
          tpu.enqueue_indirect_dma source(%arg10 : memref<128x128xf32, #tpu.memory_space<vmem>>) target(%dma_start3A_423 : memref<10240x128xf32, #tpu.memory_space<vmem_shared>>) offsets(%dma_start3A_420 : memref<128xi32, #tpu.memory_space<vmem>>) semaphore(%run_scoped3A_417 : memref<!tpu.dma_semaphore, #tpu.memory_space<semaphore_mem>>) {add = true}
          %dma_wait3A_424 = arith.constant 0 : i32
          %dma_wait3A_425 = tpu.memref_slice %arg7[%run_scoped3A_381, %dma_wait3A_424] : memref<20x128xi32, #tpu.memory_space<vmem>> -> memref<1x128xi32, #tpu.memory_space<vmem>>
          %dma_wait3A_426 = tpu.memref_squeeze %dma_wait3A_425 : memref<1x128xi32, #tpu.memory_space<vmem>> -> memref<128xi32, #tpu.memory_space<vmem>>
          %dma_wait3A_427 = arith.constant 0 : i32
          %dma_wait3A_428 = arith.constant 0 : i32
          %dma_wait3A_429 = tpu.memref_slice %arg12[%dma_wait3A_427, %dma_wait3A_428] : memref<10240x128xf32, #tpu.memory_space<vmem_shared>> -> memref<10240x128xf32, #tpu.memory_space<vmem_shared>>
          tpu.wait_indirect_dma semaphore(%run_scoped3A_417 : memref<!tpu.dma_semaphore, #tpu.memory_space<semaphore_mem>>) src(%arg10 : memref<128x128xf32, #tpu.memory_space<vmem>>) dst(%dma_wait3A_429 : memref<10240x128xf32, #tpu.memory_space<vmem_shared>>)
          tpu.yield
        }) : () -> ()
        %dma_start3A_382 = arith.constant 18 : i32
        %dma_start3A_383 = arith.constant 0 : i32
        %dma_start3A_384 = tpu.memref_slice %arg6[%dma_start3A_382, %dma_start3A_383] : memref<20x128xi32, #tpu.memory_space<vmem>> -> memref<1x128xi32, #tpu.memory_space<vmem>>
        %dma_start3A_385 = tpu.memref_squeeze %dma_start3A_384 : memref<1x128xi32, #tpu.memory_space<vmem>> -> memref<128xi32, #tpu.memory_space<vmem>>
        %dma_start3A_386 = arith.constant 0 : i32
        %dma_start3A_387 = arith.constant 0 : i32
        %dma_start3A_388 = tpu.memref_slice %arg2[%dma_start3A_386, %dma_start3A_387] : memref<10000x128xf32, #tpu.memory_space<hbm>> -> memref<10000x128xf32, #tpu.memory_space<hbm>>
        tpu.enqueue_indirect_dma source(%dma_start3A_388 : memref<10000x128xf32, #tpu.memory_space<hbm>>) target(%arg10 : memref<128x128xf32, #tpu.memory_space<vmem>>) offsets(%dma_start3A_385 : memref<128xi32, #tpu.memory_space<vmem>>) semaphore(%arg13 : memref<!tpu.dma_semaphore, #tpu.memory_space<semaphore_mem>>)
        %dma_wait3A_389 = arith.constant 0 : i32
        %dma_wait3A_390 = arith.constant 0 : i32
        %dma_wait3A_391 = tpu.memref_slice %arg2[%dma_wait3A_389, %dma_wait3A_390] : memref<10000x128xf32, #tpu.memory_space<hbm>> -> memref<128x128xf32, #tpu.memory_space<hbm>>
        %dma_wait3A_392 = arith.constant 0 : i32
        %dma_wait3A_393 = arith.constant 0 : i32
        %dma_wait3A_394 = tpu.memref_slice %arg2[%dma_wait3A_392, %dma_wait3A_393] : memref<10000x128xf32, #tpu.memory_space<hbm>> -> memref<128x128xf32, #tpu.memory_space<hbm>>
        tpu.wait_dma2 semaphore(%arg14 : memref<!tpu.dma_semaphore, #tpu.memory_space<semaphore_mem>>) src(%dma_wait3A_394 : memref<128x128xf32, #tpu.memory_space<hbm>>) dst(%arg11 : memref<128x128xf32, #tpu.memory_space<vmem>>)
        %run_scoped3A_395 = arith.constant 17 : i32
        "tpu.region"() ({
          %run_scoped3A_417 = tpu.sem_alloc : memref<!tpu.dma_semaphore, #tpu.memory_space<semaphore_mem>>
          %dma_start3A_418 = arith.constant 0 : i32
          %dma_start3A_419 = tpu.memref_slice %arg7[%run_scoped3A_395, %dma_start3A_418] : memref<20x128xi32, #tpu.memory_space<vmem>> -> memref<1x128xi32, #tpu.memory_space<vmem>>
          %dma_start3A_420 = tpu.memref_squeeze %dma_start3A_419 : memref<1x128xi32, #tpu.memory_space<vmem>> -> memref<128xi32, #tpu.memory_space<vmem>>
          %dma_start3A_421 = arith.constant 0 : i32
          %dma_start3A_422 = arith.constant 0 : i32
          %dma_start3A_423 = tpu.memref_slice %arg12[%dma_start3A_421, %dma_start3A_422] : memref<10240x128xf32, #tpu.memory_space<vmem_shared>> -> memref<10240x128xf32, #tpu.memory_space<vmem_shared>>
          tpu.enqueue_indirect_dma source(%arg11 : memref<128x128xf32, #tpu.memory_space<vmem>>) target(%dma_start3A_423 : memref<10240x128xf32, #tpu.memory_space<vmem_shared>>) offsets(%dma_start3A_420 : memref<128xi32, #tpu.memory_space<vmem>>) semaphore(%run_scoped3A_417 : memref<!tpu.dma_semaphore, #tpu.memory_space<semaphore_mem>>) {add = true}
          %dma_wait3A_424 = arith.constant 0 : i32
          %dma_wait3A_425 = tpu.memref_slice %arg7[%run_scoped3A_395, %dma_wait3A_424] : memref<20x128xi32, #tpu.memory_space<vmem>> -> memref<1x128xi32, #tpu.memory_space<vmem>>
          %dma_wait3A_426 = tpu.memref_squeeze %dma_wait3A_425 : memref<1x128xi32, #tpu.memory_space<vmem>> -> memref<128xi32, #tpu.memory_space<vmem>>
          %dma_wait3A_427 = arith.constant 0 : i32
          %dma_wait3A_428 = arith.constant 0 : i32
          %dma_wait3A_429 = tpu.memref_slice %arg12[%dma_wait3A_427, %dma_wait3A_428] : memref<10240x128xf32, #tpu.memory_space<vmem_shared>> -> memref<10240x128xf32, #tpu.memory_space<vmem_shared>>
          tpu.wait_indirect_dma semaphore(%run_scoped3A_417 : memref<!tpu.dma_semaphore, #tpu.memory_space<semaphore_mem>>) src(%arg11 : memref<128x128xf32, #tpu.memory_space<vmem>>) dst(%dma_wait3A_429 : memref<10240x128xf32, #tpu.memory_space<vmem_shared>>)
          tpu.yield
        }) : () -> ()
        %dma_start3A_396 = arith.constant 19 : i32
        %dma_start3A_397 = arith.constant 0 : i32
        %dma_start3A_398 = tpu.memref_slice %arg6[%dma_start3A_396, %dma_start3A_397] : memref<20x128xi32, #tpu.memory_space<vmem>> -> memref<1x128xi32, #tpu.memory_space<vmem>>
        %dma_start3A_399 = tpu.memref_squeeze %dma_start3A_398 : memref<1x128xi32, #tpu.memory_space<vmem>> -> memref<128xi32, #tpu.memory_space<vmem>>
        %dma_start3A_400 = arith.constant 0 : i32
        %dma_start3A_401 = arith.constant 0 : i32
        %dma_start3A_402 = tpu.memref_slice %arg2[%dma_start3A_400, %dma_start3A_401] : memref<10000x128xf32, #tpu.memory_space<hbm>> -> memref<10000x128xf32, #tpu.memory_space<hbm>>
        tpu.enqueue_indirect_dma source(%dma_start3A_402 : memref<10000x128xf32, #tpu.memory_space<hbm>>) target(%arg11 : memref<128x128xf32, #tpu.memory_space<vmem>>) offsets(%dma_start3A_399 : memref<128xi32, #tpu.memory_space<vmem>>) semaphore(%arg14 : memref<!tpu.dma_semaphore, #tpu.memory_space<semaphore_mem>>)
        %dma_wait3A_403 = arith.constant 0 : i32
        %dma_wait3A_404 = arith.constant 0 : i32
        %dma_wait3A_405 = tpu.memref_slice %arg2[%dma_wait3A_403, %dma_wait3A_404] : memref<10000x128xf32, #tpu.memory_space<hbm>> -> memref<128x128xf32, #tpu.memory_space<hbm>>
        %dma_wait3A_406 = arith.constant 0 : i32
        %dma_wait3A_407 = arith.constant 0 : i32
        %dma_wait3A_408 = tpu.memref_slice %arg2[%dma_wait3A_406, %dma_wait3A_407] : memref<10000x128xf32, #tpu.memory_space<hbm>> -> memref<128x128xf32, #tpu.memory_space<hbm>>
        tpu.wait_dma2 semaphore(%arg13 : memref<!tpu.dma_semaphore, #tpu.memory_space<semaphore_mem>>) src(%dma_wait3A_408 : memref<128x128xf32, #tpu.memory_space<hbm>>) dst(%arg10 : memref<128x128xf32, #tpu.memory_space<vmem>>)
        %run_scoped3A_409 = arith.constant 18 : i32
        "tpu.region"() ({
          %run_scoped3A_417 = tpu.sem_alloc : memref<!tpu.dma_semaphore, #tpu.memory_space<semaphore_mem>>
          %dma_start3A_418 = arith.constant 0 : i32
          %dma_start3A_419 = tpu.memref_slice %arg7[%run_scoped3A_409, %dma_start3A_418] : memref<20x128xi32, #tpu.memory_space<vmem>> -> memref<1x128xi32, #tpu.memory_space<vmem>>
          %dma_start3A_420 = tpu.memref_squeeze %dma_start3A_419 : memref<1x128xi32, #tpu.memory_space<vmem>> -> memref<128xi32, #tpu.memory_space<vmem>>
          %dma_start3A_421 = arith.constant 0 : i32
          %dma_start3A_422 = arith.constant 0 : i32
          %dma_start3A_423 = tpu.memref_slice %arg12[%dma_start3A_421, %dma_start3A_422] : memref<10240x128xf32, #tpu.memory_space<vmem_shared>> -> memref<10240x128xf32, #tpu.memory_space<vmem_shared>>
          tpu.enqueue_indirect_dma source(%arg10 : memref<128x128xf32, #tpu.memory_space<vmem>>) target(%dma_start3A_423 : memref<10240x128xf32, #tpu.memory_space<vmem_shared>>) offsets(%dma_start3A_420 : memref<128xi32, #tpu.memory_space<vmem>>) semaphore(%run_scoped3A_417 : memref<!tpu.dma_semaphore, #tpu.memory_space<semaphore_mem>>) {add = true}
          %dma_wait3A_424 = arith.constant 0 : i32
          %dma_wait3A_425 = tpu.memref_slice %arg7[%run_scoped3A_409, %dma_wait3A_424] : memref<20x128xi32, #tpu.memory_space<vmem>> -> memref<1x128xi32, #tpu.memory_space<vmem>>
          %dma_wait3A_426 = tpu.memref_squeeze %dma_wait3A_425 : memref<1x128xi32, #tpu.memory_space<vmem>> -> memref<128xi32, #tpu.memory_space<vmem>>
          %dma_wait3A_427 = arith.constant 0 : i32
          %dma_wait3A_428 = arith.constant 0 : i32
          %dma_wait3A_429 = tpu.memref_slice %arg12[%dma_wait3A_427, %dma_wait3A_428] : memref<10240x128xf32, #tpu.memory_space<vmem_shared>> -> memref<10240x128xf32, #tpu.memory_space<vmem_shared>>
          tpu.wait_indirect_dma semaphore(%run_scoped3A_417 : memref<!tpu.dma_semaphore, #tpu.memory_space<semaphore_mem>>) src(%arg10 : memref<128x128xf32, #tpu.memory_space<vmem>>) dst(%dma_wait3A_429 : memref<10240x128xf32, #tpu.memory_space<vmem_shared>>)
          tpu.yield
        }) : () -> ()
        %dma_wait3A_410 = arith.constant 0 : i32
        %dma_wait3A_411 = arith.constant 0 : i32
        %dma_wait3A_412 = tpu.memref_slice %arg2[%dma_wait3A_410, %dma_wait3A_411] : memref<10000x128xf32, #tpu.memory_space<hbm>> -> memref<128x128xf32, #tpu.memory_space<hbm>>
        %dma_wait3A_413 = arith.constant 0 : i32
        %dma_wait3A_414 = arith.constant 0 : i32
        %dma_wait3A_415 = tpu.memref_slice %arg2[%dma_wait3A_413, %dma_wait3A_414] : memref<10000x128xf32, #tpu.memory_space<hbm>> -> memref<128x128xf32, #tpu.memory_space<hbm>>
        tpu.wait_dma2 semaphore(%arg14 : memref<!tpu.dma_semaphore, #tpu.memory_space<semaphore_mem>>) src(%dma_wait3A_415 : memref<128x128xf32, #tpu.memory_space<hbm>>) dst(%arg11 : memref<128x128xf32, #tpu.memory_space<vmem>>)
        %run_scoped3A_416 = arith.constant 19 : i32
        "tpu.region"() ({
          %run_scoped3A_417 = tpu.sem_alloc : memref<!tpu.dma_semaphore, #tpu.memory_space<semaphore_mem>>
          %dma_start3A_418 = arith.constant 0 : i32
          %dma_start3A_419 = tpu.memref_slice %arg7[%run_scoped3A_416, %dma_start3A_418] : memref<20x128xi32, #tpu.memory_space<vmem>> -> memref<1x128xi32, #tpu.memory_space<vmem>>
          %dma_start3A_420 = tpu.memref_squeeze %dma_start3A_419 : memref<1x128xi32, #tpu.memory_space<vmem>> -> memref<128xi32, #tpu.memory_space<vmem>>
          %dma_start3A_421 = arith.constant 0 : i32
          %dma_start3A_422 = arith.constant 0 : i32
          %dma_start3A_423 = tpu.memref_slice %arg12[%dma_start3A_421, %dma_start3A_422] : memref<10240x128xf32, #tpu.memory_space<vmem_shared>> -> memref<10240x128xf32, #tpu.memory_space<vmem_shared>>
          tpu.enqueue_indirect_dma source(%arg11 : memref<128x128xf32, #tpu.memory_space<vmem>>) target(%dma_start3A_423 : memref<10240x128xf32, #tpu.memory_space<vmem_shared>>) offsets(%dma_start3A_420 : memref<128xi32, #tpu.memory_space<vmem>>) semaphore(%run_scoped3A_417 : memref<!tpu.dma_semaphore, #tpu.memory_space<semaphore_mem>>) {add = true}
          %dma_wait3A_424 = arith.constant 0 : i32
          %dma_wait3A_425 = tpu.memref_slice %arg7[%run_scoped3A_416, %dma_wait3A_424] : memref<20x128xi32, #tpu.memory_space<vmem>> -> memref<1x128xi32, #tpu.memory_space<vmem>>
          %dma_wait3A_426 = tpu.memref_squeeze %dma_wait3A_425 : memref<1x128xi32, #tpu.memory_space<vmem>> -> memref<128xi32, #tpu.memory_space<vmem>>
          %dma_wait3A_427 = arith.constant 0 : i32
          %dma_wait3A_428 = arith.constant 0 : i32
          %dma_wait3A_429 = tpu.memref_slice %arg12[%dma_wait3A_427, %dma_wait3A_428] : memref<10240x128xf32, #tpu.memory_space<vmem_shared>> -> memref<10240x128xf32, #tpu.memory_space<vmem_shared>>
          tpu.wait_indirect_dma semaphore(%run_scoped3A_417 : memref<!tpu.dma_semaphore, #tpu.memory_space<semaphore_mem>>) src(%arg11 : memref<128x128xf32, #tpu.memory_space<vmem>>) dst(%dma_wait3A_429 : memref<10240x128xf32, #tpu.memory_space<vmem_shared>>)
          tpu.yield
        }) : () -> ()
      } else {
      }
      %add3A_105 = arith.constant 2 : i32
      %add3A_106 = arith.addi %mul3A_63, %add3A_105 : i32
      %lt3A_107 = arith.constant 4 : i32
      %lt3A_108 = arith.cmpi slt, %add3A_106, %lt3A_107 : i32
      %convert_element_type3A_109 = arith.extui %lt3A_108 : i1 to i32
      %cond3A_110 = arith.constant 0 : i32
      %cond3A_111 = arith.cmpi ne, %convert_element_type3A_109, %cond3A_110 : i32
      scf.if %cond3A_111 {
        %add3A_138 = arith.constant 2 : i32
        %add3A_139 = arith.addi %mul3A_63, %add3A_138 : i32
        %add3A_140 = arith.addi %mul3A_2, %add3A_139 : i32
        %min3A_141 = arith.constant 124 : i32
        %min3A_142 = arith.minsi %add3A_140, %min3A_141 : i32
        %dma_start3A_143 = arith.constant 0 : i32
        %dma_start3A_144 = arith.constant 0 : i32
        %dma_start3A_145 = tpu.memref_slice %arg3[%min3A_142, %dma_start3A_143, %dma_start3A_144] : memref<125x20x128xi32, #tpu.memory_space<hbm>> -> memref<1x20x128xi32, #tpu.memory_space<hbm>>
        %dma_start3A_146 = tpu.memref_squeeze %dma_start3A_145 : memref<1x20x128xi32, #tpu.memory_space<hbm>> -> memref<20x128xi32, #tpu.memory_space<hbm>>
        %dma_start3A_147 = arith.constant 0 : i32
        %dma_start3A_148 = arith.constant 0 : i32
        %dma_start3A_149 = tpu.memref_slice %arg3[%min3A_142, %dma_start3A_147, %dma_start3A_148] : memref<125x20x128xi32, #tpu.memory_space<hbm>> -> memref<1x20x128xi32, #tpu.memory_space<hbm>>
        %dma_start3A_150 = tpu.memref_squeeze %dma_start3A_149 : memref<1x20x128xi32, #tpu.memory_space<hbm>> -> memref<20x128xi32, #tpu.memory_space<hbm>>
        tpu.enqueue_dma source(%dma_start3A_150 : memref<20x128xi32, #tpu.memory_space<hbm>>) target(%arg6 : memref<20x128xi32, #tpu.memory_space<vmem>>) target_semaphore(%arg15 : memref<!tpu.dma_semaphore, #tpu.memory_space<semaphore_mem>>)
        %dma_start3A_151 = arith.constant 0 : i32
        %dma_start3A_152 = arith.constant 0 : i32
        %dma_start3A_153 = tpu.memref_slice %arg4[%min3A_142, %dma_start3A_151, %dma_start3A_152] : memref<125x20x128xi32, #tpu.memory_space<hbm>> -> memref<1x20x128xi32, #tpu.memory_space<hbm>>
        %dma_start3A_154 = tpu.memref_squeeze %dma_start3A_153 : memref<1x20x128xi32, #tpu.memory_space<hbm>> -> memref<20x128xi32, #tpu.memory_space<hbm>>
        %dma_start3A_155 = arith.constant 0 : i32
        %dma_start3A_156 = arith.constant 0 : i32
        %dma_start3A_157 = tpu.memref_slice %arg4[%min3A_142, %dma_start3A_155, %dma_start3A_156] : memref<125x20x128xi32, #tpu.memory_space<hbm>> -> memref<1x20x128xi32, #tpu.memory_space<hbm>>
        %dma_start3A_158 = tpu.memref_squeeze %dma_start3A_157 : memref<1x20x128xi32, #tpu.memory_space<hbm>> -> memref<20x128xi32, #tpu.memory_space<hbm>>
        tpu.enqueue_dma source(%dma_start3A_158 : memref<20x128xi32, #tpu.memory_space<hbm>>) target(%arg7 : memref<20x128xi32, #tpu.memory_space<vmem>>) target_semaphore(%arg15 : memref<!tpu.dma_semaphore, #tpu.memory_space<semaphore_mem>>)
      } else {
      }
      %dma_wait3A_112 = arith.constant 0 : i32
      %dma_wait3A_113 = arith.constant 0 : i32
      %dma_wait3A_114 = arith.constant 0 : i32
      %dma_wait3A_115 = tpu.memref_slice %arg3[%dma_wait3A_112, %dma_wait3A_113, %dma_wait3A_114] : memref<125x20x128xi32, #tpu.memory_space<hbm>> -> memref<1x20x128xi32, #tpu.memory_space<hbm>>
      %dma_wait3A_116 = tpu.memref_squeeze %dma_wait3A_115 : memref<1x20x128xi32, #tpu.memory_space<hbm>> -> memref<20x128xi32, #tpu.memory_space<hbm>>
      %dma_wait3A_117 = arith.constant 0 : i32
      %dma_wait3A_118 = arith.constant 0 : i32
      %dma_wait3A_119 = tpu.memref_slice %arg3[%dma_wait3A_112, %dma_wait3A_117, %dma_wait3A_118] : memref<125x20x128xi32, #tpu.memory_space<hbm>> -> memref<1x20x128xi32, #tpu.memory_space<hbm>>
      %dma_wait3A_120 = tpu.memref_squeeze %dma_wait3A_119 : memref<1x20x128xi32, #tpu.memory_space<hbm>> -> memref<20x128xi32, #tpu.memory_space<hbm>>
      tpu.wait_dma2 semaphore(%arg16 : memref<!tpu.dma_semaphore, #tpu.memory_space<semaphore_mem>>) src(%dma_wait3A_120 : memref<20x128xi32, #tpu.memory_space<hbm>>) dst(%arg8 : memref<20x128xi32, #tpu.memory_space<vmem>>)
      %dma_wait3A_121 = arith.constant 0 : i32
      %dma_wait3A_122 = arith.constant 0 : i32
      %dma_wait3A_123 = arith.constant 0 : i32
      %dma_wait3A_124 = tpu.memref_slice %arg3[%dma_wait3A_121, %dma_wait3A_122, %dma_wait3A_123] : memref<125x20x128xi32, #tpu.memory_space<hbm>> -> memref<1x20x128xi32, #tpu.memory_space<hbm>>
      %dma_wait3A_125 = tpu.memref_squeeze %dma_wait3A_124 : memref<1x20x128xi32, #tpu.memory_space<hbm>> -> memref<20x128xi32, #tpu.memory_space<hbm>>
      %dma_wait3A_126 = arith.constant 0 : i32
      %dma_wait3A_127 = arith.constant 0 : i32
      %dma_wait3A_128 = tpu.memref_slice %arg3[%dma_wait3A_121, %dma_wait3A_126, %dma_wait3A_127] : memref<125x20x128xi32, #tpu.memory_space<hbm>> -> memref<1x20x128xi32, #tpu.memory_space<hbm>>
      %dma_wait3A_129 = tpu.memref_squeeze %dma_wait3A_128 : memref<1x20x128xi32, #tpu.memory_space<hbm>> -> memref<20x128xi32, #tpu.memory_space<hbm>>
      tpu.wait_dma2 semaphore(%arg16 : memref<!tpu.dma_semaphore, #tpu.memory_space<semaphore_mem>>) src(%dma_wait3A_129 : memref<20x128xi32, #tpu.memory_space<hbm>>) dst(%arg9 : memref<20x128xi32, #tpu.memory_space<vmem>>)
      %add3A_130 = arith.constant 1 : i32
      %add3A_131 = arith.addi %mul3A_63, %add3A_130 : i32
      %add3A_132 = arith.addi %mul3A_2, %add3A_131 : i32
      %lt3A_133 = arith.constant 125 : i32
      %lt3A_134 = arith.cmpi slt, %add3A_132, %lt3A_133 : i32
      %convert_element_type3A_135 = arith.extui %lt3A_134 : i1 to i32
      %cond3A_136 = arith.constant 0 : i32
      %cond3A_137 = arith.cmpi ne, %convert_element_type3A_135, %cond3A_136 : i32
      scf.if %cond3A_137 {
        %dma_start3A_138 = arith.constant 0 : i32
        %dma_start3A_139 = arith.constant 0 : i32
        %dma_start3A_140 = tpu.memref_slice %arg8[%dma_start3A_138, %dma_start3A_139] : memref<20x128xi32, #tpu.memory_space<vmem>> -> memref<1x128xi32, #tpu.memory_space<vmem>>
        %dma_start3A_141 = tpu.memref_squeeze %dma_start3A_140 : memref<1x128xi32, #tpu.memory_space<vmem>> -> memref<128xi32, #tpu.memory_space<vmem>>
        %dma_start3A_142 = arith.constant 0 : i32
        %dma_start3A_143 = arith.constant 0 : i32
        %dma_start3A_144 = tpu.memref_slice %arg2[%dma_start3A_142, %dma_start3A_143] : memref<10000x128xf32, #tpu.memory_space<hbm>> -> memref<10000x128xf32, #tpu.memory_space<hbm>>
        tpu.enqueue_indirect_dma source(%dma_start3A_144 : memref<10000x128xf32, #tpu.memory_space<hbm>>) target(%arg10 : memref<128x128xf32, #tpu.memory_space<vmem>>) offsets(%dma_start3A_141 : memref<128xi32, #tpu.memory_space<vmem>>) semaphore(%arg13 : memref<!tpu.dma_semaphore, #tpu.memory_space<semaphore_mem>>)
        %dma_start3A_145 = arith.constant 1 : i32
        %dma_start3A_146 = arith.constant 0 : i32
        %dma_start3A_147 = tpu.memref_slice %arg8[%dma_start3A_145, %dma_start3A_146] : memref<20x128xi32, #tpu.memory_space<vmem>> -> memref<1x128xi32, #tpu.memory_space<vmem>>
        %dma_start3A_148 = tpu.memref_squeeze %dma_start3A_147 : memref<1x128xi32, #tpu.memory_space<vmem>> -> memref<128xi32, #tpu.memory_space<vmem>>
        %dma_start3A_149 = arith.constant 0 : i32
        %dma_start3A_150 = arith.constant 0 : i32
        %dma_start3A_151 = tpu.memref_slice %arg2[%dma_start3A_149, %dma_start3A_150] : memref<10000x128xf32, #tpu.memory_space<hbm>> -> memref<10000x128xf32, #tpu.memory_space<hbm>>
        tpu.enqueue_indirect_dma source(%dma_start3A_151 : memref<10000x128xf32, #tpu.memory_space<hbm>>) target(%arg11 : memref<128x128xf32, #tpu.memory_space<vmem>>) offsets(%dma_start3A_148 : memref<128xi32, #tpu.memory_space<vmem>>) semaphore(%arg14 : memref<!tpu.dma_semaphore, #tpu.memory_space<semaphore_mem>>)
        %dma_wait3A_152 = arith.constant 0 : i32
        %dma_wait3A_153 = arith.constant 0 : i32
        %dma_wait3A_154 = tpu.memref_slice %arg2[%dma_wait3A_152, %dma_wait3A_153] : memref<10000x128xf32, #tpu.memory_space<hbm>> -> memref<128x128xf32, #tpu.memory_space<hbm>>
        %dma_wait3A_155 = arith.constant 0 : i32
        %dma_wait3A_156 = arith.constant 0 : i32
        %dma_wait3A_157 = tpu.memref_slice %arg2[%dma_wait3A_155, %dma_wait3A_156] : memref<10000x128xf32, #tpu.memory_space<hbm>> -> memref<128x128xf32, #tpu.memory_space<hbm>>
        tpu.wait_dma2 semaphore(%arg13 : memref<!tpu.dma_semaphore, #tpu.memory_space<semaphore_mem>>) src(%dma_wait3A_157 : memref<128x128xf32, #tpu.memory_space<hbm>>) dst(%arg10 : memref<128x128xf32, #tpu.memory_space<vmem>>)
        %run_scoped3A = arith.constant 0 : i32
        "tpu.region"() ({
          %run_scoped3A_417 = tpu.sem_alloc : memref<!tpu.dma_semaphore, #tpu.memory_space<semaphore_mem>>
          %dma_start3A_418 = arith.constant 0 : i32
          %dma_start3A_419 = tpu.memref_slice %arg9[%run_scoped3A, %dma_start3A_418] : memref<20x128xi32, #tpu.memory_space<vmem>> -> memref<1x128xi32, #tpu.memory_space<vmem>>
          %dma_start3A_420 = tpu.memref_squeeze %dma_start3A_419 : memref<1x128xi32, #tpu.memory_space<vmem>> -> memref<128xi32, #tpu.memory_space<vmem>>
          %dma_start3A_421 = arith.constant 0 : i32
          %dma_start3A_422 = arith.constant 0 : i32
          %dma_start3A_423 = tpu.memref_slice %arg12[%dma_start3A_421, %dma_start3A_422] : memref<10240x128xf32, #tpu.memory_space<vmem_shared>> -> memref<10240x128xf32, #tpu.memory_space<vmem_shared>>
          tpu.enqueue_indirect_dma source(%arg10 : memref<128x128xf32, #tpu.memory_space<vmem>>) target(%dma_start3A_423 : memref<10240x128xf32, #tpu.memory_space<vmem_shared>>) offsets(%dma_start3A_420 : memref<128xi32, #tpu.memory_space<vmem>>) semaphore(%run_scoped3A_417 : memref<!tpu.dma_semaphore, #tpu.memory_space<semaphore_mem>>) {add = true}
          %dma_wait3A_424 = arith.constant 0 : i32
          %dma_wait3A_425 = tpu.memref_slice %arg9[%run_scoped3A, %dma_wait3A_424] : memref<20x128xi32, #tpu.memory_space<vmem>> -> memref<1x128xi32, #tpu.memory_space<vmem>>
          %dma_wait3A_426 = tpu.memref_squeeze %dma_wait3A_425 : memref<1x128xi32, #tpu.memory_space<vmem>> -> memref<128xi32, #tpu.memory_space<vmem>>
          %dma_wait3A_427 = arith.constant 0 : i32
          %dma_wait3A_428 = arith.constant 0 : i32
          %dma_wait3A_429 = tpu.memref_slice %arg12[%dma_wait3A_427, %dma_wait3A_428] : memref<10240x128xf32, #tpu.memory_space<vmem_shared>> -> memref<10240x128xf32, #tpu.memory_space<vmem_shared>>
          tpu.wait_indirect_dma semaphore(%run_scoped3A_417 : memref<!tpu.dma_semaphore, #tpu.memory_space<semaphore_mem>>) src(%arg10 : memref<128x128xf32, #tpu.memory_space<vmem>>) dst(%dma_wait3A_429 : memref<10240x128xf32, #tpu.memory_space<vmem_shared>>)
          tpu.yield
        }) : () -> ()
        %dma_start3A_158 = arith.constant 2 : i32
        %dma_start3A_159 = arith.constant 0 : i32
        %dma_start3A_160 = tpu.memref_slice %arg8[%dma_start3A_158, %dma_start3A_159] : memref<20x128xi32, #tpu.memory_space<vmem>> -> memref<1x128xi32, #tpu.memory_space<vmem>>
        %dma_start3A_161 = tpu.memref_squeeze %dma_start3A_160 : memref<1x128xi32, #tpu.memory_space<vmem>> -> memref<128xi32, #tpu.memory_space<vmem>>
        %dma_start3A_162 = arith.constant 0 : i32
        %dma_start3A_163 = arith.constant 0 : i32
        %dma_start3A_164 = tpu.memref_slice %arg2[%dma_start3A_162, %dma_start3A_163] : memref<10000x128xf32, #tpu.memory_space<hbm>> -> memref<10000x128xf32, #tpu.memory_space<hbm>>
        tpu.enqueue_indirect_dma source(%dma_start3A_164 : memref<10000x128xf32, #tpu.memory_space<hbm>>) target(%arg10 : memref<128x128xf32, #tpu.memory_space<vmem>>) offsets(%dma_start3A_161 : memref<128xi32, #tpu.memory_space<vmem>>) semaphore(%arg13 : memref<!tpu.dma_semaphore, #tpu.memory_space<semaphore_mem>>)
        %dma_wait3A_165 = arith.constant 0 : i32
        %dma_wait3A_166 = arith.constant 0 : i32
        %dma_wait3A_167 = tpu.memref_slice %arg2[%dma_wait3A_165, %dma_wait3A_166] : memref<10000x128xf32, #tpu.memory_space<hbm>> -> memref<128x128xf32, #tpu.memory_space<hbm>>
        %dma_wait3A_168 = arith.constant 0 : i32
        %dma_wait3A_169 = arith.constant 0 : i32
        %dma_wait3A_170 = tpu.memref_slice %arg2[%dma_wait3A_168, %dma_wait3A_169] : memref<10000x128xf32, #tpu.memory_space<hbm>> -> memref<128x128xf32, #tpu.memory_space<hbm>>
        tpu.wait_dma2 semaphore(%arg14 : memref<!tpu.dma_semaphore, #tpu.memory_space<semaphore_mem>>) src(%dma_wait3A_170 : memref<128x128xf32, #tpu.memory_space<hbm>>) dst(%arg11 : memref<128x128xf32, #tpu.memory_space<vmem>>)
        %run_scoped3A_171 = arith.constant 1 : i32
        "tpu.region"() ({
          %run_scoped3A_417 = tpu.sem_alloc : memref<!tpu.dma_semaphore, #tpu.memory_space<semaphore_mem>>
          %dma_start3A_418 = arith.constant 0 : i32
          %dma_start3A_419 = tpu.memref_slice %arg9[%run_scoped3A_171, %dma_start3A_418] : memref<20x128xi32, #tpu.memory_space<vmem>> -> memref<1x128xi32, #tpu.memory_space<vmem>>
          %dma_start3A_420 = tpu.memref_squeeze %dma_start3A_419 : memref<1x128xi32, #tpu.memory_space<vmem>> -> memref<128xi32, #tpu.memory_space<vmem>>
          %dma_start3A_421 = arith.constant 0 : i32
          %dma_start3A_422 = arith.constant 0 : i32
          %dma_start3A_423 = tpu.memref_slice %arg12[%dma_start3A_421, %dma_start3A_422] : memref<10240x128xf32, #tpu.memory_space<vmem_shared>> -> memref<10240x128xf32, #tpu.memory_space<vmem_shared>>
          tpu.enqueue_indirect_dma source(%arg11 : memref<128x128xf32, #tpu.memory_space<vmem>>) target(%dma_start3A_423 : memref<10240x128xf32, #tpu.memory_space<vmem_shared>>) offsets(%dma_start3A_420 : memref<128xi32, #tpu.memory_space<vmem>>) semaphore(%run_scoped3A_417 : memref<!tpu.dma_semaphore, #tpu.memory_space<semaphore_mem>>) {add = true}
          %dma_wait3A_424 = arith.constant 0 : i32
          %dma_wait3A_425 = tpu.memref_slice %arg9[%run_scoped3A_171, %dma_wait3A_424] : memref<20x128xi32, #tpu.memory_space<vmem>> -> memref<1x128xi32, #tpu.memory_space<vmem>>
          %dma_wait3A_426 = tpu.memref_squeeze %dma_wait3A_425 : memref<1x128xi32, #tpu.memory_space<vmem>> -> memref<128xi32, #tpu.memory_space<vmem>>
          %dma_wait3A_427 = arith.constant 0 : i32
          %dma_wait3A_428 = arith.constant 0 : i32
          %dma_wait3A_429 = tpu.memref_slice %arg12[%dma_wait3A_427, %dma_wait3A_428] : memref<10240x128xf32, #tpu.memory_space<vmem_shared>> -> memref<10240x128xf32, #tpu.memory_space<vmem_shared>>
          tpu.wait_indirect_dma semaphore(%run_scoped3A_417 : memref<!tpu.dma_semaphore, #tpu.memory_space<semaphore_mem>>) src(%arg11 : memref<128x128xf32, #tpu.memory_space<vmem>>) dst(%dma_wait3A_429 : memref<10240x128xf32, #tpu.memory_space<vmem_shared>>)
          tpu.yield
        }) : () -> ()
        %dma_start3A_172 = arith.constant 3 : i32
        %dma_start3A_173 = arith.constant 0 : i32
        %dma_start3A_174 = tpu.memref_slice %arg8[%dma_start3A_172, %dma_start3A_173] : memref<20x128xi32, #tpu.memory_space<vmem>> -> memref<1x128xi32, #tpu.memory_space<vmem>>
        %dma_start3A_175 = tpu.memref_squeeze %dma_start3A_174 : memref<1x128xi32, #tpu.memory_space<vmem>> -> memref<128xi32, #tpu.memory_space<vmem>>
        %dma_start3A_176 = arith.constant 0 : i32
        %dma_start3A_177 = arith.constant 0 : i32
        %dma_start3A_178 = tpu.memref_slice %arg2[%dma_start3A_176, %dma_start3A_177] : memref<10000x128xf32, #tpu.memory_space<hbm>> -> memref<10000x128xf32, #tpu.memory_space<hbm>>
        tpu.enqueue_indirect_dma source(%dma_start3A_178 : memref<10000x128xf32, #tpu.memory_space<hbm>>) target(%arg11 : memref<128x128xf32, #tpu.memory_space<vmem>>) offsets(%dma_start3A_175 : memref<128xi32, #tpu.memory_space<vmem>>) semaphore(%arg14 : memref<!tpu.dma_semaphore, #tpu.memory_space<semaphore_mem>>)
        %dma_wait3A_179 = arith.constant 0 : i32
        %dma_wait3A_180 = arith.constant 0 : i32
        %dma_wait3A_181 = tpu.memref_slice %arg2[%dma_wait3A_179, %dma_wait3A_180] : memref<10000x128xf32, #tpu.memory_space<hbm>> -> memref<128x128xf32, #tpu.memory_space<hbm>>
        %dma_wait3A_182 = arith.constant 0 : i32
        %dma_wait3A_183 = arith.constant 0 : i32
        %dma_wait3A_184 = tpu.memref_slice %arg2[%dma_wait3A_182, %dma_wait3A_183] : memref<10000x128xf32, #tpu.memory_space<hbm>> -> memref<128x128xf32, #tpu.memory_space<hbm>>
        tpu.wait_dma2 semaphore(%arg13 : memref<!tpu.dma_semaphore, #tpu.memory_space<semaphore_mem>>) src(%dma_wait3A_184 : memref<128x128xf32, #tpu.memory_space<hbm>>) dst(%arg10 : memref<128x128xf32, #tpu.memory_space<vmem>>)
        %run_scoped3A_185 = arith.constant 2 : i32
        "tpu.region"() ({
          %run_scoped3A_417 = tpu.sem_alloc : memref<!tpu.dma_semaphore, #tpu.memory_space<semaphore_mem>>
          %dma_start3A_418 = arith.constant 0 : i32
          %dma_start3A_419 = tpu.memref_slice %arg9[%run_scoped3A_185, %dma_start3A_418] : memref<20x128xi32, #tpu.memory_space<vmem>> -> memref<1x128xi32, #tpu.memory_space<vmem>>
          %dma_start3A_420 = tpu.memref_squeeze %dma_start3A_419 : memref<1x128xi32, #tpu.memory_space<vmem>> -> memref<128xi32, #tpu.memory_space<vmem>>
          %dma_start3A_421 = arith.constant 0 : i32
          %dma_start3A_422 = arith.constant 0 : i32
          %dma_start3A_423 = tpu.memref_slice %arg12[%dma_start3A_421, %dma_start3A_422] : memref<10240x128xf32, #tpu.memory_space<vmem_shared>> -> memref<10240x128xf32, #tpu.memory_space<vmem_shared>>
          tpu.enqueue_indirect_dma source(%arg10 : memref<128x128xf32, #tpu.memory_space<vmem>>) target(%dma_start3A_423 : memref<10240x128xf32, #tpu.memory_space<vmem_shared>>) offsets(%dma_start3A_420 : memref<128xi32, #tpu.memory_space<vmem>>) semaphore(%run_scoped3A_417 : memref<!tpu.dma_semaphore, #tpu.memory_space<semaphore_mem>>) {add = true}
          %dma_wait3A_424 = arith.constant 0 : i32
          %dma_wait3A_425 = tpu.memref_slice %arg9[%run_scoped3A_185, %dma_wait3A_424] : memref<20x128xi32, #tpu.memory_space<vmem>> -> memref<1x128xi32, #tpu.memory_space<vmem>>
          %dma_wait3A_426 = tpu.memref_squeeze %dma_wait3A_425 : memref<1x128xi32, #tpu.memory_space<vmem>> -> memref<128xi32, #tpu.memory_space<vmem>>
          %dma_wait3A_427 = arith.constant 0 : i32
          %dma_wait3A_428 = arith.constant 0 : i32
          %dma_wait3A_429 = tpu.memref_slice %arg12[%dma_wait3A_427, %dma_wait3A_428] : memref<10240x128xf32, #tpu.memory_space<vmem_shared>> -> memref<10240x128xf32, #tpu.memory_space<vmem_shared>>
          tpu.wait_indirect_dma semaphore(%run_scoped3A_417 : memref<!tpu.dma_semaphore, #tpu.memory_space<semaphore_mem>>) src(%arg10 : memref<128x128xf32, #tpu.memory_space<vmem>>) dst(%dma_wait3A_429 : memref<10240x128xf32, #tpu.memory_space<vmem_shared>>)
          tpu.yield
        }) : () -> ()
        %dma_start3A_186 = arith.constant 4 : i32
        %dma_start3A_187 = arith.constant 0 : i32
        %dma_start3A_188 = tpu.memref_slice %arg8[%dma_start3A_186, %dma_start3A_187] : memref<20x128xi32, #tpu.memory_space<vmem>> -> memref<1x128xi32, #tpu.memory_space<vmem>>
        %dma_start3A_189 = tpu.memref_squeeze %dma_start3A_188 : memref<1x128xi32, #tpu.memory_space<vmem>> -> memref<128xi32, #tpu.memory_space<vmem>>
        %dma_start3A_190 = arith.constant 0 : i32
        %dma_start3A_191 = arith.constant 0 : i32
        %dma_start3A_192 = tpu.memref_slice %arg2[%dma_start3A_190, %dma_start3A_191] : memref<10000x128xf32, #tpu.memory_space<hbm>> -> memref<10000x128xf32, #tpu.memory_space<hbm>>
        tpu.enqueue_indirect_dma source(%dma_start3A_192 : memref<10000x128xf32, #tpu.memory_space<hbm>>) target(%arg10 : memref<128x128xf32, #tpu.memory_space<vmem>>) offsets(%dma_start3A_189 : memref<128xi32, #tpu.memory_space<vmem>>) semaphore(%arg13 : memref<!tpu.dma_semaphore, #tpu.memory_space<semaphore_mem>>)
        %dma_wait3A_193 = arith.constant 0 : i32
        %dma_wait3A_194 = arith.constant 0 : i32
        %dma_wait3A_195 = tpu.memref_slice %arg2[%dma_wait3A_193, %dma_wait3A_194] : memref<10000x128xf32, #tpu.memory_space<hbm>> -> memref<128x128xf32, #tpu.memory_space<hbm>>
        %dma_wait3A_196 = arith.constant 0 : i32
        %dma_wait3A_197 = arith.constant 0 : i32
        %dma_wait3A_198 = tpu.memref_slice %arg2[%dma_wait3A_196, %dma_wait3A_197] : memref<10000x128xf32, #tpu.memory_space<hbm>> -> memref<128x128xf32, #tpu.memory_space<hbm>>
        tpu.wait_dma2 semaphore(%arg14 : memref<!tpu.dma_semaphore, #tpu.memory_space<semaphore_mem>>) src(%dma_wait3A_198 : memref<128x128xf32, #tpu.memory_space<hbm>>) dst(%arg11 : memref<128x128xf32, #tpu.memory_space<vmem>>)
        %run_scoped3A_199 = arith.constant 3 : i32
        "tpu.region"() ({
          %run_scoped3A_417 = tpu.sem_alloc : memref<!tpu.dma_semaphore, #tpu.memory_space<semaphore_mem>>
          %dma_start3A_418 = arith.constant 0 : i32
          %dma_start3A_419 = tpu.memref_slice %arg9[%run_scoped3A_199, %dma_start3A_418] : memref<20x128xi32, #tpu.memory_space<vmem>> -> memref<1x128xi32, #tpu.memory_space<vmem>>
          %dma_start3A_420 = tpu.memref_squeeze %dma_start3A_419 : memref<1x128xi32, #tpu.memory_space<vmem>> -> memref<128xi32, #tpu.memory_space<vmem>>
          %dma_start3A_421 = arith.constant 0 : i32
          %dma_start3A_422 = arith.constant 0 : i32
          %dma_start3A_423 = tpu.memref_slice %arg12[%dma_start3A_421, %dma_start3A_422] : memref<10240x128xf32, #tpu.memory_space<vmem_shared>> -> memref<10240x128xf32, #tpu.memory_space<vmem_shared>>
          tpu.enqueue_indirect_dma source(%arg11 : memref<128x128xf32, #tpu.memory_space<vmem>>) target(%dma_start3A_423 : memref<10240x128xf32, #tpu.memory_space<vmem_shared>>) offsets(%dma_start3A_420 : memref<128xi32, #tpu.memory_space<vmem>>) semaphore(%run_scoped3A_417 : memref<!tpu.dma_semaphore, #tpu.memory_space<semaphore_mem>>) {add = true}
          %dma_wait3A_424 = arith.constant 0 : i32
          %dma_wait3A_425 = tpu.memref_slice %arg9[%run_scoped3A_199, %dma_wait3A_424] : memref<20x128xi32, #tpu.memory_space<vmem>> -> memref<1x128xi32, #tpu.memory_space<vmem>>
          %dma_wait3A_426 = tpu.memref_squeeze %dma_wait3A_425 : memref<1x128xi32, #tpu.memory_space<vmem>> -> memref<128xi32, #tpu.memory_space<vmem>>
          %dma_wait3A_427 = arith.constant 0 : i32
          %dma_wait3A_428 = arith.constant 0 : i32
          %dma_wait3A_429 = tpu.memref_slice %arg12[%dma_wait3A_427, %dma_wait3A_428] : memref<10240x128xf32, #tpu.memory_space<vmem_shared>> -> memref<10240x128xf32, #tpu.memory_space<vmem_shared>>
          tpu.wait_indirect_dma semaphore(%run_scoped3A_417 : memref<!tpu.dma_semaphore, #tpu.memory_space<semaphore_mem>>) src(%arg11 : memref<128x128xf32, #tpu.memory_space<vmem>>) dst(%dma_wait3A_429 : memref<10240x128xf32, #tpu.memory_space<vmem_shared>>)
          tpu.yield
        }) : () -> ()
        %dma_start3A_200 = arith.constant 5 : i32
        %dma_start3A_201 = arith.constant 0 : i32
        %dma_start3A_202 = tpu.memref_slice %arg8[%dma_start3A_200, %dma_start3A_201] : memref<20x128xi32, #tpu.memory_space<vmem>> -> memref<1x128xi32, #tpu.memory_space<vmem>>
        %dma_start3A_203 = tpu.memref_squeeze %dma_start3A_202 : memref<1x128xi32, #tpu.memory_space<vmem>> -> memref<128xi32, #tpu.memory_space<vmem>>
        %dma_start3A_204 = arith.constant 0 : i32
        %dma_start3A_205 = arith.constant 0 : i32
        %dma_start3A_206 = tpu.memref_slice %arg2[%dma_start3A_204, %dma_start3A_205] : memref<10000x128xf32, #tpu.memory_space<hbm>> -> memref<10000x128xf32, #tpu.memory_space<hbm>>
        tpu.enqueue_indirect_dma source(%dma_start3A_206 : memref<10000x128xf32, #tpu.memory_space<hbm>>) target(%arg11 : memref<128x128xf32, #tpu.memory_space<vmem>>) offsets(%dma_start3A_203 : memref<128xi32, #tpu.memory_space<vmem>>) semaphore(%arg14 : memref<!tpu.dma_semaphore, #tpu.memory_space<semaphore_mem>>)
        %dma_wait3A_207 = arith.constant 0 : i32
        %dma_wait3A_208 = arith.constant 0 : i32
        %dma_wait3A_209 = tpu.memref_slice %arg2[%dma_wait3A_207, %dma_wait3A_208] : memref<10000x128xf32, #tpu.memory_space<hbm>> -> memref<128x128xf32, #tpu.memory_space<hbm>>
        %dma_wait3A_210 = arith.constant 0 : i32
        %dma_wait3A_211 = arith.constant 0 : i32
        %dma_wait3A_212 = tpu.memref_slice %arg2[%dma_wait3A_210, %dma_wait3A_211] : memref<10000x128xf32, #tpu.memory_space<hbm>> -> memref<128x128xf32, #tpu.memory_space<hbm>>
        tpu.wait_dma2 semaphore(%arg13 : memref<!tpu.dma_semaphore, #tpu.memory_space<semaphore_mem>>) src(%dma_wait3A_212 : memref<128x128xf32, #tpu.memory_space<hbm>>) dst(%arg10 : memref<128x128xf32, #tpu.memory_space<vmem>>)
        %run_scoped3A_213 = arith.constant 4 : i32
        "tpu.region"() ({
          %run_scoped3A_417 = tpu.sem_alloc : memref<!tpu.dma_semaphore, #tpu.memory_space<semaphore_mem>>
          %dma_start3A_418 = arith.constant 0 : i32
          %dma_start3A_419 = tpu.memref_slice %arg9[%run_scoped3A_213, %dma_start3A_418] : memref<20x128xi32, #tpu.memory_space<vmem>> -> memref<1x128xi32, #tpu.memory_space<vmem>>
          %dma_start3A_420 = tpu.memref_squeeze %dma_start3A_419 : memref<1x128xi32, #tpu.memory_space<vmem>> -> memref<128xi32, #tpu.memory_space<vmem>>
          %dma_start3A_421 = arith.constant 0 : i32
          %dma_start3A_422 = arith.constant 0 : i32
          %dma_start3A_423 = tpu.memref_slice %arg12[%dma_start3A_421, %dma_start3A_422] : memref<10240x128xf32, #tpu.memory_space<vmem_shared>> -> memref<10240x128xf32, #tpu.memory_space<vmem_shared>>
          tpu.enqueue_indirect_dma source(%arg10 : memref<128x128xf32, #tpu.memory_space<vmem>>) target(%dma_start3A_423 : memref<10240x128xf32, #tpu.memory_space<vmem_shared>>) offsets(%dma_start3A_420 : memref<128xi32, #tpu.memory_space<vmem>>) semaphore(%run_scoped3A_417 : memref<!tpu.dma_semaphore, #tpu.memory_space<semaphore_mem>>) {add = true}
          %dma_wait3A_424 = arith.constant 0 : i32
          %dma_wait3A_425 = tpu.memref_slice %arg9[%run_scoped3A_213, %dma_wait3A_424] : memref<20x128xi32, #tpu.memory_space<vmem>> -> memref<1x128xi32, #tpu.memory_space<vmem>>
          %dma_wait3A_426 = tpu.memref_squeeze %dma_wait3A_425 : memref<1x128xi32, #tpu.memory_space<vmem>> -> memref<128xi32, #tpu.memory_space<vmem>>
          %dma_wait3A_427 = arith.constant 0 : i32
          %dma_wait3A_428 = arith.constant 0 : i32
          %dma_wait3A_429 = tpu.memref_slice %arg12[%dma_wait3A_427, %dma_wait3A_428] : memref<10240x128xf32, #tpu.memory_space<vmem_shared>> -> memref<10240x128xf32, #tpu.memory_space<vmem_shared>>
          tpu.wait_indirect_dma semaphore(%run_scoped3A_417 : memref<!tpu.dma_semaphore, #tpu.memory_space<semaphore_mem>>) src(%arg10 : memref<128x128xf32, #tpu.memory_space<vmem>>) dst(%dma_wait3A_429 : memref<10240x128xf32, #tpu.memory_space<vmem_shared>>)
          tpu.yield
        }) : () -> ()
        %dma_start3A_214 = arith.constant 6 : i32
        %dma_start3A_215 = arith.constant 0 : i32
        %dma_start3A_216 = tpu.memref_slice %arg8[%dma_start3A_214, %dma_start3A_215] : memref<20x128xi32, #tpu.memory_space<vmem>> -> memref<1x128xi32, #tpu.memory_space<vmem>>
        %dma_start3A_217 = tpu.memref_squeeze %dma_start3A_216 : memref<1x128xi32, #tpu.memory_space<vmem>> -> memref<128xi32, #tpu.memory_space<vmem>>
        %dma_start3A_218 = arith.constant 0 : i32
        %dma_start3A_219 = arith.constant 0 : i32
        %dma_start3A_220 = tpu.memref_slice %arg2[%dma_start3A_218, %dma_start3A_219] : memref<10000x128xf32, #tpu.memory_space<hbm>> -> memref<10000x128xf32, #tpu.memory_space<hbm>>
        tpu.enqueue_indirect_dma source(%dma_start3A_220 : memref<10000x128xf32, #tpu.memory_space<hbm>>) target(%arg10 : memref<128x128xf32, #tpu.memory_space<vmem>>) offsets(%dma_start3A_217 : memref<128xi32, #tpu.memory_space<vmem>>) semaphore(%arg13 : memref<!tpu.dma_semaphore, #tpu.memory_space<semaphore_mem>>)
        %dma_wait3A_221 = arith.constant 0 : i32
        %dma_wait3A_222 = arith.constant 0 : i32
        %dma_wait3A_223 = tpu.memref_slice %arg2[%dma_wait3A_221, %dma_wait3A_222] : memref<10000x128xf32, #tpu.memory_space<hbm>> -> memref<128x128xf32, #tpu.memory_space<hbm>>
        %dma_wait3A_224 = arith.constant 0 : i32
        %dma_wait3A_225 = arith.constant 0 : i32
        %dma_wait3A_226 = tpu.memref_slice %arg2[%dma_wait3A_224, %dma_wait3A_225] : memref<10000x128xf32, #tpu.memory_space<hbm>> -> memref<128x128xf32, #tpu.memory_space<hbm>>
        tpu.wait_dma2 semaphore(%arg14 : memref<!tpu.dma_semaphore, #tpu.memory_space<semaphore_mem>>) src(%dma_wait3A_226 : memref<128x128xf32, #tpu.memory_space<hbm>>) dst(%arg11 : memref<128x128xf32, #tpu.memory_space<vmem>>)
        %run_scoped3A_227 = arith.constant 5 : i32
        "tpu.region"() ({
          %run_scoped3A_417 = tpu.sem_alloc : memref<!tpu.dma_semaphore, #tpu.memory_space<semaphore_mem>>
          %dma_start3A_418 = arith.constant 0 : i32
          %dma_start3A_419 = tpu.memref_slice %arg9[%run_scoped3A_227, %dma_start3A_418] : memref<20x128xi32, #tpu.memory_space<vmem>> -> memref<1x128xi32, #tpu.memory_space<vmem>>
          %dma_start3A_420 = tpu.memref_squeeze %dma_start3A_419 : memref<1x128xi32, #tpu.memory_space<vmem>> -> memref<128xi32, #tpu.memory_space<vmem>>
          %dma_start3A_421 = arith.constant 0 : i32
          %dma_start3A_422 = arith.constant 0 : i32
          %dma_start3A_423 = tpu.memref_slice %arg12[%dma_start3A_421, %dma_start3A_422] : memref<10240x128xf32, #tpu.memory_space<vmem_shared>> -> memref<10240x128xf32, #tpu.memory_space<vmem_shared>>
          tpu.enqueue_indirect_dma source(%arg11 : memref<128x128xf32, #tpu.memory_space<vmem>>) target(%dma_start3A_423 : memref<10240x128xf32, #tpu.memory_space<vmem_shared>>) offsets(%dma_start3A_420 : memref<128xi32, #tpu.memory_space<vmem>>) semaphore(%run_scoped3A_417 : memref<!tpu.dma_semaphore, #tpu.memory_space<semaphore_mem>>) {add = true}
          %dma_wait3A_424 = arith.constant 0 : i32
          %dma_wait3A_425 = tpu.memref_slice %arg9[%run_scoped3A_227, %dma_wait3A_424] : memref<20x128xi32, #tpu.memory_space<vmem>> -> memref<1x128xi32, #tpu.memory_space<vmem>>
          %dma_wait3A_426 = tpu.memref_squeeze %dma_wait3A_425 : memref<1x128xi32, #tpu.memory_space<vmem>> -> memref<128xi32, #tpu.memory_space<vmem>>
          %dma_wait3A_427 = arith.constant 0 : i32
          %dma_wait3A_428 = arith.constant 0 : i32
          %dma_wait3A_429 = tpu.memref_slice %arg12[%dma_wait3A_427, %dma_wait3A_428] : memref<10240x128xf32, #tpu.memory_space<vmem_shared>> -> memref<10240x128xf32, #tpu.memory_space<vmem_shared>>
          tpu.wait_indirect_dma semaphore(%run_scoped3A_417 : memref<!tpu.dma_semaphore, #tpu.memory_space<semaphore_mem>>) src(%arg11 : memref<128x128xf32, #tpu.memory_space<vmem>>) dst(%dma_wait3A_429 : memref<10240x128xf32, #tpu.memory_space<vmem_shared>>)
          tpu.yield
        }) : () -> ()
        %dma_start3A_228 = arith.constant 7 : i32
        %dma_start3A_229 = arith.constant 0 : i32
        %dma_start3A_230 = tpu.memref_slice %arg8[%dma_start3A_228, %dma_start3A_229] : memref<20x128xi32, #tpu.memory_space<vmem>> -> memref<1x128xi32, #tpu.memory_space<vmem>>
        %dma_start3A_231 = tpu.memref_squeeze %dma_start3A_230 : memref<1x128xi32, #tpu.memory_space<vmem>> -> memref<128xi32, #tpu.memory_space<vmem>>
        %dma_start3A_232 = arith.constant 0 : i32
        %dma_start3A_233 = arith.constant 0 : i32
        %dma_start3A_234 = tpu.memref_slice %arg2[%dma_start3A_232, %dma_start3A_233] : memref<10000x128xf32, #tpu.memory_space<hbm>> -> memref<10000x128xf32, #tpu.memory_space<hbm>>
        tpu.enqueue_indirect_dma source(%dma_start3A_234 : memref<10000x128xf32, #tpu.memory_space<hbm>>) target(%arg11 : memref<128x128xf32, #tpu.memory_space<vmem>>) offsets(%dma_start3A_231 : memref<128xi32, #tpu.memory_space<vmem>>) semaphore(%arg14 : memref<!tpu.dma_semaphore, #tpu.memory_space<semaphore_mem>>)
        %dma_wait3A_235 = arith.constant 0 : i32
        %dma_wait3A_236 = arith.constant 0 : i32
        %dma_wait3A_237 = tpu.memref_slice %arg2[%dma_wait3A_235, %dma_wait3A_236] : memref<10000x128xf32, #tpu.memory_space<hbm>> -> memref<128x128xf32, #tpu.memory_space<hbm>>
        %dma_wait3A_238 = arith.constant 0 : i32
        %dma_wait3A_239 = arith.constant 0 : i32
        %dma_wait3A_240 = tpu.memref_slice %arg2[%dma_wait3A_238, %dma_wait3A_239] : memref<10000x128xf32, #tpu.memory_space<hbm>> -> memref<128x128xf32, #tpu.memory_space<hbm>>
        tpu.wait_dma2 semaphore(%arg13 : memref<!tpu.dma_semaphore, #tpu.memory_space<semaphore_mem>>) src(%dma_wait3A_240 : memref<128x128xf32, #tpu.memory_space<hbm>>) dst(%arg10 : memref<128x128xf32, #tpu.memory_space<vmem>>)
        %run_scoped3A_241 = arith.constant 6 : i32
        "tpu.region"() ({
          %run_scoped3A_417 = tpu.sem_alloc : memref<!tpu.dma_semaphore, #tpu.memory_space<semaphore_mem>>
          %dma_start3A_418 = arith.constant 0 : i32
          %dma_start3A_419 = tpu.memref_slice %arg9[%run_scoped3A_241, %dma_start3A_418] : memref<20x128xi32, #tpu.memory_space<vmem>> -> memref<1x128xi32, #tpu.memory_space<vmem>>
          %dma_start3A_420 = tpu.memref_squeeze %dma_start3A_419 : memref<1x128xi32, #tpu.memory_space<vmem>> -> memref<128xi32, #tpu.memory_space<vmem>>
          %dma_start3A_421 = arith.constant 0 : i32
          %dma_start3A_422 = arith.constant 0 : i32
          %dma_start3A_423 = tpu.memref_slice %arg12[%dma_start3A_421, %dma_start3A_422] : memref<10240x128xf32, #tpu.memory_space<vmem_shared>> -> memref<10240x128xf32, #tpu.memory_space<vmem_shared>>
          tpu.enqueue_indirect_dma source(%arg10 : memref<128x128xf32, #tpu.memory_space<vmem>>) target(%dma_start3A_423 : memref<10240x128xf32, #tpu.memory_space<vmem_shared>>) offsets(%dma_start3A_420 : memref<128xi32, #tpu.memory_space<vmem>>) semaphore(%run_scoped3A_417 : memref<!tpu.dma_semaphore, #tpu.memory_space<semaphore_mem>>) {add = true}
          %dma_wait3A_424 = arith.constant 0 : i32
          %dma_wait3A_425 = tpu.memref_slice %arg9[%run_scoped3A_241, %dma_wait3A_424] : memref<20x128xi32, #tpu.memory_space<vmem>> -> memref<1x128xi32, #tpu.memory_space<vmem>>
          %dma_wait3A_426 = tpu.memref_squeeze %dma_wait3A_425 : memref<1x128xi32, #tpu.memory_space<vmem>> -> memref<128xi32, #tpu.memory_space<vmem>>
          %dma_wait3A_427 = arith.constant 0 : i32
          %dma_wait3A_428 = arith.constant 0 : i32
          %dma_wait3A_429 = tpu.memref_slice %arg12[%dma_wait3A_427, %dma_wait3A_428] : memref<10240x128xf32, #tpu.memory_space<vmem_shared>> -> memref<10240x128xf32, #tpu.memory_space<vmem_shared>>
          tpu.wait_indirect_dma semaphore(%run_scoped3A_417 : memref<!tpu.dma_semaphore, #tpu.memory_space<semaphore_mem>>) src(%arg10 : memref<128x128xf32, #tpu.memory_space<vmem>>) dst(%dma_wait3A_429 : memref<10240x128xf32, #tpu.memory_space<vmem_shared>>)
          tpu.yield
        }) : () -> ()
        %dma_start3A_242 = arith.constant 8 : i32
        %dma_start3A_243 = arith.constant 0 : i32
        %dma_start3A_244 = tpu.memref_slice %arg8[%dma_start3A_242, %dma_start3A_243] : memref<20x128xi32, #tpu.memory_space<vmem>> -> memref<1x128xi32, #tpu.memory_space<vmem>>
        %dma_start3A_245 = tpu.memref_squeeze %dma_start3A_244 : memref<1x128xi32, #tpu.memory_space<vmem>> -> memref<128xi32, #tpu.memory_space<vmem>>
        %dma_start3A_246 = arith.constant 0 : i32
        %dma_start3A_247 = arith.constant 0 : i32
        %dma_start3A_248 = tpu.memref_slice %arg2[%dma_start3A_246, %dma_start3A_247] : memref<10000x128xf32, #tpu.memory_space<hbm>> -> memref<10000x128xf32, #tpu.memory_space<hbm>>
        tpu.enqueue_indirect_dma source(%dma_start3A_248 : memref<10000x128xf32, #tpu.memory_space<hbm>>) target(%arg10 : memref<128x128xf32, #tpu.memory_space<vmem>>) offsets(%dma_start3A_245 : memref<128xi32, #tpu.memory_space<vmem>>) semaphore(%arg13 : memref<!tpu.dma_semaphore, #tpu.memory_space<semaphore_mem>>)
        %dma_wait3A_249 = arith.constant 0 : i32
        %dma_wait3A_250 = arith.constant 0 : i32
        %dma_wait3A_251 = tpu.memref_slice %arg2[%dma_wait3A_249, %dma_wait3A_250] : memref<10000x128xf32, #tpu.memory_space<hbm>> -> memref<128x128xf32, #tpu.memory_space<hbm>>
        %dma_wait3A_252 = arith.constant 0 : i32
        %dma_wait3A_253 = arith.constant 0 : i32
        %dma_wait3A_254 = tpu.memref_slice %arg2[%dma_wait3A_252, %dma_wait3A_253] : memref<10000x128xf32, #tpu.memory_space<hbm>> -> memref<128x128xf32, #tpu.memory_space<hbm>>
        tpu.wait_dma2 semaphore(%arg14 : memref<!tpu.dma_semaphore, #tpu.memory_space<semaphore_mem>>) src(%dma_wait3A_254 : memref<128x128xf32, #tpu.memory_space<hbm>>) dst(%arg11 : memref<128x128xf32, #tpu.memory_space<vmem>>)
        %run_scoped3A_255 = arith.constant 7 : i32
        "tpu.region"() ({
          %run_scoped3A_417 = tpu.sem_alloc : memref<!tpu.dma_semaphore, #tpu.memory_space<semaphore_mem>>
          %dma_start3A_418 = arith.constant 0 : i32
          %dma_start3A_419 = tpu.memref_slice %arg9[%run_scoped3A_255, %dma_start3A_418] : memref<20x128xi32, #tpu.memory_space<vmem>> -> memref<1x128xi32, #tpu.memory_space<vmem>>
          %dma_start3A_420 = tpu.memref_squeeze %dma_start3A_419 : memref<1x128xi32, #tpu.memory_space<vmem>> -> memref<128xi32, #tpu.memory_space<vmem>>
          %dma_start3A_421 = arith.constant 0 : i32
          %dma_start3A_422 = arith.constant 0 : i32
          %dma_start3A_423 = tpu.memref_slice %arg12[%dma_start3A_421, %dma_start3A_422] : memref<10240x128xf32, #tpu.memory_space<vmem_shared>> -> memref<10240x128xf32, #tpu.memory_space<vmem_shared>>
          tpu.enqueue_indirect_dma source(%arg11 : memref<128x128xf32, #tpu.memory_space<vmem>>) target(%dma_start3A_423 : memref<10240x128xf32, #tpu.memory_space<vmem_shared>>) offsets(%dma_start3A_420 : memref<128xi32, #tpu.memory_space<vmem>>) semaphore(%run_scoped3A_417 : memref<!tpu.dma_semaphore, #tpu.memory_space<semaphore_mem>>) {add = true}
          %dma_wait3A_424 = arith.constant 0 : i32
          %dma_wait3A_425 = tpu.memref_slice %arg9[%run_scoped3A_255, %dma_wait3A_424] : memref<20x128xi32, #tpu.memory_space<vmem>> -> memref<1x128xi32, #tpu.memory_space<vmem>>
          %dma_wait3A_426 = tpu.memref_squeeze %dma_wait3A_425 : memref<1x128xi32, #tpu.memory_space<vmem>> -> memref<128xi32, #tpu.memory_space<vmem>>
          %dma_wait3A_427 = arith.constant 0 : i32
          %dma_wait3A_428 = arith.constant 0 : i32
          %dma_wait3A_429 = tpu.memref_slice %arg12[%dma_wait3A_427, %dma_wait3A_428] : memref<10240x128xf32, #tpu.memory_space<vmem_shared>> -> memref<10240x128xf32, #tpu.memory_space<vmem_shared>>
          tpu.wait_indirect_dma semaphore(%run_scoped3A_417 : memref<!tpu.dma_semaphore, #tpu.memory_space<semaphore_mem>>) src(%arg11 : memref<128x128xf32, #tpu.memory_space<vmem>>) dst(%dma_wait3A_429 : memref<10240x128xf32, #tpu.memory_space<vmem_shared>>)
          tpu.yield
        }) : () -> ()
        %dma_start3A_256 = arith.constant 9 : i32
        %dma_start3A_257 = arith.constant 0 : i32
        %dma_start3A_258 = tpu.memref_slice %arg8[%dma_start3A_256, %dma_start3A_257] : memref<20x128xi32, #tpu.memory_space<vmem>> -> memref<1x128xi32, #tpu.memory_space<vmem>>
        %dma_start3A_259 = tpu.memref_squeeze %dma_start3A_258 : memref<1x128xi32, #tpu.memory_space<vmem>> -> memref<128xi32, #tpu.memory_space<vmem>>
        %dma_start3A_260 = arith.constant 0 : i32
        %dma_start3A_261 = arith.constant 0 : i32
        %dma_start3A_262 = tpu.memref_slice %arg2[%dma_start3A_260, %dma_start3A_261] : memref<10000x128xf32, #tpu.memory_space<hbm>> -> memref<10000x128xf32, #tpu.memory_space<hbm>>
        tpu.enqueue_indirect_dma source(%dma_start3A_262 : memref<10000x128xf32, #tpu.memory_space<hbm>>) target(%arg11 : memref<128x128xf32, #tpu.memory_space<vmem>>) offsets(%dma_start3A_259 : memref<128xi32, #tpu.memory_space<vmem>>) semaphore(%arg14 : memref<!tpu.dma_semaphore, #tpu.memory_space<semaphore_mem>>)
        %dma_wait3A_263 = arith.constant 0 : i32
        %dma_wait3A_264 = arith.constant 0 : i32
        %dma_wait3A_265 = tpu.memref_slice %arg2[%dma_wait3A_263, %dma_wait3A_264] : memref<10000x128xf32, #tpu.memory_space<hbm>> -> memref<128x128xf32, #tpu.memory_space<hbm>>
        %dma_wait3A_266 = arith.constant 0 : i32
        %dma_wait3A_267 = arith.constant 0 : i32
        %dma_wait3A_268 = tpu.memref_slice %arg2[%dma_wait3A_266, %dma_wait3A_267] : memref<10000x128xf32, #tpu.memory_space<hbm>> -> memref<128x128xf32, #tpu.memory_space<hbm>>
        tpu.wait_dma2 semaphore(%arg13 : memref<!tpu.dma_semaphore, #tpu.memory_space<semaphore_mem>>) src(%dma_wait3A_268 : memref<128x128xf32, #tpu.memory_space<hbm>>) dst(%arg10 : memref<128x128xf32, #tpu.memory_space<vmem>>)
        %run_scoped3A_269 = arith.constant 8 : i32
        "tpu.region"() ({
          %run_scoped3A_417 = tpu.sem_alloc : memref<!tpu.dma_semaphore, #tpu.memory_space<semaphore_mem>>
          %dma_start3A_418 = arith.constant 0 : i32
          %dma_start3A_419 = tpu.memref_slice %arg9[%run_scoped3A_269, %dma_start3A_418] : memref<20x128xi32, #tpu.memory_space<vmem>> -> memref<1x128xi32, #tpu.memory_space<vmem>>
          %dma_start3A_420 = tpu.memref_squeeze %dma_start3A_419 : memref<1x128xi32, #tpu.memory_space<vmem>> -> memref<128xi32, #tpu.memory_space<vmem>>
          %dma_start3A_421 = arith.constant 0 : i32
          %dma_start3A_422 = arith.constant 0 : i32
          %dma_start3A_423 = tpu.memref_slice %arg12[%dma_start3A_421, %dma_start3A_422] : memref<10240x128xf32, #tpu.memory_space<vmem_shared>> -> memref<10240x128xf32, #tpu.memory_space<vmem_shared>>
          tpu.enqueue_indirect_dma source(%arg10 : memref<128x128xf32, #tpu.memory_space<vmem>>) target(%dma_start3A_423 : memref<10240x128xf32, #tpu.memory_space<vmem_shared>>) offsets(%dma_start3A_420 : memref<128xi32, #tpu.memory_space<vmem>>) semaphore(%run_scoped3A_417 : memref<!tpu.dma_semaphore, #tpu.memory_space<semaphore_mem>>) {add = true}
          %dma_wait3A_424 = arith.constant 0 : i32
          %dma_wait3A_425 = tpu.memref_slice %arg9[%run_scoped3A_269, %dma_wait3A_424] : memref<20x128xi32, #tpu.memory_space<vmem>> -> memref<1x128xi32, #tpu.memory_space<vmem>>
          %dma_wait3A_426 = tpu.memref_squeeze %dma_wait3A_425 : memref<1x128xi32, #tpu.memory_space<vmem>> -> memref<128xi32, #tpu.memory_space<vmem>>
          %dma_wait3A_427 = arith.constant 0 : i32
          %dma_wait3A_428 = arith.constant 0 : i32
          %dma_wait3A_429 = tpu.memref_slice %arg12[%dma_wait3A_427, %dma_wait3A_428] : memref<10240x128xf32, #tpu.memory_space<vmem_shared>> -> memref<10240x128xf32, #tpu.memory_space<vmem_shared>>
          tpu.wait_indirect_dma semaphore(%run_scoped3A_417 : memref<!tpu.dma_semaphore, #tpu.memory_space<semaphore_mem>>) src(%arg10 : memref<128x128xf32, #tpu.memory_space<vmem>>) dst(%dma_wait3A_429 : memref<10240x128xf32, #tpu.memory_space<vmem_shared>>)
          tpu.yield
        }) : () -> ()
        %dma_start3A_270 = arith.constant 10 : i32
        %dma_start3A_271 = arith.constant 0 : i32
        %dma_start3A_272 = tpu.memref_slice %arg8[%dma_start3A_270, %dma_start3A_271] : memref<20x128xi32, #tpu.memory_space<vmem>> -> memref<1x128xi32, #tpu.memory_space<vmem>>
        %dma_start3A_273 = tpu.memref_squeeze %dma_start3A_272 : memref<1x128xi32, #tpu.memory_space<vmem>> -> memref<128xi32, #tpu.memory_space<vmem>>
        %dma_start3A_274 = arith.constant 0 : i32
        %dma_start3A_275 = arith.constant 0 : i32
        %dma_start3A_276 = tpu.memref_slice %arg2[%dma_start3A_274, %dma_start3A_275] : memref<10000x128xf32, #tpu.memory_space<hbm>> -> memref<10000x128xf32, #tpu.memory_space<hbm>>
        tpu.enqueue_indirect_dma source(%dma_start3A_276 : memref<10000x128xf32, #tpu.memory_space<hbm>>) target(%arg10 : memref<128x128xf32, #tpu.memory_space<vmem>>) offsets(%dma_start3A_273 : memref<128xi32, #tpu.memory_space<vmem>>) semaphore(%arg13 : memref<!tpu.dma_semaphore, #tpu.memory_space<semaphore_mem>>)
        %dma_wait3A_277 = arith.constant 0 : i32
        %dma_wait3A_278 = arith.constant 0 : i32
        %dma_wait3A_279 = tpu.memref_slice %arg2[%dma_wait3A_277, %dma_wait3A_278] : memref<10000x128xf32, #tpu.memory_space<hbm>> -> memref<128x128xf32, #tpu.memory_space<hbm>>
        %dma_wait3A_280 = arith.constant 0 : i32
        %dma_wait3A_281 = arith.constant 0 : i32
        %dma_wait3A_282 = tpu.memref_slice %arg2[%dma_wait3A_280, %dma_wait3A_281] : memref<10000x128xf32, #tpu.memory_space<hbm>> -> memref<128x128xf32, #tpu.memory_space<hbm>>
        tpu.wait_dma2 semaphore(%arg14 : memref<!tpu.dma_semaphore, #tpu.memory_space<semaphore_mem>>) src(%dma_wait3A_282 : memref<128x128xf32, #tpu.memory_space<hbm>>) dst(%arg11 : memref<128x128xf32, #tpu.memory_space<vmem>>)
        %run_scoped3A_283 = arith.constant 9 : i32
        "tpu.region"() ({
          %run_scoped3A_417 = tpu.sem_alloc : memref<!tpu.dma_semaphore, #tpu.memory_space<semaphore_mem>>
          %dma_start3A_418 = arith.constant 0 : i32
          %dma_start3A_419 = tpu.memref_slice %arg9[%run_scoped3A_283, %dma_start3A_418] : memref<20x128xi32, #tpu.memory_space<vmem>> -> memref<1x128xi32, #tpu.memory_space<vmem>>
          %dma_start3A_420 = tpu.memref_squeeze %dma_start3A_419 : memref<1x128xi32, #tpu.memory_space<vmem>> -> memref<128xi32, #tpu.memory_space<vmem>>
          %dma_start3A_421 = arith.constant 0 : i32
          %dma_start3A_422 = arith.constant 0 : i32
          %dma_start3A_423 = tpu.memref_slice %arg12[%dma_start3A_421, %dma_start3A_422] : memref<10240x128xf32, #tpu.memory_space<vmem_shared>> -> memref<10240x128xf32, #tpu.memory_space<vmem_shared>>
          tpu.enqueue_indirect_dma source(%arg11 : memref<128x128xf32, #tpu.memory_space<vmem>>) target(%dma_start3A_423 : memref<10240x128xf32, #tpu.memory_space<vmem_shared>>) offsets(%dma_start3A_420 : memref<128xi32, #tpu.memory_space<vmem>>) semaphore(%run_scoped3A_417 : memref<!tpu.dma_semaphore, #tpu.memory_space<semaphore_mem>>) {add = true}
          %dma_wait3A_424 = arith.constant 0 : i32
          %dma_wait3A_425 = tpu.memref_slice %arg9[%run_scoped3A_283, %dma_wait3A_424] : memref<20x128xi32, #tpu.memory_space<vmem>> -> memref<1x128xi32, #tpu.memory_space<vmem>>
          %dma_wait3A_426 = tpu.memref_squeeze %dma_wait3A_425 : memref<1x128xi32, #tpu.memory_space<vmem>> -> memref<128xi32, #tpu.memory_space<vmem>>
          %dma_wait3A_427 = arith.constant 0 : i32
          %dma_wait3A_428 = arith.constant 0 : i32
          %dma_wait3A_429 = tpu.memref_slice %arg12[%dma_wait3A_427, %dma_wait3A_428] : memref<10240x128xf32, #tpu.memory_space<vmem_shared>> -> memref<10240x128xf32, #tpu.memory_space<vmem_shared>>
          tpu.wait_indirect_dma semaphore(%run_scoped3A_417 : memref<!tpu.dma_semaphore, #tpu.memory_space<semaphore_mem>>) src(%arg11 : memref<128x128xf32, #tpu.memory_space<vmem>>) dst(%dma_wait3A_429 : memref<10240x128xf32, #tpu.memory_space<vmem_shared>>)
          tpu.yield
        }) : () -> ()
        %dma_start3A_284 = arith.constant 11 : i32
        %dma_start3A_285 = arith.constant 0 : i32
        %dma_start3A_286 = tpu.memref_slice %arg8[%dma_start3A_284, %dma_start3A_285] : memref<20x128xi32, #tpu.memory_space<vmem>> -> memref<1x128xi32, #tpu.memory_space<vmem>>
        %dma_start3A_287 = tpu.memref_squeeze %dma_start3A_286 : memref<1x128xi32, #tpu.memory_space<vmem>> -> memref<128xi32, #tpu.memory_space<vmem>>
        %dma_start3A_288 = arith.constant 0 : i32
        %dma_start3A_289 = arith.constant 0 : i32
        %dma_start3A_290 = tpu.memref_slice %arg2[%dma_start3A_288, %dma_start3A_289] : memref<10000x128xf32, #tpu.memory_space<hbm>> -> memref<10000x128xf32, #tpu.memory_space<hbm>>
        tpu.enqueue_indirect_dma source(%dma_start3A_290 : memref<10000x128xf32, #tpu.memory_space<hbm>>) target(%arg11 : memref<128x128xf32, #tpu.memory_space<vmem>>) offsets(%dma_start3A_287 : memref<128xi32, #tpu.memory_space<vmem>>) semaphore(%arg14 : memref<!tpu.dma_semaphore, #tpu.memory_space<semaphore_mem>>)
        %dma_wait3A_291 = arith.constant 0 : i32
        %dma_wait3A_292 = arith.constant 0 : i32
        %dma_wait3A_293 = tpu.memref_slice %arg2[%dma_wait3A_291, %dma_wait3A_292] : memref<10000x128xf32, #tpu.memory_space<hbm>> -> memref<128x128xf32, #tpu.memory_space<hbm>>
        %dma_wait3A_294 = arith.constant 0 : i32
        %dma_wait3A_295 = arith.constant 0 : i32
        %dma_wait3A_296 = tpu.memref_slice %arg2[%dma_wait3A_294, %dma_wait3A_295] : memref<10000x128xf32, #tpu.memory_space<hbm>> -> memref<128x128xf32, #tpu.memory_space<hbm>>
        tpu.wait_dma2 semaphore(%arg13 : memref<!tpu.dma_semaphore, #tpu.memory_space<semaphore_mem>>) src(%dma_wait3A_296 : memref<128x128xf32, #tpu.memory_space<hbm>>) dst(%arg10 : memref<128x128xf32, #tpu.memory_space<vmem>>)
        %run_scoped3A_297 = arith.constant 10 : i32
        "tpu.region"() ({
          %run_scoped3A_417 = tpu.sem_alloc : memref<!tpu.dma_semaphore, #tpu.memory_space<semaphore_mem>>
          %dma_start3A_418 = arith.constant 0 : i32
          %dma_start3A_419 = tpu.memref_slice %arg9[%run_scoped3A_297, %dma_start3A_418] : memref<20x128xi32, #tpu.memory_space<vmem>> -> memref<1x128xi32, #tpu.memory_space<vmem>>
          %dma_start3A_420 = tpu.memref_squeeze %dma_start3A_419 : memref<1x128xi32, #tpu.memory_space<vmem>> -> memref<128xi32, #tpu.memory_space<vmem>>
          %dma_start3A_421 = arith.constant 0 : i32
          %dma_start3A_422 = arith.constant 0 : i32
          %dma_start3A_423 = tpu.memref_slice %arg12[%dma_start3A_421, %dma_start3A_422] : memref<10240x128xf32, #tpu.memory_space<vmem_shared>> -> memref<10240x128xf32, #tpu.memory_space<vmem_shared>>
          tpu.enqueue_indirect_dma source(%arg10 : memref<128x128xf32, #tpu.memory_space<vmem>>) target(%dma_start3A_423 : memref<10240x128xf32, #tpu.memory_space<vmem_shared>>) offsets(%dma_start3A_420 : memref<128xi32, #tpu.memory_space<vmem>>) semaphore(%run_scoped3A_417 : memref<!tpu.dma_semaphore, #tpu.memory_space<semaphore_mem>>) {add = true}
          %dma_wait3A_424 = arith.constant 0 : i32
          %dma_wait3A_425 = tpu.memref_slice %arg9[%run_scoped3A_297, %dma_wait3A_424] : memref<20x128xi32, #tpu.memory_space<vmem>> -> memref<1x128xi32, #tpu.memory_space<vmem>>
          %dma_wait3A_426 = tpu.memref_squeeze %dma_wait3A_425 : memref<1x128xi32, #tpu.memory_space<vmem>> -> memref<128xi32, #tpu.memory_space<vmem>>
          %dma_wait3A_427 = arith.constant 0 : i32
          %dma_wait3A_428 = arith.constant 0 : i32
          %dma_wait3A_429 = tpu.memref_slice %arg12[%dma_wait3A_427, %dma_wait3A_428] : memref<10240x128xf32, #tpu.memory_space<vmem_shared>> -> memref<10240x128xf32, #tpu.memory_space<vmem_shared>>
          tpu.wait_indirect_dma semaphore(%run_scoped3A_417 : memref<!tpu.dma_semaphore, #tpu.memory_space<semaphore_mem>>) src(%arg10 : memref<128x128xf32, #tpu.memory_space<vmem>>) dst(%dma_wait3A_429 : memref<10240x128xf32, #tpu.memory_space<vmem_shared>>)
          tpu.yield
        }) : () -> ()
        %dma_start3A_298 = arith.constant 12 : i32
        %dma_start3A_299 = arith.constant 0 : i32
        %dma_start3A_300 = tpu.memref_slice %arg8[%dma_start3A_298, %dma_start3A_299] : memref<20x128xi32, #tpu.memory_space<vmem>> -> memref<1x128xi32, #tpu.memory_space<vmem>>
        %dma_start3A_301 = tpu.memref_squeeze %dma_start3A_300 : memref<1x128xi32, #tpu.memory_space<vmem>> -> memref<128xi32, #tpu.memory_space<vmem>>
        %dma_start3A_302 = arith.constant 0 : i32
        %dma_start3A_303 = arith.constant 0 : i32
        %dma_start3A_304 = tpu.memref_slice %arg2[%dma_start3A_302, %dma_start3A_303] : memref<10000x128xf32, #tpu.memory_space<hbm>> -> memref<10000x128xf32, #tpu.memory_space<hbm>>
        tpu.enqueue_indirect_dma source(%dma_start3A_304 : memref<10000x128xf32, #tpu.memory_space<hbm>>) target(%arg10 : memref<128x128xf32, #tpu.memory_space<vmem>>) offsets(%dma_start3A_301 : memref<128xi32, #tpu.memory_space<vmem>>) semaphore(%arg13 : memref<!tpu.dma_semaphore, #tpu.memory_space<semaphore_mem>>)
        %dma_wait3A_305 = arith.constant 0 : i32
        %dma_wait3A_306 = arith.constant 0 : i32
        %dma_wait3A_307 = tpu.memref_slice %arg2[%dma_wait3A_305, %dma_wait3A_306] : memref<10000x128xf32, #tpu.memory_space<hbm>> -> memref<128x128xf32, #tpu.memory_space<hbm>>
        %dma_wait3A_308 = arith.constant 0 : i32
        %dma_wait3A_309 = arith.constant 0 : i32
        %dma_wait3A_310 = tpu.memref_slice %arg2[%dma_wait3A_308, %dma_wait3A_309] : memref<10000x128xf32, #tpu.memory_space<hbm>> -> memref<128x128xf32, #tpu.memory_space<hbm>>
        tpu.wait_dma2 semaphore(%arg14 : memref<!tpu.dma_semaphore, #tpu.memory_space<semaphore_mem>>) src(%dma_wait3A_310 : memref<128x128xf32, #tpu.memory_space<hbm>>) dst(%arg11 : memref<128x128xf32, #tpu.memory_space<vmem>>)
        %run_scoped3A_311 = arith.constant 11 : i32
        "tpu.region"() ({
          %run_scoped3A_417 = tpu.sem_alloc : memref<!tpu.dma_semaphore, #tpu.memory_space<semaphore_mem>>
          %dma_start3A_418 = arith.constant 0 : i32
          %dma_start3A_419 = tpu.memref_slice %arg9[%run_scoped3A_311, %dma_start3A_418] : memref<20x128xi32, #tpu.memory_space<vmem>> -> memref<1x128xi32, #tpu.memory_space<vmem>>
          %dma_start3A_420 = tpu.memref_squeeze %dma_start3A_419 : memref<1x128xi32, #tpu.memory_space<vmem>> -> memref<128xi32, #tpu.memory_space<vmem>>
          %dma_start3A_421 = arith.constant 0 : i32
          %dma_start3A_422 = arith.constant 0 : i32
          %dma_start3A_423 = tpu.memref_slice %arg12[%dma_start3A_421, %dma_start3A_422] : memref<10240x128xf32, #tpu.memory_space<vmem_shared>> -> memref<10240x128xf32, #tpu.memory_space<vmem_shared>>
          tpu.enqueue_indirect_dma source(%arg11 : memref<128x128xf32, #tpu.memory_space<vmem>>) target(%dma_start3A_423 : memref<10240x128xf32, #tpu.memory_space<vmem_shared>>) offsets(%dma_start3A_420 : memref<128xi32, #tpu.memory_space<vmem>>) semaphore(%run_scoped3A_417 : memref<!tpu.dma_semaphore, #tpu.memory_space<semaphore_mem>>) {add = true}
          %dma_wait3A_424 = arith.constant 0 : i32
          %dma_wait3A_425 = tpu.memref_slice %arg9[%run_scoped3A_311, %dma_wait3A_424] : memref<20x128xi32, #tpu.memory_space<vmem>> -> memref<1x128xi32, #tpu.memory_space<vmem>>
          %dma_wait3A_426 = tpu.memref_squeeze %dma_wait3A_425 : memref<1x128xi32, #tpu.memory_space<vmem>> -> memref<128xi32, #tpu.memory_space<vmem>>
          %dma_wait3A_427 = arith.constant 0 : i32
          %dma_wait3A_428 = arith.constant 0 : i32
          %dma_wait3A_429 = tpu.memref_slice %arg12[%dma_wait3A_427, %dma_wait3A_428] : memref<10240x128xf32, #tpu.memory_space<vmem_shared>> -> memref<10240x128xf32, #tpu.memory_space<vmem_shared>>
          tpu.wait_indirect_dma semaphore(%run_scoped3A_417 : memref<!tpu.dma_semaphore, #tpu.memory_space<semaphore_mem>>) src(%arg11 : memref<128x128xf32, #tpu.memory_space<vmem>>) dst(%dma_wait3A_429 : memref<10240x128xf32, #tpu.memory_space<vmem_shared>>)
          tpu.yield
        }) : () -> ()
        %dma_start3A_312 = arith.constant 13 : i32
        %dma_start3A_313 = arith.constant 0 : i32
        %dma_start3A_314 = tpu.memref_slice %arg8[%dma_start3A_312, %dma_start3A_313] : memref<20x128xi32, #tpu.memory_space<vmem>> -> memref<1x128xi32, #tpu.memory_space<vmem>>
        %dma_start3A_315 = tpu.memref_squeeze %dma_start3A_314 : memref<1x128xi32, #tpu.memory_space<vmem>> -> memref<128xi32, #tpu.memory_space<vmem>>
        %dma_start3A_316 = arith.constant 0 : i32
        %dma_start3A_317 = arith.constant 0 : i32
        %dma_start3A_318 = tpu.memref_slice %arg2[%dma_start3A_316, %dma_start3A_317] : memref<10000x128xf32, #tpu.memory_space<hbm>> -> memref<10000x128xf32, #tpu.memory_space<hbm>>
        tpu.enqueue_indirect_dma source(%dma_start3A_318 : memref<10000x128xf32, #tpu.memory_space<hbm>>) target(%arg11 : memref<128x128xf32, #tpu.memory_space<vmem>>) offsets(%dma_start3A_315 : memref<128xi32, #tpu.memory_space<vmem>>) semaphore(%arg14 : memref<!tpu.dma_semaphore, #tpu.memory_space<semaphore_mem>>)
        %dma_wait3A_319 = arith.constant 0 : i32
        %dma_wait3A_320 = arith.constant 0 : i32
        %dma_wait3A_321 = tpu.memref_slice %arg2[%dma_wait3A_319, %dma_wait3A_320] : memref<10000x128xf32, #tpu.memory_space<hbm>> -> memref<128x128xf32, #tpu.memory_space<hbm>>
        %dma_wait3A_322 = arith.constant 0 : i32
        %dma_wait3A_323 = arith.constant 0 : i32
        %dma_wait3A_324 = tpu.memref_slice %arg2[%dma_wait3A_322, %dma_wait3A_323] : memref<10000x128xf32, #tpu.memory_space<hbm>> -> memref<128x128xf32, #tpu.memory_space<hbm>>
        tpu.wait_dma2 semaphore(%arg13 : memref<!tpu.dma_semaphore, #tpu.memory_space<semaphore_mem>>) src(%dma_wait3A_324 : memref<128x128xf32, #tpu.memory_space<hbm>>) dst(%arg10 : memref<128x128xf32, #tpu.memory_space<vmem>>)
        %run_scoped3A_325 = arith.constant 12 : i32
        "tpu.region"() ({
          %run_scoped3A_417 = tpu.sem_alloc : memref<!tpu.dma_semaphore, #tpu.memory_space<semaphore_mem>>
          %dma_start3A_418 = arith.constant 0 : i32
          %dma_start3A_419 = tpu.memref_slice %arg9[%run_scoped3A_325, %dma_start3A_418] : memref<20x128xi32, #tpu.memory_space<vmem>> -> memref<1x128xi32, #tpu.memory_space<vmem>>
          %dma_start3A_420 = tpu.memref_squeeze %dma_start3A_419 : memref<1x128xi32, #tpu.memory_space<vmem>> -> memref<128xi32, #tpu.memory_space<vmem>>
          %dma_start3A_421 = arith.constant 0 : i32
          %dma_start3A_422 = arith.constant 0 : i32
          %dma_start3A_423 = tpu.memref_slice %arg12[%dma_start3A_421, %dma_start3A_422] : memref<10240x128xf32, #tpu.memory_space<vmem_shared>> -> memref<10240x128xf32, #tpu.memory_space<vmem_shared>>
          tpu.enqueue_indirect_dma source(%arg10 : memref<128x128xf32, #tpu.memory_space<vmem>>) target(%dma_start3A_423 : memref<10240x128xf32, #tpu.memory_space<vmem_shared>>) offsets(%dma_start3A_420 : memref<128xi32, #tpu.memory_space<vmem>>) semaphore(%run_scoped3A_417 : memref<!tpu.dma_semaphore, #tpu.memory_space<semaphore_mem>>) {add = true}
          %dma_wait3A_424 = arith.constant 0 : i32
          %dma_wait3A_425 = tpu.memref_slice %arg9[%run_scoped3A_325, %dma_wait3A_424] : memref<20x128xi32, #tpu.memory_space<vmem>> -> memref<1x128xi32, #tpu.memory_space<vmem>>
          %dma_wait3A_426 = tpu.memref_squeeze %dma_wait3A_425 : memref<1x128xi32, #tpu.memory_space<vmem>> -> memref<128xi32, #tpu.memory_space<vmem>>
          %dma_wait3A_427 = arith.constant 0 : i32
          %dma_wait3A_428 = arith.constant 0 : i32
          %dma_wait3A_429 = tpu.memref_slice %arg12[%dma_wait3A_427, %dma_wait3A_428] : memref<10240x128xf32, #tpu.memory_space<vmem_shared>> -> memref<10240x128xf32, #tpu.memory_space<vmem_shared>>
          tpu.wait_indirect_dma semaphore(%run_scoped3A_417 : memref<!tpu.dma_semaphore, #tpu.memory_space<semaphore_mem>>) src(%arg10 : memref<128x128xf32, #tpu.memory_space<vmem>>) dst(%dma_wait3A_429 : memref<10240x128xf32, #tpu.memory_space<vmem_shared>>)
          tpu.yield
        }) : () -> ()
        %dma_start3A_326 = arith.constant 14 : i32
        %dma_start3A_327 = arith.constant 0 : i32
        %dma_start3A_328 = tpu.memref_slice %arg8[%dma_start3A_326, %dma_start3A_327] : memref<20x128xi32, #tpu.memory_space<vmem>> -> memref<1x128xi32, #tpu.memory_space<vmem>>
        %dma_start3A_329 = tpu.memref_squeeze %dma_start3A_328 : memref<1x128xi32, #tpu.memory_space<vmem>> -> memref<128xi32, #tpu.memory_space<vmem>>
        %dma_start3A_330 = arith.constant 0 : i32
        %dma_start3A_331 = arith.constant 0 : i32
        %dma_start3A_332 = tpu.memref_slice %arg2[%dma_start3A_330, %dma_start3A_331] : memref<10000x128xf32, #tpu.memory_space<hbm>> -> memref<10000x128xf32, #tpu.memory_space<hbm>>
        tpu.enqueue_indirect_dma source(%dma_start3A_332 : memref<10000x128xf32, #tpu.memory_space<hbm>>) target(%arg10 : memref<128x128xf32, #tpu.memory_space<vmem>>) offsets(%dma_start3A_329 : memref<128xi32, #tpu.memory_space<vmem>>) semaphore(%arg13 : memref<!tpu.dma_semaphore, #tpu.memory_space<semaphore_mem>>)
        %dma_wait3A_333 = arith.constant 0 : i32
        %dma_wait3A_334 = arith.constant 0 : i32
        %dma_wait3A_335 = tpu.memref_slice %arg2[%dma_wait3A_333, %dma_wait3A_334] : memref<10000x128xf32, #tpu.memory_space<hbm>> -> memref<128x128xf32, #tpu.memory_space<hbm>>
        %dma_wait3A_336 = arith.constant 0 : i32
        %dma_wait3A_337 = arith.constant 0 : i32
        %dma_wait3A_338 = tpu.memref_slice %arg2[%dma_wait3A_336, %dma_wait3A_337] : memref<10000x128xf32, #tpu.memory_space<hbm>> -> memref<128x128xf32, #tpu.memory_space<hbm>>
        tpu.wait_dma2 semaphore(%arg14 : memref<!tpu.dma_semaphore, #tpu.memory_space<semaphore_mem>>) src(%dma_wait3A_338 : memref<128x128xf32, #tpu.memory_space<hbm>>) dst(%arg11 : memref<128x128xf32, #tpu.memory_space<vmem>>)
        %run_scoped3A_339 = arith.constant 13 : i32
        "tpu.region"() ({
          %run_scoped3A_417 = tpu.sem_alloc : memref<!tpu.dma_semaphore, #tpu.memory_space<semaphore_mem>>
          %dma_start3A_418 = arith.constant 0 : i32
          %dma_start3A_419 = tpu.memref_slice %arg9[%run_scoped3A_339, %dma_start3A_418] : memref<20x128xi32, #tpu.memory_space<vmem>> -> memref<1x128xi32, #tpu.memory_space<vmem>>
          %dma_start3A_420 = tpu.memref_squeeze %dma_start3A_419 : memref<1x128xi32, #tpu.memory_space<vmem>> -> memref<128xi32, #tpu.memory_space<vmem>>
          %dma_start3A_421 = arith.constant 0 : i32
          %dma_start3A_422 = arith.constant 0 : i32
          %dma_start3A_423 = tpu.memref_slice %arg12[%dma_start3A_421, %dma_start3A_422] : memref<10240x128xf32, #tpu.memory_space<vmem_shared>> -> memref<10240x128xf32, #tpu.memory_space<vmem_shared>>
          tpu.enqueue_indirect_dma source(%arg11 : memref<128x128xf32, #tpu.memory_space<vmem>>) target(%dma_start3A_423 : memref<10240x128xf32, #tpu.memory_space<vmem_shared>>) offsets(%dma_start3A_420 : memref<128xi32, #tpu.memory_space<vmem>>) semaphore(%run_scoped3A_417 : memref<!tpu.dma_semaphore, #tpu.memory_space<semaphore_mem>>) {add = true}
          %dma_wait3A_424 = arith.constant 0 : i32
          %dma_wait3A_425 = tpu.memref_slice %arg9[%run_scoped3A_339, %dma_wait3A_424] : memref<20x128xi32, #tpu.memory_space<vmem>> -> memref<1x128xi32, #tpu.memory_space<vmem>>
          %dma_wait3A_426 = tpu.memref_squeeze %dma_wait3A_425 : memref<1x128xi32, #tpu.memory_space<vmem>> -> memref<128xi32, #tpu.memory_space<vmem>>
          %dma_wait3A_427 = arith.constant 0 : i32
          %dma_wait3A_428 = arith.constant 0 : i32
          %dma_wait3A_429 = tpu.memref_slice %arg12[%dma_wait3A_427, %dma_wait3A_428] : memref<10240x128xf32, #tpu.memory_space<vmem_shared>> -> memref<10240x128xf32, #tpu.memory_space<vmem_shared>>
          tpu.wait_indirect_dma semaphore(%run_scoped3A_417 : memref<!tpu.dma_semaphore, #tpu.memory_space<semaphore_mem>>) src(%arg11 : memref<128x128xf32, #tpu.memory_space<vmem>>) dst(%dma_wait3A_429 : memref<10240x128xf32, #tpu.memory_space<vmem_shared>>)
          tpu.yield
        }) : () -> ()
        %dma_start3A_340 = arith.constant 15 : i32
        %dma_start3A_341 = arith.constant 0 : i32
        %dma_start3A_342 = tpu.memref_slice %arg8[%dma_start3A_340, %dma_start3A_341] : memref<20x128xi32, #tpu.memory_space<vmem>> -> memref<1x128xi32, #tpu.memory_space<vmem>>
        %dma_start3A_343 = tpu.memref_squeeze %dma_start3A_342 : memref<1x128xi32, #tpu.memory_space<vmem>> -> memref<128xi32, #tpu.memory_space<vmem>>
        %dma_start3A_344 = arith.constant 0 : i32
        %dma_start3A_345 = arith.constant 0 : i32
        %dma_start3A_346 = tpu.memref_slice %arg2[%dma_start3A_344, %dma_start3A_345] : memref<10000x128xf32, #tpu.memory_space<hbm>> -> memref<10000x128xf32, #tpu.memory_space<hbm>>
        tpu.enqueue_indirect_dma source(%dma_start3A_346 : memref<10000x128xf32, #tpu.memory_space<hbm>>) target(%arg11 : memref<128x128xf32, #tpu.memory_space<vmem>>) offsets(%dma_start3A_343 : memref<128xi32, #tpu.memory_space<vmem>>) semaphore(%arg14 : memref<!tpu.dma_semaphore, #tpu.memory_space<semaphore_mem>>)
        %dma_wait3A_347 = arith.constant 0 : i32
        %dma_wait3A_348 = arith.constant 0 : i32
        %dma_wait3A_349 = tpu.memref_slice %arg2[%dma_wait3A_347, %dma_wait3A_348] : memref<10000x128xf32, #tpu.memory_space<hbm>> -> memref<128x128xf32, #tpu.memory_space<hbm>>
        %dma_wait3A_350 = arith.constant 0 : i32
        %dma_wait3A_351 = arith.constant 0 : i32
        %dma_wait3A_352 = tpu.memref_slice %arg2[%dma_wait3A_350, %dma_wait3A_351] : memref<10000x128xf32, #tpu.memory_space<hbm>> -> memref<128x128xf32, #tpu.memory_space<hbm>>
        tpu.wait_dma2 semaphore(%arg13 : memref<!tpu.dma_semaphore, #tpu.memory_space<semaphore_mem>>) src(%dma_wait3A_352 : memref<128x128xf32, #tpu.memory_space<hbm>>) dst(%arg10 : memref<128x128xf32, #tpu.memory_space<vmem>>)
        %run_scoped3A_353 = arith.constant 14 : i32
        "tpu.region"() ({
          %run_scoped3A_417 = tpu.sem_alloc : memref<!tpu.dma_semaphore, #tpu.memory_space<semaphore_mem>>
          %dma_start3A_418 = arith.constant 0 : i32
          %dma_start3A_419 = tpu.memref_slice %arg9[%run_scoped3A_353, %dma_start3A_418] : memref<20x128xi32, #tpu.memory_space<vmem>> -> memref<1x128xi32, #tpu.memory_space<vmem>>
          %dma_start3A_420 = tpu.memref_squeeze %dma_start3A_419 : memref<1x128xi32, #tpu.memory_space<vmem>> -> memref<128xi32, #tpu.memory_space<vmem>>
          %dma_start3A_421 = arith.constant 0 : i32
          %dma_start3A_422 = arith.constant 0 : i32
          %dma_start3A_423 = tpu.memref_slice %arg12[%dma_start3A_421, %dma_start3A_422] : memref<10240x128xf32, #tpu.memory_space<vmem_shared>> -> memref<10240x128xf32, #tpu.memory_space<vmem_shared>>
          tpu.enqueue_indirect_dma source(%arg10 : memref<128x128xf32, #tpu.memory_space<vmem>>) target(%dma_start3A_423 : memref<10240x128xf32, #tpu.memory_space<vmem_shared>>) offsets(%dma_start3A_420 : memref<128xi32, #tpu.memory_space<vmem>>) semaphore(%run_scoped3A_417 : memref<!tpu.dma_semaphore, #tpu.memory_space<semaphore_mem>>) {add = true}
          %dma_wait3A_424 = arith.constant 0 : i32
          %dma_wait3A_425 = tpu.memref_slice %arg9[%run_scoped3A_353, %dma_wait3A_424] : memref<20x128xi32, #tpu.memory_space<vmem>> -> memref<1x128xi32, #tpu.memory_space<vmem>>
          %dma_wait3A_426 = tpu.memref_squeeze %dma_wait3A_425 : memref<1x128xi32, #tpu.memory_space<vmem>> -> memref<128xi32, #tpu.memory_space<vmem>>
          %dma_wait3A_427 = arith.constant 0 : i32
          %dma_wait3A_428 = arith.constant 0 : i32
          %dma_wait3A_429 = tpu.memref_slice %arg12[%dma_wait3A_427, %dma_wait3A_428] : memref<10240x128xf32, #tpu.memory_space<vmem_shared>> -> memref<10240x128xf32, #tpu.memory_space<vmem_shared>>
          tpu.wait_indirect_dma semaphore(%run_scoped3A_417 : memref<!tpu.dma_semaphore, #tpu.memory_space<semaphore_mem>>) src(%arg10 : memref<128x128xf32, #tpu.memory_space<vmem>>) dst(%dma_wait3A_429 : memref<10240x128xf32, #tpu.memory_space<vmem_shared>>)
          tpu.yield
        }) : () -> ()
        %dma_start3A_354 = arith.constant 16 : i32
        %dma_start3A_355 = arith.constant 0 : i32
        %dma_start3A_356 = tpu.memref_slice %arg8[%dma_start3A_354, %dma_start3A_355] : memref<20x128xi32, #tpu.memory_space<vmem>> -> memref<1x128xi32, #tpu.memory_space<vmem>>
        %dma_start3A_357 = tpu.memref_squeeze %dma_start3A_356 : memref<1x128xi32, #tpu.memory_space<vmem>> -> memref<128xi32, #tpu.memory_space<vmem>>
        %dma_start3A_358 = arith.constant 0 : i32
        %dma_start3A_359 = arith.constant 0 : i32
        %dma_start3A_360 = tpu.memref_slice %arg2[%dma_start3A_358, %dma_start3A_359] : memref<10000x128xf32, #tpu.memory_space<hbm>> -> memref<10000x128xf32, #tpu.memory_space<hbm>>
        tpu.enqueue_indirect_dma source(%dma_start3A_360 : memref<10000x128xf32, #tpu.memory_space<hbm>>) target(%arg10 : memref<128x128xf32, #tpu.memory_space<vmem>>) offsets(%dma_start3A_357 : memref<128xi32, #tpu.memory_space<vmem>>) semaphore(%arg13 : memref<!tpu.dma_semaphore, #tpu.memory_space<semaphore_mem>>)
        %dma_wait3A_361 = arith.constant 0 : i32
        %dma_wait3A_362 = arith.constant 0 : i32
        %dma_wait3A_363 = tpu.memref_slice %arg2[%dma_wait3A_361, %dma_wait3A_362] : memref<10000x128xf32, #tpu.memory_space<hbm>> -> memref<128x128xf32, #tpu.memory_space<hbm>>
        %dma_wait3A_364 = arith.constant 0 : i32
        %dma_wait3A_365 = arith.constant 0 : i32
        %dma_wait3A_366 = tpu.memref_slice %arg2[%dma_wait3A_364, %dma_wait3A_365] : memref<10000x128xf32, #tpu.memory_space<hbm>> -> memref<128x128xf32, #tpu.memory_space<hbm>>
        tpu.wait_dma2 semaphore(%arg14 : memref<!tpu.dma_semaphore, #tpu.memory_space<semaphore_mem>>) src(%dma_wait3A_366 : memref<128x128xf32, #tpu.memory_space<hbm>>) dst(%arg11 : memref<128x128xf32, #tpu.memory_space<vmem>>)
        %run_scoped3A_367 = arith.constant 15 : i32
        "tpu.region"() ({
          %run_scoped3A_417 = tpu.sem_alloc : memref<!tpu.dma_semaphore, #tpu.memory_space<semaphore_mem>>
          %dma_start3A_418 = arith.constant 0 : i32
          %dma_start3A_419 = tpu.memref_slice %arg9[%run_scoped3A_367, %dma_start3A_418] : memref<20x128xi32, #tpu.memory_space<vmem>> -> memref<1x128xi32, #tpu.memory_space<vmem>>
          %dma_start3A_420 = tpu.memref_squeeze %dma_start3A_419 : memref<1x128xi32, #tpu.memory_space<vmem>> -> memref<128xi32, #tpu.memory_space<vmem>>
          %dma_start3A_421 = arith.constant 0 : i32
          %dma_start3A_422 = arith.constant 0 : i32
          %dma_start3A_423 = tpu.memref_slice %arg12[%dma_start3A_421, %dma_start3A_422] : memref<10240x128xf32, #tpu.memory_space<vmem_shared>> -> memref<10240x128xf32, #tpu.memory_space<vmem_shared>>
          tpu.enqueue_indirect_dma source(%arg11 : memref<128x128xf32, #tpu.memory_space<vmem>>) target(%dma_start3A_423 : memref<10240x128xf32, #tpu.memory_space<vmem_shared>>) offsets(%dma_start3A_420 : memref<128xi32, #tpu.memory_space<vmem>>) semaphore(%run_scoped3A_417 : memref<!tpu.dma_semaphore, #tpu.memory_space<semaphore_mem>>) {add = true}
          %dma_wait3A_424 = arith.constant 0 : i32
          %dma_wait3A_425 = tpu.memref_slice %arg9[%run_scoped3A_367, %dma_wait3A_424] : memref<20x128xi32, #tpu.memory_space<vmem>> -> memref<1x128xi32, #tpu.memory_space<vmem>>
          %dma_wait3A_426 = tpu.memref_squeeze %dma_wait3A_425 : memref<1x128xi32, #tpu.memory_space<vmem>> -> memref<128xi32, #tpu.memory_space<vmem>>
          %dma_wait3A_427 = arith.constant 0 : i32
          %dma_wait3A_428 = arith.constant 0 : i32
          %dma_wait3A_429 = tpu.memref_slice %arg12[%dma_wait3A_427, %dma_wait3A_428] : memref<10240x128xf32, #tpu.memory_space<vmem_shared>> -> memref<10240x128xf32, #tpu.memory_space<vmem_shared>>
          tpu.wait_indirect_dma semaphore(%run_scoped3A_417 : memref<!tpu.dma_semaphore, #tpu.memory_space<semaphore_mem>>) src(%arg11 : memref<128x128xf32, #tpu.memory_space<vmem>>) dst(%dma_wait3A_429 : memref<10240x128xf32, #tpu.memory_space<vmem_shared>>)
          tpu.yield
        }) : () -> ()
        %dma_start3A_368 = arith.constant 17 : i32
        %dma_start3A_369 = arith.constant 0 : i32
        %dma_start3A_370 = tpu.memref_slice %arg8[%dma_start3A_368, %dma_start3A_369] : memref<20x128xi32, #tpu.memory_space<vmem>> -> memref<1x128xi32, #tpu.memory_space<vmem>>
        %dma_start3A_371 = tpu.memref_squeeze %dma_start3A_370 : memref<1x128xi32, #tpu.memory_space<vmem>> -> memref<128xi32, #tpu.memory_space<vmem>>
        %dma_start3A_372 = arith.constant 0 : i32
        %dma_start3A_373 = arith.constant 0 : i32
        %dma_start3A_374 = tpu.memref_slice %arg2[%dma_start3A_372, %dma_start3A_373] : memref<10000x128xf32, #tpu.memory_space<hbm>> -> memref<10000x128xf32, #tpu.memory_space<hbm>>
        tpu.enqueue_indirect_dma source(%dma_start3A_374 : memref<10000x128xf32, #tpu.memory_space<hbm>>) target(%arg11 : memref<128x128xf32, #tpu.memory_space<vmem>>) offsets(%dma_start3A_371 : memref<128xi32, #tpu.memory_space<vmem>>) semaphore(%arg14 : memref<!tpu.dma_semaphore, #tpu.memory_space<semaphore_mem>>)
        %dma_wait3A_375 = arith.constant 0 : i32
        %dma_wait3A_376 = arith.constant 0 : i32
        %dma_wait3A_377 = tpu.memref_slice %arg2[%dma_wait3A_375, %dma_wait3A_376] : memref<10000x128xf32, #tpu.memory_space<hbm>> -> memref<128x128xf32, #tpu.memory_space<hbm>>
        %dma_wait3A_378 = arith.constant 0 : i32
        %dma_wait3A_379 = arith.constant 0 : i32
        %dma_wait3A_380 = tpu.memref_slice %arg2[%dma_wait3A_378, %dma_wait3A_379] : memref<10000x128xf32, #tpu.memory_space<hbm>> -> memref<128x128xf32, #tpu.memory_space<hbm>>
        tpu.wait_dma2 semaphore(%arg13 : memref<!tpu.dma_semaphore, #tpu.memory_space<semaphore_mem>>) src(%dma_wait3A_380 : memref<128x128xf32, #tpu.memory_space<hbm>>) dst(%arg10 : memref<128x128xf32, #tpu.memory_space<vmem>>)
        %run_scoped3A_381 = arith.constant 16 : i32
        "tpu.region"() ({
          %run_scoped3A_417 = tpu.sem_alloc : memref<!tpu.dma_semaphore, #tpu.memory_space<semaphore_mem>>
          %dma_start3A_418 = arith.constant 0 : i32
          %dma_start3A_419 = tpu.memref_slice %arg9[%run_scoped3A_381, %dma_start3A_418] : memref<20x128xi32, #tpu.memory_space<vmem>> -> memref<1x128xi32, #tpu.memory_space<vmem>>
          %dma_start3A_420 = tpu.memref_squeeze %dma_start3A_419 : memref<1x128xi32, #tpu.memory_space<vmem>> -> memref<128xi32, #tpu.memory_space<vmem>>
          %dma_start3A_421 = arith.constant 0 : i32
          %dma_start3A_422 = arith.constant 0 : i32
          %dma_start3A_423 = tpu.memref_slice %arg12[%dma_start3A_421, %dma_start3A_422] : memref<10240x128xf32, #tpu.memory_space<vmem_shared>> -> memref<10240x128xf32, #tpu.memory_space<vmem_shared>>
          tpu.enqueue_indirect_dma source(%arg10 : memref<128x128xf32, #tpu.memory_space<vmem>>) target(%dma_start3A_423 : memref<10240x128xf32, #tpu.memory_space<vmem_shared>>) offsets(%dma_start3A_420 : memref<128xi32, #tpu.memory_space<vmem>>) semaphore(%run_scoped3A_417 : memref<!tpu.dma_semaphore, #tpu.memory_space<semaphore_mem>>) {add = true}
          %dma_wait3A_424 = arith.constant 0 : i32
          %dma_wait3A_425 = tpu.memref_slice %arg9[%run_scoped3A_381, %dma_wait3A_424] : memref<20x128xi32, #tpu.memory_space<vmem>> -> memref<1x128xi32, #tpu.memory_space<vmem>>
          %dma_wait3A_426 = tpu.memref_squeeze %dma_wait3A_425 : memref<1x128xi32, #tpu.memory_space<vmem>> -> memref<128xi32, #tpu.memory_space<vmem>>
          %dma_wait3A_427 = arith.constant 0 : i32
          %dma_wait3A_428 = arith.constant 0 : i32
          %dma_wait3A_429 = tpu.memref_slice %arg12[%dma_wait3A_427, %dma_wait3A_428] : memref<10240x128xf32, #tpu.memory_space<vmem_shared>> -> memref<10240x128xf32, #tpu.memory_space<vmem_shared>>
          tpu.wait_indirect_dma semaphore(%run_scoped3A_417 : memref<!tpu.dma_semaphore, #tpu.memory_space<semaphore_mem>>) src(%arg10 : memref<128x128xf32, #tpu.memory_space<vmem>>) dst(%dma_wait3A_429 : memref<10240x128xf32, #tpu.memory_space<vmem_shared>>)
          tpu.yield
        }) : () -> ()
        %dma_start3A_382 = arith.constant 18 : i32
        %dma_start3A_383 = arith.constant 0 : i32
        %dma_start3A_384 = tpu.memref_slice %arg8[%dma_start3A_382, %dma_start3A_383] : memref<20x128xi32, #tpu.memory_space<vmem>> -> memref<1x128xi32, #tpu.memory_space<vmem>>
        %dma_start3A_385 = tpu.memref_squeeze %dma_start3A_384 : memref<1x128xi32, #tpu.memory_space<vmem>> -> memref<128xi32, #tpu.memory_space<vmem>>
        %dma_start3A_386 = arith.constant 0 : i32
        %dma_start3A_387 = arith.constant 0 : i32
        %dma_start3A_388 = tpu.memref_slice %arg2[%dma_start3A_386, %dma_start3A_387] : memref<10000x128xf32, #tpu.memory_space<hbm>> -> memref<10000x128xf32, #tpu.memory_space<hbm>>
        tpu.enqueue_indirect_dma source(%dma_start3A_388 : memref<10000x128xf32, #tpu.memory_space<hbm>>) target(%arg10 : memref<128x128xf32, #tpu.memory_space<vmem>>) offsets(%dma_start3A_385 : memref<128xi32, #tpu.memory_space<vmem>>) semaphore(%arg13 : memref<!tpu.dma_semaphore, #tpu.memory_space<semaphore_mem>>)
        %dma_wait3A_389 = arith.constant 0 : i32
        %dma_wait3A_390 = arith.constant 0 : i32
        %dma_wait3A_391 = tpu.memref_slice %arg2[%dma_wait3A_389, %dma_wait3A_390] : memref<10000x128xf32, #tpu.memory_space<hbm>> -> memref<128x128xf32, #tpu.memory_space<hbm>>
        %dma_wait3A_392 = arith.constant 0 : i32
        %dma_wait3A_393 = arith.constant 0 : i32
        %dma_wait3A_394 = tpu.memref_slice %arg2[%dma_wait3A_392, %dma_wait3A_393] : memref<10000x128xf32, #tpu.memory_space<hbm>> -> memref<128x128xf32, #tpu.memory_space<hbm>>
        tpu.wait_dma2 semaphore(%arg14 : memref<!tpu.dma_semaphore, #tpu.memory_space<semaphore_mem>>) src(%dma_wait3A_394 : memref<128x128xf32, #tpu.memory_space<hbm>>) dst(%arg11 : memref<128x128xf32, #tpu.memory_space<vmem>>)
        %run_scoped3A_395 = arith.constant 17 : i32
        "tpu.region"() ({
          %run_scoped3A_417 = tpu.sem_alloc : memref<!tpu.dma_semaphore, #tpu.memory_space<semaphore_mem>>
          %dma_start3A_418 = arith.constant 0 : i32
          %dma_start3A_419 = tpu.memref_slice %arg9[%run_scoped3A_395, %dma_start3A_418] : memref<20x128xi32, #tpu.memory_space<vmem>> -> memref<1x128xi32, #tpu.memory_space<vmem>>
          %dma_start3A_420 = tpu.memref_squeeze %dma_start3A_419 : memref<1x128xi32, #tpu.memory_space<vmem>> -> memref<128xi32, #tpu.memory_space<vmem>>
          %dma_start3A_421 = arith.constant 0 : i32
          %dma_start3A_422 = arith.constant 0 : i32
          %dma_start3A_423 = tpu.memref_slice %arg12[%dma_start3A_421, %dma_start3A_422] : memref<10240x128xf32, #tpu.memory_space<vmem_shared>> -> memref<10240x128xf32, #tpu.memory_space<vmem_shared>>
          tpu.enqueue_indirect_dma source(%arg11 : memref<128x128xf32, #tpu.memory_space<vmem>>) target(%dma_start3A_423 : memref<10240x128xf32, #tpu.memory_space<vmem_shared>>) offsets(%dma_start3A_420 : memref<128xi32, #tpu.memory_space<vmem>>) semaphore(%run_scoped3A_417 : memref<!tpu.dma_semaphore, #tpu.memory_space<semaphore_mem>>) {add = true}
          %dma_wait3A_424 = arith.constant 0 : i32
          %dma_wait3A_425 = tpu.memref_slice %arg9[%run_scoped3A_395, %dma_wait3A_424] : memref<20x128xi32, #tpu.memory_space<vmem>> -> memref<1x128xi32, #tpu.memory_space<vmem>>
          %dma_wait3A_426 = tpu.memref_squeeze %dma_wait3A_425 : memref<1x128xi32, #tpu.memory_space<vmem>> -> memref<128xi32, #tpu.memory_space<vmem>>
          %dma_wait3A_427 = arith.constant 0 : i32
          %dma_wait3A_428 = arith.constant 0 : i32
          %dma_wait3A_429 = tpu.memref_slice %arg12[%dma_wait3A_427, %dma_wait3A_428] : memref<10240x128xf32, #tpu.memory_space<vmem_shared>> -> memref<10240x128xf32, #tpu.memory_space<vmem_shared>>
          tpu.wait_indirect_dma semaphore(%run_scoped3A_417 : memref<!tpu.dma_semaphore, #tpu.memory_space<semaphore_mem>>) src(%arg11 : memref<128x128xf32, #tpu.memory_space<vmem>>) dst(%dma_wait3A_429 : memref<10240x128xf32, #tpu.memory_space<vmem_shared>>)
          tpu.yield
        }) : () -> ()
        %dma_start3A_396 = arith.constant 19 : i32
        %dma_start3A_397 = arith.constant 0 : i32
        %dma_start3A_398 = tpu.memref_slice %arg8[%dma_start3A_396, %dma_start3A_397] : memref<20x128xi32, #tpu.memory_space<vmem>> -> memref<1x128xi32, #tpu.memory_space<vmem>>
        %dma_start3A_399 = tpu.memref_squeeze %dma_start3A_398 : memref<1x128xi32, #tpu.memory_space<vmem>> -> memref<128xi32, #tpu.memory_space<vmem>>
        %dma_start3A_400 = arith.constant 0 : i32
        %dma_start3A_401 = arith.constant 0 : i32
        %dma_start3A_402 = tpu.memref_slice %arg2[%dma_start3A_400, %dma_start3A_401] : memref<10000x128xf32, #tpu.memory_space<hbm>> -> memref<10000x128xf32, #tpu.memory_space<hbm>>
        tpu.enqueue_indirect_dma source(%dma_start3A_402 : memref<10000x128xf32, #tpu.memory_space<hbm>>) target(%arg11 : memref<128x128xf32, #tpu.memory_space<vmem>>) offsets(%dma_start3A_399 : memref<128xi32, #tpu.memory_space<vmem>>) semaphore(%arg14 : memref<!tpu.dma_semaphore, #tpu.memory_space<semaphore_mem>>)
        %dma_wait3A_403 = arith.constant 0 : i32
        %dma_wait3A_404 = arith.constant 0 : i32
        %dma_wait3A_405 = tpu.memref_slice %arg2[%dma_wait3A_403, %dma_wait3A_404] : memref<10000x128xf32, #tpu.memory_space<hbm>> -> memref<128x128xf32, #tpu.memory_space<hbm>>
        %dma_wait3A_406 = arith.constant 0 : i32
        %dma_wait3A_407 = arith.constant 0 : i32
        %dma_wait3A_408 = tpu.memref_slice %arg2[%dma_wait3A_406, %dma_wait3A_407] : memref<10000x128xf32, #tpu.memory_space<hbm>> -> memref<128x128xf32, #tpu.memory_space<hbm>>
        tpu.wait_dma2 semaphore(%arg13 : memref<!tpu.dma_semaphore, #tpu.memory_space<semaphore_mem>>) src(%dma_wait3A_408 : memref<128x128xf32, #tpu.memory_space<hbm>>) dst(%arg10 : memref<128x128xf32, #tpu.memory_space<vmem>>)
        %run_scoped3A_409 = arith.constant 18 : i32
        "tpu.region"() ({
          %run_scoped3A_417 = tpu.sem_alloc : memref<!tpu.dma_semaphore, #tpu.memory_space<semaphore_mem>>
          %dma_start3A_418 = arith.constant 0 : i32
          %dma_start3A_419 = tpu.memref_slice %arg9[%run_scoped3A_409, %dma_start3A_418] : memref<20x128xi32, #tpu.memory_space<vmem>> -> memref<1x128xi32, #tpu.memory_space<vmem>>
          %dma_start3A_420 = tpu.memref_squeeze %dma_start3A_419 : memref<1x128xi32, #tpu.memory_space<vmem>> -> memref<128xi32, #tpu.memory_space<vmem>>
          %dma_start3A_421 = arith.constant 0 : i32
          %dma_start3A_422 = arith.constant 0 : i32
          %dma_start3A_423 = tpu.memref_slice %arg12[%dma_start3A_421, %dma_start3A_422] : memref<10240x128xf32, #tpu.memory_space<vmem_shared>> -> memref<10240x128xf32, #tpu.memory_space<vmem_shared>>
          tpu.enqueue_indirect_dma source(%arg10 : memref<128x128xf32, #tpu.memory_space<vmem>>) target(%dma_start3A_423 : memref<10240x128xf32, #tpu.memory_space<vmem_shared>>) offsets(%dma_start3A_420 : memref<128xi32, #tpu.memory_space<vmem>>) semaphore(%run_scoped3A_417 : memref<!tpu.dma_semaphore, #tpu.memory_space<semaphore_mem>>) {add = true}
          %dma_wait3A_424 = arith.constant 0 : i32
          %dma_wait3A_425 = tpu.memref_slice %arg9[%run_scoped3A_409, %dma_wait3A_424] : memref<20x128xi32, #tpu.memory_space<vmem>> -> memref<1x128xi32, #tpu.memory_space<vmem>>
          %dma_wait3A_426 = tpu.memref_squeeze %dma_wait3A_425 : memref<1x128xi32, #tpu.memory_space<vmem>> -> memref<128xi32, #tpu.memory_space<vmem>>
          %dma_wait3A_427 = arith.constant 0 : i32
          %dma_wait3A_428 = arith.constant 0 : i32
          %dma_wait3A_429 = tpu.memref_slice %arg12[%dma_wait3A_427, %dma_wait3A_428] : memref<10240x128xf32, #tpu.memory_space<vmem_shared>> -> memref<10240x128xf32, #tpu.memory_space<vmem_shared>>
          tpu.wait_indirect_dma semaphore(%run_scoped3A_417 : memref<!tpu.dma_semaphore, #tpu.memory_space<semaphore_mem>>) src(%arg10 : memref<128x128xf32, #tpu.memory_space<vmem>>) dst(%dma_wait3A_429 : memref<10240x128xf32, #tpu.memory_space<vmem_shared>>)
          tpu.yield
        }) : () -> ()
        %dma_wait3A_410 = arith.constant 0 : i32
        %dma_wait3A_411 = arith.constant 0 : i32
        %dma_wait3A_412 = tpu.memref_slice %arg2[%dma_wait3A_410, %dma_wait3A_411] : memref<10000x128xf32, #tpu.memory_space<hbm>> -> memref<128x128xf32, #tpu.memory_space<hbm>>
        %dma_wait3A_413 = arith.constant 0 : i32
        %dma_wait3A_414 = arith.constant 0 : i32
        %dma_wait3A_415 = tpu.memref_slice %arg2[%dma_wait3A_413, %dma_wait3A_414] : memref<10000x128xf32, #tpu.memory_space<hbm>> -> memref<128x128xf32, #tpu.memory_space<hbm>>
        tpu.wait_dma2 semaphore(%arg14 : memref<!tpu.dma_semaphore, #tpu.memory_space<semaphore_mem>>) src(%dma_wait3A_415 : memref<128x128xf32, #tpu.memory_space<hbm>>) dst(%arg11 : memref<128x128xf32, #tpu.memory_space<vmem>>)
        %run_scoped3A_416 = arith.constant 19 : i32
        "tpu.region"() ({
          %run_scoped3A_417 = tpu.sem_alloc : memref<!tpu.dma_semaphore, #tpu.memory_space<semaphore_mem>>
          %dma_start3A_418 = arith.constant 0 : i32
          %dma_start3A_419 = tpu.memref_slice %arg9[%run_scoped3A_416, %dma_start3A_418] : memref<20x128xi32, #tpu.memory_space<vmem>> -> memref<1x128xi32, #tpu.memory_space<vmem>>
          %dma_start3A_420 = tpu.memref_squeeze %dma_start3A_419 : memref<1x128xi32, #tpu.memory_space<vmem>> -> memref<128xi32, #tpu.memory_space<vmem>>
          %dma_start3A_421 = arith.constant 0 : i32
          %dma_start3A_422 = arith.constant 0 : i32
          %dma_start3A_423 = tpu.memref_slice %arg12[%dma_start3A_421, %dma_start3A_422] : memref<10240x128xf32, #tpu.memory_space<vmem_shared>> -> memref<10240x128xf32, #tpu.memory_space<vmem_shared>>
          tpu.enqueue_indirect_dma source(%arg11 : memref<128x128xf32, #tpu.memory_space<vmem>>) target(%dma_start3A_423 : memref<10240x128xf32, #tpu.memory_space<vmem_shared>>) offsets(%dma_start3A_420 : memref<128xi32, #tpu.memory_space<vmem>>) semaphore(%run_scoped3A_417 : memref<!tpu.dma_semaphore, #tpu.memory_space<semaphore_mem>>) {add = true}
          %dma_wait3A_424 = arith.constant 0 : i32
          %dma_wait3A_425 = tpu.memref_slice %arg9[%run_scoped3A_416, %dma_wait3A_424] : memref<20x128xi32, #tpu.memory_space<vmem>> -> memref<1x128xi32, #tpu.memory_space<vmem>>
          %dma_wait3A_426 = tpu.memref_squeeze %dma_wait3A_425 : memref<1x128xi32, #tpu.memory_space<vmem>> -> memref<128xi32, #tpu.memory_space<vmem>>
          %dma_wait3A_427 = arith.constant 0 : i32
          %dma_wait3A_428 = arith.constant 0 : i32
          %dma_wait3A_429 = tpu.memref_slice %arg12[%dma_wait3A_427, %dma_wait3A_428] : memref<10240x128xf32, #tpu.memory_space<vmem_shared>> -> memref<10240x128xf32, #tpu.memory_space<vmem_shared>>
          tpu.wait_indirect_dma semaphore(%run_scoped3A_417 : memref<!tpu.dma_semaphore, #tpu.memory_space<semaphore_mem>>) src(%arg11 : memref<128x128xf32, #tpu.memory_space<vmem>>) dst(%dma_wait3A_429 : memref<10240x128xf32, #tpu.memory_space<vmem_shared>>)
          tpu.yield
        }) : () -> ()
      } else {
      }
    }
    %scan3A_52 = arith.constant 2 : i32
    %barrier3A_53 = arith.constant 0 : index
    tpu.barrier barrier_id(%barrier3A_53)
    %mul3A_54 = arith.constant 640 : i32
    %mul3A_55 = arith.muli %arg1, %mul3A_54 : i32
    %mul3A_56 = arith.constant 10240 : i32
    %mul3A_57 = arith.muli %arg0, %mul3A_56 : i32
    %mul3A_58 = arith.constant 640 : i32
    %mul3A_59 = arith.muli %arg1, %mul3A_58 : i32
    %add3A_60 = arith.addi %mul3A_57, %mul3A_59 : i32
    "tpu.region"() ({
      %run_scoped3A = tpu.sem_alloc : memref<!tpu.dma_semaphore, #tpu.memory_space<semaphore_mem>>
      %dma_start3A_61 = arith.constant 0 : i32
      %dma_start3A_62 = tpu.memref_slice %arg5[%add3A_60, %dma_start3A_61] : memref<20480x128xf32, #tpu.memory_space<hbm>> -> memref<640x128xf32, #tpu.memory_space<hbm>>
      %dma_start3A_63 = arith.constant 0 : i32
      %dma_start3A_64 = tpu.memref_slice %arg12[%mul3A_55, %dma_start3A_63] : memref<10240x128xf32, #tpu.memory_space<vmem_shared>> -> memref<640x128xf32, #tpu.memory_space<vmem_shared>>
      tpu.enqueue_dma source(%dma_start3A_64 : memref<640x128xf32, #tpu.memory_space<vmem_shared>>) target(%dma_start3A_62 : memref<640x128xf32, #tpu.memory_space<hbm>>) target_semaphore(%run_scoped3A : memref<!tpu.dma_semaphore, #tpu.memory_space<semaphore_mem>>)
      %dma_wait3A = arith.constant 0 : i32
      %dma_wait3A_65 = tpu.memref_slice %arg5[%add3A_60, %dma_wait3A] : memref<20480x128xf32, #tpu.memory_space<hbm>> -> memref<640x128xf32, #tpu.memory_space<hbm>>
      %dma_wait3A_66 = arith.constant 0 : i32
      %dma_wait3A_67 = tpu.memref_slice %arg12[%mul3A_55, %dma_wait3A_66] : memref<10240x128xf32, #tpu.memory_space<vmem_shared>> -> memref<640x128xf32, #tpu.memory_space<vmem_shared>>
      tpu.wait_dma2 semaphore(%run_scoped3A : memref<!tpu.dma_semaphore, #tpu.memory_space<semaphore_mem>>) src(%dma_wait3A_67 : memref<640x128xf32, #tpu.memory_space<vmem_shared>>) dst(%dma_wait3A_65 : memref<640x128xf32, #tpu.memory_space<hbm>>)
      tpu.yield
    }) : () -> ()
    return
  }
}

module attributes {stable_mosaic.version = 14 : i64} {
  func.func @_mm_body(%arg0: i32, %arg1: memref<1x2000x128xf32, #tpu.memory_space<vmem>>, %arg2: memref<1x2000x128xf32, #tpu.memory_space<vmem>>, %arg3: memref<128x128xf32, #tpu.memory_space<vmem>>, %arg4: memref<1x128xf32, #tpu.memory_space<vmem>>, %arg5: memref<2000x128xf32, #tpu.memory_space<vmem>>) attributes {dimension_semantics = [#tpu.dimension_semantics<arbitrary>], iteration_bounds = array<i64: 5>, scalar_prefetch = 0 : i64, scratch_operands = 0 : i64, tpu.core_type = #tpu.core_type<tc>, window_params = [{transform_indices = @transform_0, window_bounds = array<i64: 1, 2000, 128>}, {transform_indices = @transform_1, window_bounds = array<i64: 1, 2000, 128>}, {pipeline_mode = #tpu.pipeline_mode<synchronous>, transform_indices = @transform_2, window_bounds = array<i64: 128, 128>}, {pipeline_mode = #tpu.pipeline_mode<synchronous>, transform_indices = @transform_3, window_bounds = array<i64: 1, 128>}, {transform_indices = @transform_4, window_bounds = array<i64: 2000, 128>}]} {
    %get3A = arith.constant 0 : index
    %get3A_0 = arith.constant 0 : index
    %get3A_1 = arith.constant 0 : index
    %get3A_2 = vector.load %arg1[%get3A, %get3A_0, %get3A_1] : memref<1x2000x128xf32, #tpu.memory_space<vmem>>, vector<1x2000x128xf32>
    %get3A_3 = vector.shape_cast %get3A_2 : vector<1x2000x128xf32> to vector<2000x128xf32>
    %get3A_4 = arith.constant 0 : index
    %get3A_5 = arith.constant 0 : index
    %get3A_6 = arith.constant 0 : index
    %get3A_7 = vector.load %arg2[%get3A_4, %get3A_5, %get3A_6] : memref<1x2000x128xf32, #tpu.memory_space<vmem>>, vector<1x2000x128xf32>
    %get3A_8 = vector.shape_cast %get3A_7 : vector<1x2000x128xf32> to vector<2000x128xf32>
    %add3A = arith.addf %get3A_3, %get3A_8 : vector<2000x128xf32>
    %get3A_9 = arith.constant 0 : index
    %get3A_10 = arith.constant 0 : index
    %get3A_11 = vector.load %arg3[%get3A_9, %get3A_10] : memref<128x128xf32, #tpu.memory_space<vmem>>, vector<128x128xf32>
    %dot_general3A = arith.constant dense<0.000000e+00> : vector<2000x128xf32>
    %dot_general3A_12 = tpu.matmul %add3A, %get3A_11, %dot_general3A {dimension_numbers = #tpu.dot_dimension_numbers<[1], [0], [0], [1], [0, 0, 1, 1], [], []>, transpose_lhs_hint = false} : vector<2000x128xf32>, vector<128x128xf32>, vector<2000x128xf32> -> vector<2000x128xf32>
    %get3A_13 = arith.constant 0 : index
    %get3A_14 = arith.constant 0 : index
    %get3A_15 = vector.load %arg4[%get3A_13, %get3A_14] : memref<1x128xf32, #tpu.memory_space<vmem>>, vector<1x128xf32>
    %add3A_16 = vector.broadcast %get3A_15 : vector<1x128xf32> to vector<2000x128xf32>
    %add3A_17 = arith.addf %dot_general3A_12, %add3A_16 : vector<2000x128xf32>
    %swap3A = arith.constant 0 : index
    %swap3A_18 = arith.constant 0 : index
    %swap3A_19 = vector.load %arg5[%swap3A, %swap3A_18] : memref<2000x128xf32, #tpu.memory_space<vmem>>, vector<2000x128xf32>
    tpu.vector_store %arg5[%swap3A, %swap3A_18], %add3A_17 {strides = array<i32>} : memref<2000x128xf32, #tpu.memory_space<vmem>>, vector<2000x128xf32>,
    return
  }
  func.func @transform_0(%arg0: i32) -> (i32, i32, i32) {
    %c0_i32 = arith.constant 0 : i32
    %c0_i32_0 = arith.constant 0 : i32
    %c0_i32_1 = arith.constant 0 : i32
    return %c0_i32, %arg0, %c0_i32_0 : i32, i32, i32
  }
  func.func @transform_1(%arg0: i32) -> (i32, i32, i32) {
    %c1_i32 = arith.constant 1 : i32
    %c0_i32 = arith.constant 0 : i32
    %c0_i32_0 = arith.constant 0 : i32
    return %c1_i32, %arg0, %c0_i32 : i32, i32, i32
  }
  func.func @transform_2(%arg0: i32) -> (i32, i32) {
    %c0_i32 = arith.constant 0 : i32
    %c0_i32_0 = arith.constant 0 : i32
    %c0_i32_1 = arith.constant 0 : i32
    return %c0_i32, %c0_i32_0 : i32, i32
  }
  func.func @transform_3(%arg0: i32) -> (i32, i32) {
    %c0_i32 = arith.constant 0 : i32
    %c0_i32_0 = arith.constant 0 : i32
    %c0_i32_1 = arith.constant 0 : i32
    return %c0_i32, %c0_i32_0 : i32, i32
  }
  func.func @transform_4(%arg0: i32) -> (i32, i32) {
    %c0_i32 = arith.constant 0 : i32
    %c0_i32_0 = arith.constant 0 : i32
    return %arg0, %c0_i32 : i32, i32
  }
}

</mosaic_0001>

<sc_bundles>
// kernel: kernel.4.cloned.1.call-start
scs
__scs_entry_jumppad:
0x0: {  	(pc) =	sbr.rel $0x88, $3  }
0x1: {  	(tag) =	ssettag $0x0;
	lr =	simm.s32 $0x1  }
0x2: {  	[smem:$0x3F9D] =	sst lr;
	_ =	strace $0xD0000000  }
0x3: {  	_ = 	snop  }
0x4: {  	_ = 	snop  }
0x5: {  	_ = 	snop  }
0x6: {  	_ = 	snop  }
0x7: {  	_ = 	snop  }
__scs_overlays_trampoline_lowered:
0x8: {  	[smem:$0x3FAC] =	sst s0  }
0x9: {  	[smem:$0x3FAD] =	sst s1  }
0xa: {  	[smem:$0x3FAE] =	sst s2  }
0xb: {  	[smem:$0x3FAF] =	sst s3  }
0xc: {  	[smem:$0x3FB0] =	sst s4  }
0xd: {  	[smem:$0x3FB1] =	sst s5  }
0xe: {  	[smem:$0x3FB2] =	sst s6  }
0xf: {  	[smem:$0x3FB3] =	sst s7  }
0x10: {  	[smem:$0x3FB4] =	sst s8  }
0x11: {  	[smem:$0x3FB5] =	sst s9;
	s0 =	simm.s32 @!p0 $0x0  }
0x12: {  	s1 =	sld [smem:$0x3F9B];
	s0 =	simm.s32 @p0 $0x1  }
0x13: {  	[smem:$0x3FB6] =	sst s0;
	s0 =	simm.s32 @!p1 $0x0  }
0x14: {  	s2 =	sld [smem:$0x3F9A];
	s0 =	simm.s32 @p1 $0x1  }
0x15: {  	[smem:$0x3FB7] =	sst s0;
	s0 =	simm.s32 @!p2 $0x0  }
0x16: {  	s3 =	sld [smem:$0x3FDB];
	s0 =	simm.s32 @p2 $0x1  }
0x17: {  	s4 =	simm.s32 $0x1BF5;
	[smem:$0x3FB9] =	sst s0  }
0x18: {  	s0 =	sld [smem:$0x3F9C];
	_ =	swait.ge [sflag:s4], $0x0  }
0x19: {  	s7 =	sld [smem:$0x3F9D]  }
0x1a: {  	s8 =	sadd.s32 $0xFFFFE003, lr  }
0x1b: {  	s9 =	sadd.s32 $0xFFFFFEF7, lr;
	s5 =	simm.s32 $0xFFFFFFFF;
	p2 =	slt.u32 s8, $0xFFFFF086  }
0x1c: {  	p1 =	slt.u32 s9, $0xF7A;
	s5 =	simm.s32 @!p2 $0x0  }
0x1d: {  	s5 =	simm.s32 @p1 $0x1;
	p0 =	seq.s32 s7, s2  }
0x1e: {  	s7 =	smul.u32 @!p0 $0xF7A, s2;
	p2 =	seq.s32 @!p0 s5, $0x0  }
0x1f: {  	s9 =	smul.u32 $0xF7A, s1;
	s8 =	simm.s32 @!p0 $0x1BF5;
	p2 =	por !p2, p0  }
0x20: {  	[sflag:s8] =	ssyncset.s32 @!p0 $0xFFFFF086;
	s6 =	sadd.s32 @!p0 s3, s7;
	s7 =	simm.s32 @!p0 $0x108  }
0x21: {  	s3 =	sadd.s32 s3, s9;
	s6 =	sadd.s32 @!p0 $0x88, s6;
	s7 =	simm.s32 @p2 $0x1082  }
0x22: {  	[simem:s7], [sflag:s8] =	dma.local @!p0 [hbm:s6], $0xF7A  }
0x23: {  	s9 =	sor.u32 $0xD0000000, s2;
	s6 =	simm.s32 $0x108;
	_ =	swait.ge @!p0 [sflag:s8], $0x0  }
0x24: {  	s3 =	sadd.s32 $0x88, s3;
	s6 =	simm.s32 @!p1 $0x1082;
	[sflag:s4] =	ssyncset.s32 $0xFFFFF086  }
0x25: {  	[simem:s6], [sflag:s4] =	dma.local [hbm:s3], $0xF7A  }
0x26: {  	[smem:$0x3F9D] =	sst s1;
	(tag) =	ssettag s2;
	_ =	strace s9  }
0x27: {  	s1 =	sld [smem:$0x3FAD]  }
0x28: {  	s2 =	sld [smem:$0x3FAE]  }
0x29: {  	s4 =	sld [smem:$0x3FB0]  }
0x2a: {  	p0 =	seq.s32 s5, $0x0;
	s5 =	sld [smem:$0x3FB1]  }
0x2b: {  	s6 =	sld [smem:$0x3FB2]  }
0x2c: {  	s7 =	sld [smem:$0x3FB3]  }
0x2d: {  	s3 =	simm.s32 $0x108;
	s8 =	sld [smem:$0x3FB4]  }
0x2e: {  	s3 =	simm.s32 @!p0 $0x1082;
	s9 =	sld [smem:$0x3FB5]  }
0x2f: {  	lr =	sadd.s32 s0, s3;
	s0 =	sld [smem:$0x3FAC]  }
0x30: {  	s3 =	sld [smem:$0x3FAF]  }
0x31: {  	[smem:$0x3FB8] =	sst s10  }
0x32: {  	s10 =	sld [smem:$0x3FB6];
	_ =	sdelay $0x3  }
0x33: {  	p0 =	seq.s32 s10, $0x1;
	s10 =	sld [smem:$0x3FB8];
	_ =	sdelay $0x3  }
0x34: {  	[smem:$0x3FB8] =	sst s10  }
0x35: {  	s10 =	sld [smem:$0x3FB7];
	_ =	sdelay $0x3  }
0x36: {  	p1 =	seq.s32 s10, $0x1;
	s10 =	sld [smem:$0x3FB8];
	_ =	sdelay $0x3  }
0x37: {  	[smem:$0x3FB8] =	sst s10  }
0x38: {  	s10 =	sld [smem:$0x3FB9]  }
0x39: {  	_ = 	snop;
	(pc) =	sbr.ind lr, $3  }
0x3a: {  	_ = 	snop  }
0x3b: {  	_ = 	snop  }
0x3c: {  	p2 =	seq.s32 s10, $0x1;
	s10 =	sld [smem:$0x3FB8]  }
0x3d: {  	_ =	shalt  }
0x3e: {  	_ =	shalt  }
0x3f: {  	_ =	shalt  }
0x40: {  	_ =	shalt  }
0x41: {  	_ =	shalt  }
0x42: {  	_ =	shalt  }
0x43: {  	_ =	shalt  }
0x44: {  	_ =	shalt  }
0x45: {  	_ =	shalt  }
0x46: {  	_ =	shalt  }
0x47: {  	_ =	shalt  }
0x48: {  	_ =	shalt  }
0x49: {  	_ =	shalt  }
0x4a: {  	_ =	shalt  }
0x4b: {  	_ =	shalt  }
0x4c: {  	_ =	shalt  }
0x4d: {  	_ =	shalt  }
0x4e: {  	_ =	shalt  }
0x4f: {  	_ =	shalt  }
0x50: {  	_ =	shalt  }
0x51: {  	_ =	shalt  }
0x52: {  	_ =	shalt  }
0x53: {  	_ =	shalt  }
0x54: {  	_ =	shalt  }
0x55: {  	_ =	shalt  }
0x56: {  	_ =	shalt  }
0x57: {  	_ =	shalt  }
0x58: {  	_ =	shalt  }
0x59: {  	_ =	shalt  }
0x5a: {  	_ =	shalt  }
0x5b: {  	_ =	shalt  }
0x5c: {  	_ =	shalt  }
0x5d: {  	_ =	shalt  }
0x5e: {  	_ =	shalt  }
0x5f: {  	_ =	shalt  }
0x60: {  	_ =	shalt  }
0x61: {  	_ =	shalt  }
0x62: {  	_ =	shalt  }
0x63: {  	_ =	shalt  }
0x64: {  	_ =	shalt  }
0x65: {  	_ =	shalt  }
0x66: {  	_ =	shalt  }
0x67: {  	_ =	shalt  }
0x68: {  	_ =	shalt  }
0x69: {  	_ =	shalt  }
0x6a: {  	_ =	shalt  }
0x6b: {  	_ =	shalt  }
0x6c: {  	_ =	shalt  }
0x6d: {  	_ =	shalt  }
0x6e: {  	_ =	shalt  }
0x6f: {  	_ =	shalt  }
0x70: {  	_ =	shalt  }
0x71: {  	_ =	shalt  }
0x72: {  	_ =	shalt  }
0x73: {  	_ =	shalt  }
0x74: {  	_ =	shalt  }
0x75: {  	_ =	shalt  }
0x76: {  	_ =	shalt  }
0x77: {  	_ =	shalt  }
0x78: {  	_ =	shalt  }
0x79: {  	_ =	shalt  }
0x7a: {  	_ =	shalt  }
0x7b: {  	_ =	shalt  }
0x7c: {  	_ =	shalt  }
0x7d: {  	_ =	shalt  }
0x7e: {  	_ =	shalt  }
0x7f: {  	_ =	shalt  }
0x80: {  	_ =	shalt  }
0x81: {  	_ =	shalt  }
0x82: {  	_ =	shalt  }
0x83: {  	_ =	shalt  }
0x84: {  	_ =	shalt  }
0x85: {  	_ =	shalt  }
0x86: {  	_ =	shalt  }
0x87: {  	_ =	shalt  }
.Lfunc_end0:
.L_simem_size_0:
called_computation_lowered:
.L_overlay_start_0:
0x88: {  	s2 =	sld [smem:$0x3FD9]  }
0x89: {  	s3 =	sld [smem:$0x3FFE];
	_ =	sdelay $0x1  }
0x8a: {  	s1 =	srdreg.scid  }
0x8b: {  	s0 =	sand.u32 $0x1, s1  }
0x8c: {  	s17 =	sshll.u32 s0, $0xA;
	s2 =	sadd.s32 s3, s2  }
0x8d: {  	s2 =	sadd.s32 s2, s17  }
0x8e: {  	[smem:$0x3FC4] =	sst s2  }
0x8f: {  	_ = 	snop  }
0x90: {  	s2 =	sld [smem:$0x3FC9]  }
0x91: {  	s18 =	sld [smem:$0x3FD0];
	(tm) =	ssettm $0x1  }
0x92: {  	s4 =	sld [smem:$0x3FFB];
	_ =	sdelay $0x3  }
0x93: {  	_ =	strace s4  }
0x94: {  	s4 =	sld [smem:$0x3FFC];
	_ =	sdelay $0x3  }
0x95: {  	_ =	strace s4  }
0x96: {  	s4 =	sld [smem:$0x3FFD];
	_ =	sdelay $0x3  }
0x97: {  	_ =	strace s4  }
0x98: {  	_ =	strace $0x8FFFFFFF  }
0x99: {  	s19 =	sld [smem:$0x3FDB];
	_ =	sdelay $0x1  }
0x9a: {  	s5 =	simm.s32 $_scs_section_size  }
0x9b: {  	s6 =	simm.s32 $_size__tile_overlayer_lowered;
	s7 =	simm.s32 $_tile_overlayer_lowered  }
0x9c: {  	s22 =	simm.s32 $0x1BFF;
	s21 =	sshll.u32 s7, $0x1;
	s4 =	sadd.s32 s5, s19  }
0x9d: {  	s8 =	simm.s32 $0x0;
	s20 =	sshll.u32 s6, $0x1;
	s6 =	sadd.s32 s21, s4  }
0x9e: {  	[timem:s8], [sflag:s22] =	dma.local [hbm:s6], s20  }
0x9f: {  	_ =	swait.ge [sflag:s22], s20  }
0xa0: {  	s5 =	ssub.s32 $0x0, s20;
	[sflag:s22] =	ssyncset.done $0x0  }
0xa1: {  	[sflag:s22] =	ssyncadd.s32 s5;
	_ =	sdelay $0x1  }
0xa2: {  	s23 =	simm.s32 $0x1B8B  }
0xa3: {  	_ =	swait.ge [sflag:s23], $0x1  }
0xa4: {  	[sflag:s23] =	ssyncset.done $0x0  }
0xa5: {  	s25 =	simm.s32 $0x1B8E;
	s24 =	sld [smem:$0x3FFE];
	[sflag:s23] =	ssyncadd.s32 $0xFFFFFFFF  }
0xa6: {  	s26 =	simm.s32 $execute0_lowered;
	[smem:$0x3FD2] =	sst s25  }
0xa7: {  	s6 =	sshll.u32 s26, $0x1;
	_ =	strace $0x80000046;
	[dreg:$0x1] =	wrdreg $0xFFFFFFFF  }
0xa8: {  	s28 =	simm.s32 $_size_execute0_lowered;
	s4 =	sadd.s32 s4, s6;
	[dreg:$0x0] =	wrdreg $0x0  }
0xa9: {  	s6 =	sshll.u32 s28, $0x1;
	[dreg:$0x2] =	wrdreg s4  }
0xaa: {  	[dreg:$0x3] =	wrdreg s6  }
0xab: {  	[dreg:$0x4] =	wrdreg $0xC0  }
0xac: {  	_ =	task [dreg:s8], $0x5FFFF  }
0xad: {  	[dreg:$0x1] =	wrdreg $0xFFFFFFFF  }
0xae: {  	[dreg:$0x0] =	wrdreg $0x60  }
0xaf: {  	[dreg:$0x2] =	wrdreg s2  }
0xb0: {  	[dreg:$0x3] =	wrdreg s18  }
0xb1: {  	[dreg:$0x4] =	wrdreg s24  }
0xb2: {  	[dreg:$0x5] =	wrdreg $0xB0000  }
0xb3: {  	[dreg:$0x6] =	wrdreg $0x9  }
0xb4: {  	_ =	task.clear_ibuf [dreg:s8], $0x7FFFF;
	_ =	strace $0x90000046  }
0xb5: {  	s29 =	simm.s32 $0x9;
	_ =	strace $0x80000048  }
0xb6: {  	_ =	swait.ge [sflag:s29], $0x1  }
0xb7: {  	[sflag:s29] =	ssyncadd.s32 $0xFFFFFFFF  }
0xb8: {  	_ =	strace $0x90000048  }
0xb9: {  	_ =	sfence  }
0xba: {  	s30 =	sld [smem:$0x0];
	_ =	sdelay $0x2  }
0xbb: {  	s31 =	sshll.u32 s1, $0xD;
	s1 =	sshrl.u32 s1, $0x2  }
0xbc: {  	s3 =	sand.u32 $0x4000, s31;
	s1 =	sadd.s32 s1, s30  }
0xbd: {  	s0 =	sor.u32 s3, s0;
	s1 =	sshll.u32 s1, $0x11  }
0xbe: {  	s0 =	sor.u32 s1, s0  }
0xbf: {  	s0 =	sadd.s32 $0x8F2B, s0  }
0xc0: {  	[sflag:s0] =	ssyncadd.remote.s32 $0x1  }
0xc1: {  	_ =	sfence.sel $0xFFFF  }
0xc2: {  	[dreg:$0x0] =	wrdreg $0xFFFFFFFF;
	(pc) =	sbr.abs _section_cstart, $3  }
0xc3: {  	[dreg:$0x1] =	wrdreg $0xFFFFFFFF  }
0xc4: {  	_ =	task.clear_ibuf [dreg:s8], $0x2FFFF;
	_ =	strace $0x9FFFFFFF  }
0xc5: {  	(tm) =	ssettm $0x7FFFFFFF  }
tec
execute0_lowered:
.L_overlay_start_1:
0x0: {  	(tag) =	ssettag $0x1  }
0x1: {  	s1 =	rddreg [dreg:$0x0]  }
0x2: {  	s2 =	rddreg [dreg:$0x1]  }
0x3: {  	s0 =	rddreg [dreg:$0x2]  }
0x4: {  	s4 =	rddreg [dreg:$0x3];
	s3 =	srdreg.scid;
	s5 =	simm.s32 $0x0  }
0x5: {  	s11 =	stileid.u32;
	s28 =	simm.s32 $0x7000;
	s29 =	simm.s32 $0x1  }
0x6: {  	s30 =	simm.s32 $0x6;
	s12 =	simm.s32 $0x2180;
	s13 =	simm.s32 $0x2D00  }
0x7: {  	s17 =	simm.s32 $0x2D80;
	s18 =	simm.s32 $0x0;
	s6 =	smul.u32 $0x2800, s11  }
0x8: {  	s3 =	sand.u32 $0x1, s3;
	s8 =	sshll.u32 s11, $0x2;
	s11 =	smul.u32 $0x50000, s11  }
0x9: {  	[smem:$0x7FF] =	sst s5;
	s7 =	sshll.u32 s3, $0x6;
	s9 =	smul.u32 $0x28000, s3  }
0xa: {  	_ =	strace $0x80000047;
	s3 =	ssub.s32 $0x2, s3;
	s7 =	sor.u32 s8, s7  }
0xb: {  	s10 =	sshrl.u32 s3, $0x1;
	s21 =	sshrl.u32 s11, $0x2;
	s11 =	simm.s32 $0x2C80  }
0xc: {  	s8 =	smul.u32 $0x180, s7;
	s9 =	sadd.s32 s6, s9;
	s6 =	sadd.s32 $0x200, s0  }
0xd: {  	s3 =	ssub.s32 s3, s10;
	s22 =	sor.u32 $0x2, s7;
	s14 =	sxor.u32 $0x7D, s7  }
0xe: {  	s19 =	sor.u32 $0x1, s7;
	s7 =	simm.s32 $0x2C00;
	s31 =	smax.u32 s3, $0x1  }
0xf: {  	s10 =	simm.s32 $0x2100;
	s20 =	sadd.s32 s2, s8;
	[dreg:$0xd] =	wrdreg s31  }
0x10: {  	s0 =	sadd.s32 s9, s0;
	s8 =	sadd.s32 s6, s8;
	[dreg:$0x5] =	wrdreg s20  }
0x11: {  	s23 =	smin.u32 s22, $0x7C;
	s0 =	sadd.s32 $0xBE00, s0;
	[dreg:$0x6] =	wrdreg s8  }
0x12: {  	s22 =	simm.s32 $0x5;
	s20 =	sadd.s32 s21, s4;
	[dreg:$0xc] =	wrdreg s0  }
0x13: {  	s3 =	simm.s32 $0x2080;
	s9 =	sadd.s32 $0x4000, s20;
	[dreg:$0x7] =	wrdreg s20  }
0x14: {  	s8 =	smul.u32 $0x180, s23;
	s24 =	sadd.s32 $0x8000, s20;
	[dreg:$0x8] =	wrdreg s9  }
.Ltmp0:
0x15: {  	s25 =	sadd.s32 $0xC000, s20;
	[dreg:$0x9] =	wrdreg s24;
	(pc) =	sbr.rel .LBB2_1-.Ltmp0, $4  }
0x16: {  	s21 =	simm.s32 $0x3000;
	s26 =	sadd.s32 $0x10000, s20;
	[dreg:$0xa] =	wrdreg s25  }
0x17: {  	s23 =	simm.s32 $0x1800;
	s0 =	simm.s32 $0x2;
	[dreg:$0xb] =	wrdreg s26  }
0x18: {  	s15 =	sadd.s32 s2, s8;
	s16 =	sadd.s32 s6, s8;
	s24 =	simm.s32 $0x2400  }
0x19: {  	v0 =	vimm.f32 $0.0e+00;
	s25 =	simm.s32 $0x3;
	s26 =	simm.s32 $0x80;
	s8 =	simm.s32 $0x4  }
.LBB2_9:
0x1a: {  	s9 =	stileid.u32;
	[bflag:$0x0] =	sbarrier.arrive $0xFFFF  }
0x1b: {  	s9 =	sshll.u32 s9, $0x6;
	s20 =	rddreg [dreg:$0x7]  }
0x1c: {  	s31 =	rddreg [dreg:$0xc];
	s9 =	sor.u32 $0x1C05, s9;
	s18 =	sshrl.u32 s20, $0x3  }
0x1d: {  	[hbm:s31], [sflag:s9] =	dma.local [spmem:s18], $0x2800  }
0x1e: {  	_ =	swait.ge [sflag:s22], $0x2800  }
0x1f: {  	s9 =	rddreg [dreg:$0xe]  }
0x20: {  	s31 =	rddreg [dreg:$0xd];
	s18 =	sadd.s32 $0x1, s9  }
0x21: {  	p0 =	sne.s32 s18, s31  }
.Ltmp1:
0x22: {  	_ = 	snop;
	(pc) =	sbr.rel @!p0 .LBB2_10-.Ltmp1, $3  }
0x23: {  	_ =	sdelay $0x1  }
0x24: {  	[sflag:s22] =	ssyncset.done $0x0  }
0x25: {  	[sflag:s22] =	ssyncadd.s32 $0xFFFFD800  }
.LBB2_1:
0x26: {  	[dreg:$0xe] =	wrdreg s18  }
0x27: {  	s9 =	rddreg [dreg:$0x5]  }
0x28: {  	[tilespmem:s5], [sflag:$0x3] =	stream.linear.gather [hbm4b:s9+s5], $0xA00, $0x38;
	[tilespmem:$0x1F000] =	vst v63  }
0x29: {  	s18 =	rddreg [dreg:$0x6];
	s31 =	simm.s32 $0xC00  }
0x2a: {  	[tilespmem:s31], [sflag:$0x3] =	stream.linear.gather [hbm4b:s18+s5], $0xA00, $0x38;
	[tilespmem:$0x1F000] =	vst v63  }
0x2b: {  	s9 =	simm.s32 $0x200;
	s18 =	simm.s32 $0x0  }
.LBB2_2:
0x2c: {  	p0 =	sne.s32 s9, $0xFE00;
	[tilespmem:s18+$0x3070] =	vst v0  }
0x2d: {  	[tilespmem:s18+$0x3000] =	vst v0  }
0x2e: {  	[tilespmem:s18+$0x3010] =	vst v0  }
.Ltmp2:
0x2f: {  	[tilespmem:s18+$0x3020] =	vst v0;
	(pc) =	sbr.rel @p0 .LBB2_2-.Ltmp2, $4  }
0x30: {  	[tilespmem:s18+$0x3030] =	vst v0  }
0x31: {  	[tilespmem:s18+$0x3040] =	vst v0  }
0x32: {  	[tilespmem:s18+$0x3050] =	vst v0  }
0x33: {  	[tilespmem:s18+$0x3060] =	vst v0;
	s18 =	sshra.s32 s9, $0x2;
	s9 =	sadd.s32 $0x200, s9  }
0x34: {  	[tilespmem:s18+$0x3070] =	vst v0  }
0x35: {  	[tilespmem:s18+$0x3000] =	vst v0  }
0x36: {  	[tilespmem:s18+$0x3010] =	vst v0  }
0x37: {  	[tilespmem:s18+$0x3020] =	vst v0  }
0x38: {  	[tilespmem:s18+$0x3030] =	vst v0  }
0x39: {  	[tilespmem:s18+$0x3040] =	vst v0  }
0x3a: {  	[tilespmem:s18+$0x3050] =	vst v0  }
0x3b: {  	[tilespmem:s18+$0x3060] =	vst v0  }
0x3c: {  	[spmem:s20] =	stream.linear.scatter [tilespmem:s21], [sflag:$0x5], $0x4000, $0x38;
	[tilespmem:$0x1F000] =	vst v63  }
0x3d: {  	_ =	swait.ge [sflag:s22], $0x4000  }
0x3e: {  	[sflag:s22] =	ssyncset.done $0x0  }
0x3f: {  	s9 =	rddreg [dreg:$0x8];
	[sflag:s22] =	ssyncadd.s32 $0xFFFFC000  }
0x40: {  	[spmem:s9] =	stream.linear.scatter [tilespmem:s21], [sflag:$0x5], $0x4000, $0x38;
	[tilespmem:$0x1F000] =	vst v63  }
0x41: {  	_ =	swait.ge [sflag:s22], $0x4000  }
0x42: {  	[sflag:s22] =	ssyncset.done $0x0  }
0x43: {  	s18 =	rddreg [dreg:$0x9];
	[sflag:s22] =	ssyncadd.s32 $0xFFFFC000  }
0x44: {  	[spmem:s18] =	stream.linear.scatter [tilespmem:s21], [sflag:$0x5], $0x4000, $0x38;
	[tilespmem:$0x1F000] =	vst v63  }
0x45: {  	_ =	swait.ge [sflag:s22], $0x4000  }
0x46: {  	[sflag:s22] =	ssyncset.done $0x0  }
0x47: {  	s20 =	rddreg [dreg:$0xa];
	[sflag:s22] =	ssyncadd.s32 $0xFFFFC000  }
0x48: {  	[spmem:s20] =	stream.linear.scatter [tilespmem:s21], [sflag:$0x5], $0x4000, $0x38;
	[tilespmem:$0x1F000] =	vst v63  }
0x49: {  	_ =	swait.ge [sflag:s22], $0x4000  }
0x4a: {  	[sflag:s22] =	ssyncset.done $0x0  }
0x4b: {  	s31 =	rddreg [dreg:$0xb];
	[sflag:s22] =	ssyncadd.s32 $0xFFFFC000  }
0x4c: {  	[spmem:s31] =	stream.linear.scatter [tilespmem:s21], [sflag:$0x5], $0x4000, $0x38;
	[tilespmem:$0x1F000] =	vst v63  }
.Ltmp3:
0x4d: {  	_ =	swait.ge [sflag:s22], $0x4000;
	(pc) =	sbr.rel .LBB2_4-.Ltmp3, $4  }
0x4e: {  	[sflag:s22] =	ssyncset.done $0x0  }
0x4f: {  	[sflag:s22] =	ssyncadd.s32 $0xFFFFC000  }
0x50: {  	[bflag:$0x0] =	sbarrier.arrive $0xFFFF  }
0x51: {  	p1 =	por $0x1, $0x1;
	s9 =	simm.s32 $0x0  }
.LBB2_8:
.Ltmp4:
0x52: {  	(pc) =	sbr.rel @!p0 .LBB2_9-.Ltmp4, $2  }
0x53: {  	_ =	sdelay $0x2  }
0x54: {  	s9 =	simm.s32 $0x2;
	p1 =	por $0x0, $0x0  }
.LBB2_4:
0x55: {  	s20 =	sor.u32 s19, s9  }
0x56: {  	p0 =	slt.s32 s20, $0x7C;
	s18 =	smov.u32 s20  }
0x57: {  	s18 =	simm.s32 @!p0 $0x7C  }
0x58: {  	s18 =	smul.u32 $0x180, s18;
	_ =	sdelay $0x1  }
0x59: {  	s31 =	sadd.s32 s2, s18  }
0x5a: {  	[tilespmem:s23], [sflag:$0x4] =	stream.linear.gather [hbm4b:s31+s5], $0xA00, $0x38;
	[tilespmem:$0x1F000] =	vst v63  }
0x5b: {  	s18 =	sadd.s32 s6, s18  }
0x5c: {  	[tilespmem:s24], [sflag:$0x4] =	stream.linear.gather [hbm4b:s18+s5], $0xA00, $0x38;
	[tilespmem:$0x1F000] =	vst v63  }
0x5d: {  	p2 =	sge.u32 s9, s14;
	_ =	swait.ge [sflag:s25], $0xA00  }
.Ltmp5:
0x5e: {  	[sflag:s25] =	ssyncset.done $0x0;
	(pc) =	sbr.rel @p2 .LBB2_6-.Ltmp5, $4  }
0x5f: {  	[sflag:s25] =	ssyncadd.s32 $0xFFFFF600  }
0x60: {  	_ =	swait.ge [sflag:s25], $0xA00  }
0x61: {  	[sflag:s25] =	ssyncset.done $0x0  }
0x62: {  	p0 =	por p1, p1;
	[sflag:s25] =	ssyncadd.s32 $0xFFFFF600  }
0x63: {  	[tilespmem:s21], [sflag:$0x1] =	stream.indirect.gather [hbm4b:s1+s26], $0x80, s5, s26, $0xb8;
	[tilespmem:$0x1F000] =	vst v63  }
0x64: {  	_ = 	snop  }
0x65: {  	[tilespmem:s28], [sflag:$0x2] =	stream.indirect.gather [hbm4b:s1+s26], $0x80, s26, s26, $0xb8;
	[tilespmem:$0x1F000] =	vst v63  }
0x66: {  	_ =	swait.ge [sflag:s29], $0x4000  }
0x67: {  	[sflag:s29] =	ssyncset.done $0x0  }
0x68: {  	s9 =	simm.s32 $0xC00;
	[sflag:s29] =	ssyncadd.s32 $0xFFFFC000  }
0x69: {  	[spmem:s4] =	stream.indirect.scatter.add.f32 [tilespmem:s21], [sflag:$0x6], $0x80, s9, s26, $0xb8;
	[tilespmem:$0x1F000] =	vst v63  }
0x6a: {  	_ =	swait.ge [sflag:s30], $0x4000  }
0x6b: {  	[sflag:s30] =	ssyncset.done $0x0  }
0x6c: {  	s31 =	simm.s32 $0x100;
	[sflag:s30] =	ssyncadd.s32 $0xFFFFC000  }
0x6d: {  	[tilespmem:s21], [sflag:$0x1] =	stream.indirect.gather [hbm4b:s1+s26], $0x80, s31, s26, $0xb8;
	[tilespmem:$0x1F000] =	vst v63  }
0x6e: {  	_ =	swait.ge [sflag:s0], $0x4000  }
0x6f: {  	[sflag:s0] =	ssyncset.done $0x0  }
0x70: {  	s18 =	simm.s32 $0xC80;
	[sflag:s0] =	ssyncadd.s32 $0xFFFFC000  }
0x71: {  	[spmem:s4] =	stream.indirect.scatter.add.f32 [tilespmem:s28], [sflag:$0x6], $0x80, s18, s26, $0xb8;
	[tilespmem:$0x1F000] =	vst v63  }
0x72: {  	_ =	swait.ge [sflag:s30], $0x4000  }
0x73: {  	[sflag:s30] =	ssyncset.done $0x0  }
0x74: {  	s31 =	simm.s32 $0x180;
	[sflag:s30] =	ssyncadd.s32 $0xFFFFC000  }
0x75: {  	[tilespmem:s28], [sflag:$0x2] =	stream.indirect.gather [hbm4b:s1+s26], $0x80, s31, s26, $0xb8;
	[tilespmem:$0x1F000] =	vst v63  }
0x76: {  	_ =	swait.ge [sflag:s29], $0x4000  }
0x77: {  	[sflag:s29] =	ssyncset.done $0x0  }
0x78: {  	s18 =	simm.s32 $0xD00;
	[sflag:s29] =	ssyncadd.s32 $0xFFFFC000  }
0x79: {  	[spmem:s4] =	stream.indirect.scatter.add.f32 [tilespmem:s21], [sflag:$0x6], $0x80, s18, s26, $0xb8;
	[tilespmem:$0x1F000] =	vst v63  }
0x7a: {  	_ =	swait.ge [sflag:s30], $0x4000  }
0x7b: {  	[sflag:s30] =	ssyncset.done $0x0  }
0x7c: {  	s31 =	simm.s32 $0x200;
	[sflag:s30] =	ssyncadd.s32 $0xFFFFC000  }
0x7d: {  	[tilespmem:s21], [sflag:$0x1] =	stream.indirect.gather [hbm4b:s1+s26], $0x80, s31, s26, $0xb8;
	[tilespmem:$0x1F000] =	vst v63  }
0x7e: {  	_ =	swait.ge [sflag:s0], $0x4000  }
0x7f: {  	[sflag:s0] =	ssyncset.done $0x0  }
0x80: {  	s18 =	simm.s32 $0xD80;
	[sflag:s0] =	ssyncadd.s32 $0xFFFFC000  }
0x81: {  	[spmem:s4] =	stream.indirect.scatter.add.f32 [tilespmem:s28], [sflag:$0x6], $0x80, s18, s26, $0xb8;
	[tilespmem:$0x1F000] =	vst v63  }
0x82: {  	_ =	swait.ge [sflag:s30], $0x4000  }
0x83: {  	[sflag:s30] =	ssyncset.done $0x0  }
0x84: {  	s31 =	simm.s32 $0x280;
	[sflag:s30] =	ssyncadd.s32 $0xFFFFC000  }
0x85: {  	[tilespmem:s28], [sflag:$0x2] =	stream.indirect.gather [hbm4b:s1+s26], $0x80, s31, s26, $0xb8;
	[tilespmem:$0x1F000] =	vst v63  }
0x86: {  	_ =	swait.ge [sflag:s29], $0x4000  }
0x87: {  	[sflag:s29] =	ssyncset.done $0x0  }
0x88: {  	s18 =	simm.s32 $0xE00;
	[sflag:s29] =	ssyncadd.s32 $0xFFFFC000  }
0x89: {  	[spmem:s4] =	stream.indirect.scatter.add.f32 [tilespmem:s21], [sflag:$0x6], $0x80, s18, s26, $0xb8;
	[tilespmem:$0x1F000] =	vst v63  }
0x8a: {  	_ =	swait.ge [sflag:s30], $0x4000  }
0x8b: {  	[sflag:s30] =	ssyncset.done $0x0  }
0x8c: {  	s31 =	simm.s32 $0x300;
	[sflag:s30] =	ssyncadd.s32 $0xFFFFC000  }
0x8d: {  	[tilespmem:s21], [sflag:$0x1] =	stream.indirect.gather [hbm4b:s1+s26], $0x80, s31, s26, $0xb8;
	[tilespmem:$0x1F000] =	vst v63  }
0x8e: {  	_ =	swait.ge [sflag:s0], $0x4000  }
0x8f: {  	[sflag:s0] =	ssyncset.done $0x0  }
0x90: {  	s18 =	simm.s32 $0xE80;
	[sflag:s0] =	ssyncadd.s32 $0xFFFFC000  }
0x91: {  	[spmem:s4] =	stream.indirect.scatter.add.f32 [tilespmem:s28], [sflag:$0x6], $0x80, s18, s26, $0xb8;
	[tilespmem:$0x1F000] =	vst v63  }
0x92: {  	_ =	swait.ge [sflag:s30], $0x4000  }
0x93: {  	[sflag:s30] =	ssyncset.done $0x0  }
0x94: {  	s31 =	simm.s32 $0x380;
	[sflag:s30] =	ssyncadd.s32 $0xFFFFC000  }
0x95: {  	[tilespmem:s28], [sflag:$0x2] =	stream.indirect.gather [hbm4b:s1+s26], $0x80, s31, s26, $0xb8;
	[tilespmem:$0x1F000] =	vst v63  }
0x96: {  	_ =	swait.ge [sflag:s29], $0x4000  }
0x97: {  	[sflag:s29] =	ssyncset.done $0x0  }
0x98: {  	s18 =	simm.s32 $0xF00;
	[sflag:s29] =	ssyncadd.s32 $0xFFFFC000  }
0x99: {  	[spmem:s4] =	stream.indirect.scatter.add.f32 [tilespmem:s21], [sflag:$0x6], $0x80, s18, s26, $0xb8;
	[tilespmem:$0x1F000] =	vst v63  }
0x9a: {  	_ =	swait.ge [sflag:s30], $0x4000  }
0x9b: {  	[sflag:s30] =	ssyncset.done $0x0  }
0x9c: {  	s31 =	simm.s32 $0x400;
	[sflag:s30] =	ssyncadd.s32 $0xFFFFC000  }
0x9d: {  	[tilespmem:s21], [sflag:$0x1] =	stream.indirect.gather [hbm4b:s1+s26], $0x80, s31, s26, $0xb8;
	[tilespmem:$0x1F000] =	vst v63  }
0x9e: {  	_ =	swait.ge [sflag:s0], $0x4000  }
0x9f: {  	[sflag:s0] =	ssyncset.done $0x0  }
0xa0: {  	s18 =	simm.s32 $0xF80;
	[sflag:s0] =	ssyncadd.s32 $0xFFFFC000  }
0xa1: {  	[spmem:s4] =	stream.indirect.scatter.add.f32 [tilespmem:s28], [sflag:$0x6], $0x80, s18, s26, $0xb8;
	[tilespmem:$0x1F000] =	vst v63  }
0xa2: {  	_ =	swait.ge [sflag:s30], $0x4000  }
0xa3: {  	[sflag:s30] =	ssyncset.done $0x0  }
0xa4: {  	s31 =	simm.s32 $0x480;
	[sflag:s30] =	ssyncadd.s32 $0xFFFFC000  }
0xa5: {  	[tilespmem:s28], [sflag:$0x2] =	stream.indirect.gather [hbm4b:s1+s26], $0x80, s31, s26, $0xb8;
	[tilespmem:$0x1F000] =	vst v63  }
0xa6: {  	_ =	swait.ge [sflag:s29], $0x4000  }
0xa7: {  	[sflag:s29] =	ssyncset.done $0x0  }
0xa8: {  	s18 =	simm.s32 $0x1000;
	[sflag:s29] =	ssyncadd.s32 $0xFFFFC000  }
0xa9: {  	[spmem:s4] =	stream.indirect.scatter.add.f32 [tilespmem:s21], [sflag:$0x6], $0x80, s18, s26, $0xb8;
	[tilespmem:$0x1F000] =	vst v63  }
0xaa: {  	_ =	swait.ge [sflag:s30], $0x4000  }
0xab: {  	[sflag:s30] =	ssyncset.done $0x0  }
0xac: {  	s31 =	simm.s32 $0x500;
	[sflag:s30] =	ssyncadd.s32 $0xFFFFC000  }
0xad: {  	[tilespmem:s21], [sflag:$0x1] =	stream.indirect.gather [hbm4b:s1+s26], $0x80, s31, s26, $0xb8;
	[tilespmem:$0x1F000] =	vst v63  }
0xae: {  	_ =	swait.ge [sflag:s0], $0x4000  }
0xaf: {  	[sflag:s0] =	ssyncset.done $0x0  }
0xb0: {  	s18 =	simm.s32 $0x1080;
	[sflag:s0] =	ssyncadd.s32 $0xFFFFC000  }
0xb1: {  	[spmem:s4] =	stream.indirect.scatter.add.f32 [tilespmem:s28], [sflag:$0x6], $0x80, s18, s26, $0xb8;
	[tilespmem:$0x1F000] =	vst v63  }
0xb2: {  	_ =	swait.ge [sflag:s30], $0x4000  }
0xb3: {  	[sflag:s30] =	ssyncset.done $0x0  }
0xb4: {  	s31 =	simm.s32 $0x580;
	[sflag:s30] =	ssyncadd.s32 $0xFFFFC000  }
0xb5: {  	[tilespmem:s28], [sflag:$0x2] =	stream.indirect.gather [hbm4b:s1+s26], $0x80, s31, s26, $0xb8;
	[tilespmem:$0x1F000] =	vst v63  }
0xb6: {  	_ =	swait.ge [sflag:s29], $0x4000  }
0xb7: {  	[sflag:s29] =	ssyncset.done $0x0  }
0xb8: {  	s18 =	simm.s32 $0x1100;
	[sflag:s29] =	ssyncadd.s32 $0xFFFFC000  }
0xb9: {  	[spmem:s4] =	stream.indirect.scatter.add.f32 [tilespmem:s21], [sflag:$0x6], $0x80, s18, s26, $0xb8;
	[tilespmem:$0x1F000] =	vst v63  }
0xba: {  	_ =	swait.ge [sflag:s30], $0x4000  }
0xbb: {  	[sflag:s30] =	ssyncset.done $0x0  }
0xbc: {  	s31 =	simm.s32 $0x600;
	[sflag:s30] =	ssyncadd.s32 $0xFFFFC000  }
0xbd: {  	[tilespmem:s21], [sflag:$0x1] =	stream.indirect.gather [hbm4b:s1+s26], $0x80, s31, s26, $0xb8;
	[tilespmem:$0x1F000] =	vst v63  }
0xbe: {  	_ =	swait.ge [sflag:s0], $0x4000  }
0xbf: {  	[sflag:s0] =	ssyncset.done $0x0  }
0xc0: {  	s18 =	simm.s32 $0x1180;
	[sflag:s0] =	ssyncadd.s32 $0xFFFFC000  }
0xc1: {  	[spmem:s4] =	stream.indirect.scatter.add.f32 [tilespmem:s28], [sflag:$0x6], $0x80, s18, s26, $0xb8;
	[tilespmem:$0x1F000] =	vst v63  }
0xc2: {  	_ =	swait.ge [sflag:s30], $0x4000  }
0xc3: {  	[sflag:s30] =	ssyncset.done $0x0  }
0xc4: {  	s31 =	simm.s32 $0x680;
	[sflag:s30] =	ssyncadd.s32 $0xFFFFC000  }
0xc5: {  	[tilespmem:s28], [sflag:$0x2] =	stream.indirect.gather [hbm4b:s1+s26], $0x80, s31, s26, $0xb8;
	[tilespmem:$0x1F000] =	vst v63  }
0xc6: {  	_ =	swait.ge [sflag:s29], $0x4000  }
0xc7: {  	[sflag:s29] =	ssyncset.done $0x0  }
0xc8: {  	s18 =	simm.s32 $0x1200;
	[sflag:s29] =	ssyncadd.s32 $0xFFFFC000  }
0xc9: {  	[spmem:s4] =	stream.indirect.scatter.add.f32 [tilespmem:s21], [sflag:$0x6], $0x80, s18, s26, $0xb8;
	[tilespmem:$0x1F000] =	vst v63  }
0xca: {  	_ =	swait.ge [sflag:s30], $0x4000  }
0xcb: {  	[sflag:s30] =	ssyncset.done $0x0  }
0xcc: {  	s31 =	simm.s32 $0x700;
	[sflag:s30] =	ssyncadd.s32 $0xFFFFC000  }
0xcd: {  	[tilespmem:s21], [sflag:$0x1] =	stream.indirect.gather [hbm4b:s1+s26], $0x80, s31, s26, $0xb8;
	[tilespmem:$0x1F000] =	vst v63  }
0xce: {  	_ =	swait.ge [sflag:s0], $0x4000  }
0xcf: {  	[sflag:s0] =	ssyncset.done $0x0  }
0xd0: {  	s18 =	simm.s32 $0x1280;
	[sflag:s0] =	ssyncadd.s32 $0xFFFFC000  }
0xd1: {  	[spmem:s4] =	stream.indirect.scatter.add.f32 [tilespmem:s28], [sflag:$0x6], $0x80, s18, s26, $0xb8;
	[tilespmem:$0x1F000] =	vst v63  }
0xd2: {  	_ =	swait.ge [sflag:s30], $0x4000  }
0xd3: {  	[sflag:s30] =	ssyncset.done $0x0  }
0xd4: {  	s31 =	simm.s32 $0x780;
	[sflag:s30] =	ssyncadd.s32 $0xFFFFC000  }
0xd5: {  	[tilespmem:s28], [sflag:$0x2] =	stream.indirect.gather [hbm4b:s1+s26], $0x80, s31, s26, $0xb8;
	[tilespmem:$0x1F000] =	vst v63  }
0xd6: {  	_ =	swait.ge [sflag:s29], $0x4000  }
0xd7: {  	[sflag:s29] =	ssyncset.done $0x0  }
0xd8: {  	s18 =	simm.s32 $0x1300;
	[sflag:s29] =	ssyncadd.s32 $0xFFFFC000  }
0xd9: {  	[spmem:s4] =	stream.indirect.scatter.add.f32 [tilespmem:s21], [sflag:$0x6], $0x80, s18, s26, $0xb8;
	[tilespmem:$0x1F000] =	vst v63  }
0xda: {  	_ =	swait.ge [sflag:s30], $0x4000  }
0xdb: {  	[sflag:s30] =	ssyncset.done $0x0  }
0xdc: {  	s31 =	simm.s32 $0x800;
	[sflag:s30] =	ssyncadd.s32 $0xFFFFC000  }
0xdd: {  	[tilespmem:s21], [sflag:$0x1] =	stream.indirect.gather [hbm4b:s1+s26], $0x80, s31, s26, $0xb8;
	[tilespmem:$0x1F000] =	vst v63  }
0xde: {  	_ =	swait.ge [sflag:s0], $0x4000  }
0xdf: {  	[sflag:s0] =	ssyncset.done $0x0  }
0xe0: {  	s18 =	simm.s32 $0x1380;
	[sflag:s0] =	ssyncadd.s32 $0xFFFFC000  }
0xe1: {  	[spmem:s4] =	stream.indirect.scatter.add.f32 [tilespmem:s28], [sflag:$0x6], $0x80, s18, s26, $0xb8;
	[tilespmem:$0x1F000] =	vst v63  }
0xe2: {  	_ =	swait.ge [sflag:s30], $0x4000  }
0xe3: {  	[sflag:s30] =	ssyncset.done $0x0  }
0xe4: {  	s31 =	simm.s32 $0x880;
	[sflag:s30] =	ssyncadd.s32 $0xFFFFC000  }
0xe5: {  	[tilespmem:s28], [sflag:$0x2] =	stream.indirect.gather [hbm4b:s1+s26], $0x80, s31, s26, $0xb8;
	[tilespmem:$0x1F000] =	vst v63  }
0xe6: {  	_ =	swait.ge [sflag:s29], $0x4000  }
0xe7: {  	[sflag:s29] =	ssyncset.done $0x0  }
0xe8: {  	s18 =	simm.s32 $0x1400;
	[sflag:s29] =	ssyncadd.s32 $0xFFFFC000  }
0xe9: {  	[spmem:s4] =	stream.indirect.scatter.add.f32 [tilespmem:s21], [sflag:$0x6], $0x80, s18, s26, $0xb8;
	[tilespmem:$0x1F000] =	vst v63  }
0xea: {  	_ =	swait.ge [sflag:s30], $0x4000  }
0xeb: {  	[sflag:s30] =	ssyncset.done $0x0  }
0xec: {  	s31 =	simm.s32 $0x900;
	[sflag:s30] =	ssyncadd.s32 $0xFFFFC000  }
0xed: {  	[tilespmem:s21], [sflag:$0x1] =	stream.indirect.gather [hbm4b:s1+s26], $0x80, s31, s26, $0xb8;
	[tilespmem:$0x1F000] =	vst v63  }
0xee: {  	_ =	swait.ge [sflag:s0], $0x4000  }
0xef: {  	[sflag:s0] =	ssyncset.done $0x0  }
0xf0: {  	s18 =	simm.s32 $0x1480;
	[sflag:s0] =	ssyncadd.s32 $0xFFFFC000  }
0xf1: {  	[spmem:s4] =	stream.indirect.scatter.add.f32 [tilespmem:s28], [sflag:$0x6], $0x80, s18, s26, $0xb8;
	[tilespmem:$0x1F000] =	vst v63  }
0xf2: {  	_ =	swait.ge [sflag:s30], $0x4000  }
0xf3: {  	[sflag:s30] =	ssyncset.done $0x0  }
0xf4: {  	s31 =	simm.s32 $0x980;
	[sflag:s30] =	ssyncadd.s32 $0xFFFFC000  }
0xf5: {  	[tilespmem:s28], [sflag:$0x2] =	stream.indirect.gather [hbm4b:s1+s26], $0x80, s31, s26, $0xb8;
	[tilespmem:$0x1F000] =	vst v63  }
0xf6: {  	_ =	swait.ge [sflag:s29], $0x4000  }
0xf7: {  	[sflag:s29] =	ssyncset.done $0x0  }
0xf8: {  	s18 =	simm.s32 $0x1500;
	[sflag:s29] =	ssyncadd.s32 $0xFFFFC000  }
0xf9: {  	[spmem:s4] =	stream.indirect.scatter.add.f32 [tilespmem:s21], [sflag:$0x6], $0x80, s18, s26, $0xb8;
	[tilespmem:$0x1F000] =	vst v63  }
0xfa: {  	_ =	swait.ge [sflag:s30], $0x4000  }
0xfb: {  	[sflag:s30] =	ssyncset.done $0x0  }
0xfc: {  	[sflag:s30] =	ssyncadd.s32 $0xFFFFC000  }
0xfd: {  	_ =	swait.ge [sflag:s0], $0x4000  }
0xfe: {  	[sflag:s0] =	ssyncset.done $0x0  }
0xff: {  	s31 =	simm.s32 $0x1580;
	[sflag:s0] =	ssyncadd.s32 $0xFFFFC000  }
0x100: {  	[spmem:s4] =	stream.indirect.scatter.add.f32 [tilespmem:s28], [sflag:$0x6], $0x80, s31, s26, $0xb8;
	[tilespmem:$0x1F000] =	vst v63  }
0x101: {  	_ =	swait.ge [sflag:s30], $0x4000  }
0x102: {  	[sflag:s30] =	ssyncset.done $0x0  }
0x103: {  	[sflag:s30] =	ssyncadd.s32 $0xFFFFC000  }
.LBB2_6:
0x104: {  	s9 =	simm.s32 @p0 $0x0  }
0x105: {  	[tilespmem:s9], [sflag:$0x3] =	stream.linear.gather @p0 [hbm4b:s15+s9], $0xA00, $0x38;
	[tilespmem:$0x1F000] =	vst v63  }
0x106: {  	s18 =	simm.s32 @p0 $0xC00  }
0x107: {  	[tilespmem:s18], [sflag:$0x3] =	stream.linear.gather @p0 [hbm4b:s16+s9], $0xA00, $0x38;
	[tilespmem:$0x1F000] =	vst v63  }
0x108: {  	p1 =	sgt.u32 s20, $0x7C;
	_ =	swait.ge [sflag:s8], $0xA00  }
.Ltmp6:
0x109: {  	[sflag:s8] =	ssyncset.done $0x0;
	(pc) =	sbr.rel @p1 .LBB2_8-.Ltmp6, $4  }
0x10a: {  	[sflag:s8] =	ssyncadd.s32 $0xFFFFF600  }
0x10b: {  	_ =	swait.ge [sflag:s8], $0xA00  }
0x10c: {  	[sflag:s8] =	ssyncset.done $0x0  }
0x10d: {  	[sflag:s8] =	ssyncadd.s32 $0xFFFFF600  }
0x10e: {  	[tilespmem:s21], [sflag:$0x1] =	stream.indirect.gather [hbm4b:s1+s26], $0x80, s23, s26, $0xb8;
	[tilespmem:$0x1F000] =	vst v63  }
0x10f: {  	s9 =	simm.s32 $0x1880  }
0x110: {  	[tilespmem:s28], [sflag:$0x2] =	stream.indirect.gather [hbm4b:s1+s26], $0x80, s9, s26, $0xb8;
	[tilespmem:$0x1F000] =	vst v63  }
0x111: {  	_ =	swait.ge [sflag:s29], $0x4000  }
0x112: {  	[sflag:s29] =	ssyncset.done $0x0  }
0x113: {  	[sflag:s29] =	ssyncadd.s32 $0xFFFFC000  }
0x114: {  	[spmem:s4] =	stream.indirect.scatter.add.f32 [tilespmem:s21], [sflag:$0x6], $0x80, s24, s26, $0xb8;
	[tilespmem:$0x1F000] =	vst v63  }
0x115: {  	_ =	swait.ge [sflag:s30], $0x4000  }
0x116: {  	[sflag:s30] =	ssyncset.done $0x0  }
0x117: {  	s18 =	simm.s32 $0x1900;
	[sflag:s30] =	ssyncadd.s32 $0xFFFFC000  }
0x118: {  	[tilespmem:s21], [sflag:$0x1] =	stream.indirect.gather [hbm4b:s1+s26], $0x80, s18, s26, $0xb8;
	[tilespmem:$0x1F000] =	vst v63  }
0x119: {  	_ =	swait.ge [sflag:s0], $0x4000  }
0x11a: {  	[sflag:s0] =	ssyncset.done $0x0  }
0x11b: {  	s20 =	simm.s32 $0x2480;
	[sflag:s0] =	ssyncadd.s32 $0xFFFFC000  }
0x11c: {  	[spmem:s4] =	stream.indirect.scatter.add.f32 [tilespmem:s28], [sflag:$0x6], $0x80, s20, s26, $0xb8;
	[tilespmem:$0x1F000] =	vst v63  }
0x11d: {  	_ =	swait.ge [sflag:s30], $0x4000  }
0x11e: {  	[sflag:s30] =	ssyncset.done $0x0  }
0x11f: {  	s31 =	simm.s32 $0x1980;
	[sflag:s30] =	ssyncadd.s32 $0xFFFFC000  }
0x120: {  	[tilespmem:s28], [sflag:$0x2] =	stream.indirect.gather [hbm4b:s1+s26], $0x80, s31, s26, $0xb8;
	[tilespmem:$0x1F000] =	vst v63  }
0x121: {  	_ =	swait.ge [sflag:s29], $0x4000  }
0x122: {  	[sflag:s29] =	ssyncset.done $0x0  }
0x123: {  	s18 =	simm.s32 $0x2500;
	[sflag:s29] =	ssyncadd.s32 $0xFFFFC000  }
0x124: {  	[spmem:s4] =	stream.indirect.scatter.add.f32 [tilespmem:s21], [sflag:$0x6], $0x80, s18, s26, $0xb8;
	[tilespmem:$0x1F000] =	vst v63  }
0x125: {  	_ =	swait.ge [sflag:s30], $0x4000  }
0x126: {  	[sflag:s30] =	ssyncset.done $0x0  }
0x127: {  	s20 =	simm.s32 $0x1A00;
	[sflag:s30] =	ssyncadd.s32 $0xFFFFC000  }
0x128: {  	[tilespmem:s21], [sflag:$0x1] =	stream.indirect.gather [hbm4b:s1+s26], $0x80, s20, s26, $0xb8;
	[tilespmem:$0x1F000] =	vst v63  }
0x129: {  	_ =	swait.ge [sflag:s0], $0x4000  }
0x12a: {  	[sflag:s0] =	ssyncset.done $0x0  }
0x12b: {  	s31 =	simm.s32 $0x2580;
	[sflag:s0] =	ssyncadd.s32 $0xFFFFC000  }
0x12c: {  	[spmem:s4] =	stream.indirect.scatter.add.f32 [tilespmem:s28], [sflag:$0x6], $0x80, s31, s26, $0xb8;
	[tilespmem:$0x1F000] =	vst v63  }
0x12d: {  	_ =	swait.ge [sflag:s30], $0x4000  }
0x12e: {  	[sflag:s30] =	ssyncset.done $0x0  }
0x12f: {  	s18 =	simm.s32 $0x1A80;
	[sflag:s30] =	ssyncadd.s32 $0xFFFFC000  }
0x130: {  	[tilespmem:s28], [sflag:$0x2] =	stream.indirect.gather [hbm4b:s1+s26], $0x80, s18, s26, $0xb8;
	[tilespmem:$0x1F000] =	vst v63  }
0x131: {  	_ =	swait.ge [sflag:s29], $0x4000  }
0x132: {  	[sflag:s29] =	ssyncset.done $0x0  }
0x133: {  	s20 =	simm.s32 $0x2600;
	[sflag:s29] =	ssyncadd.s32 $0xFFFFC000  }
0x134: {  	[spmem:s4] =	stream.indirect.scatter.add.f32 [tilespmem:s21], [sflag:$0x6], $0x80, s20, s26, $0xb8;
	[tilespmem:$0x1F000] =	vst v63  }
0x135: {  	_ =	swait.ge [sflag:s30], $0x4000  }
0x136: {  	[sflag:s30] =	ssyncset.done $0x0  }
0x137: {  	s31 =	simm.s32 $0x1B00;
	[sflag:s30] =	ssyncadd.s32 $0xFFFFC000  }
0x138: {  	[tilespmem:s21], [sflag:$0x1] =	stream.indirect.gather [hbm4b:s1+s26], $0x80, s31, s26, $0xb8;
	[tilespmem:$0x1F000] =	vst v63  }
0x139: {  	_ =	swait.ge [sflag:s0], $0x4000  }
0x13a: {  	[sflag:s0] =	ssyncset.done $0x0  }
0x13b: {  	s18 =	simm.s32 $0x2680;
	[sflag:s0] =	ssyncadd.s32 $0xFFFFC000  }
0x13c: {  	[spmem:s4] =	stream.indirect.scatter.add.f32 [tilespmem:s28], [sflag:$0x6], $0x80, s18, s26, $0xb8;
	[tilespmem:$0x1F000] =	vst v63  }
0x13d: {  	_ =	swait.ge [sflag:s30], $0x4000  }
0x13e: {  	[sflag:s30] =	ssyncset.done $0x0  }
0x13f: {  	s20 =	simm.s32 $0x1B80;
	[sflag:s30] =	ssyncadd.s32 $0xFFFFC000  }
0x140: {  	[tilespmem:s28], [sflag:$0x2] =	stream.indirect.gather [hbm4b:s1+s26], $0x80, s20, s26, $0xb8;
	[tilespmem:$0x1F000] =	vst v63  }
0x141: {  	_ =	swait.ge [sflag:s29], $0x4000  }
0x142: {  	[sflag:s29] =	ssyncset.done $0x0  }
0x143: {  	s31 =	simm.s32 $0x2700;
	[sflag:s29] =	ssyncadd.s32 $0xFFFFC000  }
0x144: {  	[spmem:s4] =	stream.indirect.scatter.add.f32 [tilespmem:s21], [sflag:$0x6], $0x80, s31, s26, $0xb8;
	[tilespmem:$0x1F000] =	vst v63  }
0x145: {  	_ =	swait.ge [sflag:s30], $0x4000  }
0x146: {  	[sflag:s30] =	ssyncset.done $0x0  }
0x147: {  	s18 =	simm.s32 $0x1C00;
	[sflag:s30] =	ssyncadd.s32 $0xFFFFC000  }
0x148: {  	[tilespmem:s21], [sflag:$0x1] =	stream.indirect.gather [hbm4b:s1+s26], $0x80, s18, s26, $0xb8;
	[tilespmem:$0x1F000] =	vst v63  }
0x149: {  	_ =	swait.ge [sflag:s0], $0x4000  }
0x14a: {  	[sflag:s0] =	ssyncset.done $0x0  }
0x14b: {  	s20 =	simm.s32 $0x2780;
	[sflag:s0] =	ssyncadd.s32 $0xFFFFC000  }
0x14c: {  	[spmem:s4] =	stream.indirect.scatter.add.f32 [tilespmem:s28], [sflag:$0x6], $0x80, s20, s26, $0xb8;
	[tilespmem:$0x1F000] =	vst v63  }
0x14d: {  	_ =	swait.ge [sflag:s30], $0x4000  }
0x14e: {  	[sflag:s30] =	ssyncset.done $0x0  }
0x14f: {  	s31 =	simm.s32 $0x1C80;
	[sflag:s30] =	ssyncadd.s32 $0xFFFFC000  }
0x150: {  	[tilespmem:s28], [sflag:$0x2] =	stream.indirect.gather [hbm4b:s1+s26], $0x80, s31, s26, $0xb8;
	[tilespmem:$0x1F000] =	vst v63  }
0x151: {  	_ =	swait.ge [sflag:s29], $0x4000  }
0x152: {  	[sflag:s29] =	ssyncset.done $0x0  }
0x153: {  	s18 =	simm.s32 $0x2800;
	[sflag:s29] =	ssyncadd.s32 $0xFFFFC000  }
0x154: {  	[spmem:s4] =	stream.indirect.scatter.add.f32 [tilespmem:s21], [sflag:$0x6], $0x80, s18, s26, $0xb8;
	[tilespmem:$0x1F000] =	vst v63  }
0x155: {  	_ =	swait.ge [sflag:s30], $0x4000  }
0x156: {  	[sflag:s30] =	ssyncset.done $0x0  }
0x157: {  	s20 =	simm.s32 $0x1D00;
	[sflag:s30] =	ssyncadd.s32 $0xFFFFC000  }
0x158: {  	[tilespmem:s21], [sflag:$0x1] =	stream.indirect.gather [hbm4b:s1+s26], $0x80, s20, s26, $0xb8;
	[tilespmem:$0x1F000] =	vst v63  }
0x159: {  	_ =	swait.ge [sflag:s0], $0x4000  }
0x15a: {  	[sflag:s0] =	ssyncset.done $0x0  }
0x15b: {  	s31 =	simm.s32 $0x2880;
	[sflag:s0] =	ssyncadd.s32 $0xFFFFC000  }
0x15c: {  	[spmem:s4] =	stream.indirect.scatter.add.f32 [tilespmem:s28], [sflag:$0x6], $0x80, s31, s26, $0xb8;
	[tilespmem:$0x1F000] =	vst v63  }
0x15d: {  	_ =	swait.ge [sflag:s30], $0x4000  }
0x15e: {  	[sflag:s30] =	ssyncset.done $0x0  }
0x15f: {  	s18 =	simm.s32 $0x1D80;
	[sflag:s30] =	ssyncadd.s32 $0xFFFFC000  }
0x160: {  	[tilespmem:s28], [sflag:$0x2] =	stream.indirect.gather [hbm4b:s1+s26], $0x80, s18, s26, $0xb8;
	[tilespmem:$0x1F000] =	vst v63  }
0x161: {  	_ =	swait.ge [sflag:s29], $0x4000  }
0x162: {  	[sflag:s29] =	ssyncset.done $0x0  }
0x163: {  	s20 =	simm.s32 $0x2900;
	[sflag:s29] =	ssyncadd.s32 $0xFFFFC000  }
0x164: {  	[spmem:s4] =	stream.indirect.scatter.add.f32 [tilespmem:s21], [sflag:$0x6], $0x80, s20, s26, $0xb8;
	[tilespmem:$0x1F000] =	vst v63  }
0x165: {  	_ =	swait.ge [sflag:s30], $0x4000  }
0x166: {  	[sflag:s30] =	ssyncset.done $0x0  }
0x167: {  	s31 =	simm.s32 $0x1E00;
	[sflag:s30] =	ssyncadd.s32 $0xFFFFC000  }
0x168: {  	[tilespmem:s21], [sflag:$0x1] =	stream.indirect.gather [hbm4b:s1+s26], $0x80, s31, s26, $0xb8;
	[tilespmem:$0x1F000] =	vst v63  }
0x169: {  	_ =	swait.ge [sflag:s0], $0x4000  }
0x16a: {  	[sflag:s0] =	ssyncset.done $0x0  }
0x16b: {  	s18 =	simm.s32 $0x2980;
	[sflag:s0] =	ssyncadd.s32 $0xFFFFC000  }
0x16c: {  	[spmem:s4] =	stream.indirect.scatter.add.f32 [tilespmem:s28], [sflag:$0x6], $0x80, s18, s26, $0xb8;
	[tilespmem:$0x1F000] =	vst v63  }
0x16d: {  	_ =	swait.ge [sflag:s30], $0x4000  }
0x16e: {  	[sflag:s30] =	ssyncset.done $0x0  }
0x16f: {  	s20 =	simm.s32 $0x1E80;
	[sflag:s30] =	ssyncadd.s32 $0xFFFFC000  }
0x170: {  	[tilespmem:s28], [sflag:$0x2] =	stream.indirect.gather [hbm4b:s1+s26], $0x80, s20, s26, $0xb8;
	[tilespmem:$0x1F000] =	vst v63  }
0x171: {  	_ =	swait.ge [sflag:s29], $0x4000  }
0x172: {  	[sflag:s29] =	ssyncset.done $0x0  }
0x173: {  	s31 =	simm.s32 $0x2A00;
	[sflag:s29] =	ssyncadd.s32 $0xFFFFC000  }
0x174: {  	[spmem:s4] =	stream.indirect.scatter.add.f32 [tilespmem:s21], [sflag:$0x6], $0x80, s31, s26, $0xb8;
	[tilespmem:$0x1F000] =	vst v63  }
0x175: {  	_ =	swait.ge [sflag:s30], $0x4000  }
0x176: {  	[sflag:s30] =	ssyncset.done $0x0  }
0x177: {  	s18 =	simm.s32 $0x1F00;
	[sflag:s30] =	ssyncadd.s32 $0xFFFFC000  }
0x178: {  	[tilespmem:s21], [sflag:$0x1] =	stream.indirect.gather [hbm4b:s1+s26], $0x80, s18, s26, $0xb8;
	[tilespmem:$0x1F000] =	vst v63  }
0x179: {  	_ =	swait.ge [sflag:s0], $0x4000  }
0x17a: {  	[sflag:s0] =	ssyncset.done $0x0  }
0x17b: {  	s20 =	simm.s32 $0x2A80;
	[sflag:s0] =	ssyncadd.s32 $0xFFFFC000  }
0x17c: {  	[spmem:s4] =	stream.indirect.scatter.add.f32 [tilespmem:s28], [sflag:$0x6], $0x80, s20, s26, $0xb8;
	[tilespmem:$0x1F000] =	vst v63  }
0x17d: {  	_ =	swait.ge [sflag:s30], $0x4000  }
0x17e: {  	[sflag:s30] =	ssyncset.done $0x0  }
0x17f: {  	s31 =	simm.s32 $0x1F80;
	[sflag:s30] =	ssyncadd.s32 $0xFFFFC000  }
0x180: {  	[tilespmem:s28], [sflag:$0x2] =	stream.indirect.gather [hbm4b:s1+s26], $0x80, s31, s26, $0xb8;
	[tilespmem:$0x1F000] =	vst v63  }
0x181: {  	_ =	swait.ge [sflag:s29], $0x4000  }
0x182: {  	[sflag:s29] =	ssyncset.done $0x0  }
0x183: {  	s18 =	simm.s32 $0x2B00;
	[sflag:s29] =	ssyncadd.s32 $0xFFFFC000  }
0x184: {  	[spmem:s4] =	stream.indirect.scatter.add.f32 [tilespmem:s21], [sflag:$0x6], $0x80, s18, s26, $0xb8;
	[tilespmem:$0x1F000] =	vst v63  }
0x185: {  	_ =	swait.ge [sflag:s30], $0x4000  }
0x186: {  	[sflag:s30] =	ssyncset.done $0x0  }
0x187: {  	s20 =	simm.s32 $0x2000;
	[sflag:s30] =	ssyncadd.s32 $0xFFFFC000  }
0x188: {  	[tilespmem:s21], [sflag:$0x1] =	stream.indirect.gather [hbm4b:s1+s26], $0x80, s20, s26, $0xb8;
	[tilespmem:$0x1F000] =	vst v63  }
0x189: {  	_ =	swait.ge [sflag:s0], $0x4000  }
0x18a: {  	[sflag:s0] =	ssyncset.done $0x0  }
0x18b: {  	s31 =	simm.s32 $0x2B80;
	[sflag:s0] =	ssyncadd.s32 $0xFFFFC000  }
0x18c: {  	[spmem:s4] =	stream.indirect.scatter.add.f32 [tilespmem:s28], [sflag:$0x6], $0x80, s31, s26, $0xb8;
	[tilespmem:$0x1F000] =	vst v63  }
0x18d: {  	_ =	swait.ge [sflag:s30], $0x4000  }
0x18e: {  	[sflag:s30] =	ssyncset.done $0x0  }
0x18f: {  	[sflag:s30] =	ssyncadd.s32 $0xFFFFC000  }
0x190: {  	[tilespmem:s28], [sflag:$0x2] =	stream.indirect.gather [hbm4b:s1+s26], $0x80, s3, s26, $0xb8;
	[tilespmem:$0x1F000] =	vst v63  }
0x191: {  	_ =	swait.ge [sflag:s29], $0x4000  }
0x192: {  	[sflag:s29] =	ssyncset.done $0x0  }
0x193: {  	[sflag:s29] =	ssyncadd.s32 $0xFFFFC000  }
0x194: {  	[spmem:s4] =	stream.indirect.scatter.add.f32 [tilespmem:s21], [sflag:$0x6], $0x80, s7, s26, $0xb8;
	[tilespmem:$0x1F000] =	vst v63  }
0x195: {  	_ =	swait.ge [sflag:s30], $0x4000  }
0x196: {  	[sflag:s30] =	ssyncset.done $0x0  }
0x197: {  	[sflag:s30] =	ssyncadd.s32 $0xFFFFC000  }
0x198: {  	[tilespmem:s21], [sflag:$0x1] =	stream.indirect.gather [hbm4b:s1+s26], $0x80, s10, s26, $0xb8;
	[tilespmem:$0x1F000] =	vst v63  }
0x199: {  	_ =	swait.ge [sflag:s0], $0x4000  }
0x19a: {  	[sflag:s0] =	ssyncset.done $0x0  }
0x19b: {  	[sflag:s0] =	ssyncadd.s32 $0xFFFFC000  }
0x19c: {  	[spmem:s4] =	stream.indirect.scatter.add.f32 [tilespmem:s28], [sflag:$0x6], $0x80, s11, s26, $0xb8;
	[tilespmem:$0x1F000] =	vst v63  }
0x19d: {  	_ =	swait.ge [sflag:s30], $0x4000  }
0x19e: {  	[sflag:s30] =	ssyncset.done $0x0  }
0x19f: {  	[sflag:s30] =	ssyncadd.s32 $0xFFFFC000  }
0x1a0: {  	[tilespmem:s28], [sflag:$0x2] =	stream.indirect.gather [hbm4b:s1+s26], $0x80, s12, s26, $0xb8;
	[tilespmem:$0x1F000] =	vst v63  }
0x1a1: {  	_ =	swait.ge [sflag:s29], $0x4000  }
0x1a2: {  	[sflag:s29] =	ssyncset.done $0x0  }
0x1a3: {  	[sflag:s29] =	ssyncadd.s32 $0xFFFFC000  }
0x1a4: {  	[spmem:s4] =	stream.indirect.scatter.add.f32 [tilespmem:s21], [sflag:$0x6], $0x80, s13, s26, $0xb8;
	[tilespmem:$0x1F000] =	vst v63  }
0x1a5: {  	_ =	swait.ge [sflag:s30], $0x4000  }
0x1a6: {  	[sflag:s30] =	ssyncset.done $0x0  }
0x1a7: {  	[sflag:s30] =	ssyncadd.s32 $0xFFFFC000  }
0x1a8: {  	_ =	swait.ge [sflag:s0], $0x4000  }
0x1a9: {  	[sflag:s0] =	ssyncset.done $0x0  }
.Ltmp7:
0x1aa: {  	[sflag:s0] =	ssyncadd.s32 $0xFFFFC000;
	(pc) =	sbr.rel .LBB2_8-.Ltmp7, $4  }
0x1ab: {  	[spmem:s4] =	stream.indirect.scatter.add.f32 [tilespmem:s28], [sflag:$0x5], $0x80, s17, s26, $0xb8;
	[tilespmem:$0x1F000] =	vst v63  }
0x1ac: {  	_ =	swait.ge [sflag:s22], $0x4000  }
0x1ad: {  	[sflag:s22] =	ssyncset.done $0x0  }
0x1ae: {  	[sflag:s22] =	ssyncadd.s32 $0xFFFFC000  }
.LBB2_10:
0x1af: {  	_ =	sfence.sel $0x180000  }
0x1b0: {  	[bflag:$0x0] =	sbarrier.arrive $0xFFFF  }
0x1b1: {  	_ =	strace $0x90000047  }
0x1b2: {  	s0 =	stileid.u32;
	[bflag:$0x2] =	sbarrier.arrive $0xFFFF  }
0x1b3: {  	p0 =	sne.s32 s0, $0x0;
	s0 =	rddreg [dreg:$0x4]  }
0x1b4: {  	s0 =	sadd.s32 @!p0 $0x100000, s0  }
0x1b5: {  	[sflag:s0] =	ssyncadd.tile.s32 @!p0 $0x1;
	_ =	shalt  }
.Lfunc_end2:
_tile_overlayer_lowered:
.L_overlay_start_2:
0x1b6: {  	(tag) =	ssettag $0x2  }
0x1b7: {  	s0 =	rddreg [dreg:$0x0];
	s2 =	stileid.u32  }
0x1b8: {  	s1 =	rddreg [dreg:$0x1];
	p0 =	sne.s32 s2, $0x0  }
0x1b9: {  	s3 =	rddreg [dreg:$0x2];
	[bflag:$0x3] =	sbarrier.arrive $0xFFFF;
	s2 =	simm.s32 @!p0 $0x1C05  }
0x1ba: {  	[timem:s3], [sflag:s2] =	dma.local @!p0 [hbm:s0], s1  }
0x1bb: {  	s0 =	simm.s32 @!p0 $0x5  }
0x1bc: {  	_ =	swait.ge @!p0 [sflag:s0], s1  }
0x1bd: {  	s1 =	ssub.s32 @!p0 $0x0, s1;
	[sflag:s0] =	ssyncset.done @!p0 $0x0  }
0x1be: {  	[sflag:s0] =	ssyncadd.s32 @!p0 s1  }
0x1bf: {  	[bflag:$0x3] =	sbarrier.arrive $0xFFFF  }
0x1c0: {  	_ =	shalt  }

</sc_bundles>
